<compile_context>
chip_gen: v7x
topology: tpu7x:2x2x1
jax: 0.10.2.dev20260603
libtpu: 0.0.44.dev20260713+nightly
codegen_flags: <defaults>
</compile_context>

<pallas_src>
import functools

import jax
import jax.numpy as jnp
from jax import lax
from jax.experimental import pallas as pl
from jax.experimental.pallas import tpu as pltpu
from jax.experimental.pallas import tpu_sc as plsc

VOCAB = 1000000
DIM = 64
BATCH = 16384

NC = 2
NS = 16
NW = NC * NS
TROW = 8
CW = 256
NCHUNK = (VOCAB + CW - 1) // CW
NCHUNK_W = 124
NRING = 4
NGRP = BATCH // 16
WLCAP = BATCH + 16

_mesh = plsc.VectorSubcoreMesh(core_axis_name="c", subcore_axis_name="s")


@functools.partial(
    pl.kernel,
    mesh=_mesh,
    compiler_params=pltpu.CompilerParams(
        use_tc_tiling_on_sc=True, needs_layout_passes=False),
    out_type=jax.ShapeDtypeStruct((BATCH // TROW, TROW, DIM), jnp.float32),
    scratch_types=[
        pltpu.VMEM((BATCH,), jnp.int32),
        pltpu.VMEM((WLCAP,), jnp.int32),
        pltpu.VMEM((WLCAP,), jnp.int32),
        pltpu.VMEM((DIM, CW), jnp.float32),
        pltpu.VMEM((DIM, CW), jnp.float32),
        pltpu.VMEM((DIM, CW), jnp.float32),
        pltpu.VMEM((DIM, CW), jnp.float32),
        pltpu.VMEM((2, TROW, DIM), jnp.float32),
        pltpu.SMEM((NCHUNK_W + 1,), jnp.int32),
        pltpu.SMEM((NCHUNK_W + 1,), jnp.int32),
        pltpu.SemaphoreType.DMA,
        pltpu.SemaphoreType.DMA,
        pltpu.SemaphoreType.DMA,
        pltpu.SemaphoreType.DMA,
        pltpu.SemaphoreType.DMA,
    ],
)
def _scan_gather(idx_hbm, wt_hbm, tail_hbm, out_hbm, idx_all, wl, swl,
                 buf0, buf1, buf2, buf3, rowb, offs, cur, gsem0, gsem1,
                 gsem2, gsem3, wsem):
    wid = lax.axis_index("s") * NC + lax.axis_index("c")
    iota16 = lax.iota(jnp.int32, 16)
    lane0 = iota16 == 0

    bufs = (buf0, buf1, buf2, buf3)
    gsems = (gsem0, gsem1, gsem2, gsem3)
    NFULL = (VOCAB - DIM) // CW

    def fire_chunk(i, r):
        ch = wid + lax.shift_left(i, 5)

        @pl.when(ch < NFULL)
        def _():
            pltpu.async_copy(
                wt_hbm.at[:, pl.ds(pl.multiple_of(ch * CW, CW), CW)],
                bufs[r], gsems[r])

        @pl.when(ch >= NFULL)
        def _():
            pltpu.async_copy(tail_hbm, bufs[r], gsems[r])

    for r in range(NRING):
        fire_chunk(jnp.int32(r), r)

    pltpu.sync_copy(idx_hbm, idx_all)

    def p1_body(g, n):
        v = idx_all[pl.ds(g * 16, 16)]
        chunk = lax.shift_right_logical(v, 8)
        cl = lax.shift_right_logical(chunk, 5)
        m = lax.bitwise_and(chunk, 31) == wid
        b = iota16 + g * 16
        entry = (lax.shift_left(cl, 22)
                 | lax.shift_left(b, 8)
                 | lax.bitwise_and(v, CW - 1))
        plsc.store_compressed(wl.at[pl.ds(n, 16)], entry, mask=m)
        cnt = plsc.all_reduce_population_count(m)
        return n + cnt[0]

    n = lax.fori_loop(0, NGRP, p1_body, jnp.int32(0))

    def zero_body(s, c):
        offs[s] = jnp.int32(0)
        cur[s] = jnp.int32(0)
        return c

    lax.fori_loop(0, NCHUNK_W + 1, zero_body, jnp.int32(0))

    def count_body(j, c):
        e = wl[pl.ds(j, 16)][0]
        cl = lax.shift_right_logical(e, 22)
        cur[cl] = cur[cl] + 1
        return c

    lax.fori_loop(0, n, count_body, jnp.int32(0))

    def prefix_body(s, acc):
        offs[s] = acc
        acc = acc + cur[s]
        cur[s] = offs[s]
        return acc

    total = lax.fori_loop(0, NCHUNK_W, prefix_body, jnp.int32(0))
    offs[NCHUNK_W] = total

    def place_body(j, c):
        e = wl[pl.ds(j, 16)][0]
        cl = lax.shift_right_logical(e, 22)
        d = cur[cl]
        cur[cl] = d + 1
        plsc.store_scatter(swl, [jnp.full((16,), d, jnp.int32)],
                           jnp.full((16,), e, jnp.int32), mask=lane0)
        return c

    lax.fori_loop(0, n, place_body, jnp.int32(0))


    def drain_chunk(r):
        pltpu.make_async_copy(wt_hbm.at[:, pl.ds(0, CW)], bufs[r],
                              gsems[r]).wait()

    def extract(j, buf):
        e = swl[pl.ds(j, 16)][0]
        b = lax.bitwise_and(lax.shift_right_logical(e, 8),
                            jnp.int32(BATCH - 1))
        csplat = jnp.full((16,), lax.bitwise_and(e, CW - 1), jnp.int32)
        slot = lax.bitwise_and(j, 15)
        t = lax.shift_right_logical(slot, 3)
        s = lax.bitwise_and(slot, 7)

        @pl.when(j >= 16)
        def _():
            pltpu.make_async_copy(rowb.at[0, 0], out_hbm.at[0, 0],
                                  wsem).wait()

        for g in range(DIM // 16):
            vals = plsc.load_gather(buf, [iota16 + g * 16, csplat])
            plsc.store_scatter(
                rowb, [jnp.full((16,), t, jnp.int32),
                       jnp.full((16,), s, jnp.int32), iota16 + g * 16],
                vals)
        pltpu.async_copy(
            rowb.at[t, s],
            out_hbm.at[lax.shift_right_logical(b, 3),
                       lax.bitwise_and(b, 7)],
            wsem)

    def p3_body(q, c):
        i0 = q * NRING
        for r in range(NRING):
            i = i0 + r
            drain_chunk(r)

            def ext_body(j, cc):
                extract(j, bufs[r])
                return cc

            lax.fori_loop(offs[i], offs[i + 1], ext_body, jnp.int32(0))
            fire_chunk(i + NRING, r)
        return c

    lax.fori_loop(0, NCHUNK_W // NRING - 1, p3_body, jnp.int32(0))

    def p3_last(r):
        i = NCHUNK_W - NRING + r
        drain_chunk(r)

        def ext_body(j, cc):
            extract(j, bufs[r])
            return cc

        lax.fori_loop(offs[i], offs[i + 1], ext_body, jnp.int32(0))

    for r in range(NRING):
        p3_last(r)

    def wdrain_body(k, c):
        pltpu.make_async_copy(rowb.at[0, 0], out_hbm.at[0, 0], wsem).wait()
        return c

    lax.fori_loop(0, jnp.minimum(n, 16), wdrain_body, jnp.int32(0))


def kernel(inputs, W):
    wt = W.T
    tail = jnp.pad(wt[:, VOCAB - DIM:], ((0, 0), (0, CW - DIM)))
    out3 = _scan_gather(inputs, wt, tail)
    return out3.reshape(BATCH, DIM)

# --- scband reference (transcript-rebuilt; emitter-appended) ---
"""Pipeline reference for scband-skip-gram-43997644980692 (READ-ONLY COPY).

The authoritative reference and input builder live on the scoring server;
editing this copy changes nothing except your own understanding.
"""

import jax, jax.numpy as jnp
import numpy as np

VOCAB = 1000000
DIM = 64
BATCH = 16384

def setup_inputs(seed: int = 0) -> dict:
    key = jax.random.key(seed)
    k_idx, k_w = jax.random.split(key)
    inputs = jax.random.randint(k_idx, (BATCH,), 0, VOCAB, dtype=jnp.int64 if jax.config.jax_enable_x64 else jnp.int32).astype(jnp.int32)
    # embedding table (learned parameter), matches nn.Embedding(vocab_size, vector_size)
    W = jax.random.normal(k_w, (VOCAB, DIM), dtype=jnp.float32)
    return {"inputs": inputs, "W": W}

def reference(inputs, W):
    # SkipGram.get_embeddings: vectors = self.embeddings(inputs)
    vectors = jnp.take(W, inputs, axis=0)
    return vectors

if __name__ == "__main__":
    import jax
    _d = setup_inputs()
    print(jax.jit(kernel)(*tuple(_d.values())))

</pallas_src>

<mosaic_0001>
#map = affine_map<(d0, d1) -> (0)>
#map1 = affine_map<(d0, d1) -> (0, 0)>
#map2 = affine_map<(d0, d1) -> (0, 0, 0)>
module attributes {stable_mosaic.version = 14 : i64} {
  func.func @_scan_gather(%arg0: i32, %arg1: i32, %arg2: memref<16384xi32, #tpu.memory_space<hbm>>, %arg3: memref<64x1000000xf32, #tpu.memory_space<hbm>>, %arg4: memref<64x256xf32, #tpu.memory_space<hbm>>, %arg5: memref<2048x8x64xf32, #tpu.memory_space<hbm>>, %arg6: memref<16384xi32, #tpu.memory_space<vmem>>, %arg7: memref<16400xi32, #tpu.memory_space<vmem>>, %arg8: memref<16400xi32, #tpu.memory_space<vmem>>, %arg9: memref<64x256xf32, #tpu.memory_space<vmem>>, %arg10: memref<64x256xf32, #tpu.memory_space<vmem>>, %arg11: memref<64x256xf32, #tpu.memory_space<vmem>>, %arg12: memref<64x256xf32, #tpu.memory_space<vmem>>, %arg13: memref<2x8x64xf32, #tpu.memory_space<vmem>>, %arg14: memref<125xi32, #tpu.memory_space<smem>>, %arg15: memref<125xi32, #tpu.memory_space<smem>>, %arg16: memref<!tpu.dma_semaphore, #tpu.memory_space<semaphore_mem>>, %arg17: memref<!tpu.dma_semaphore, #tpu.memory_space<semaphore_mem>>, %arg18: memref<!tpu.dma_semaphore, #tpu.memory_space<semaphore_mem>>, %arg19: memref<!tpu.dma_semaphore, #tpu.memory_space<semaphore_mem>>, %arg20: memref<!tpu.dma_semaphore, #tpu.memory_space<semaphore_mem>>) attributes {dimension_semantics = [#tpu.dimension_semantics<core_parallel>, #tpu.dimension_semantics<subcore_parallel>], iteration_bounds = array<i64: 2, 16>, scalar_prefetch = 0 : i64, scratch_operands = 15 : i64, tpu.core_type = #tpu.core_type<sc_vector_subcore>, window_params = [{transform_indices = #map}, {transform_indices = #map1}, {transform_indices = #map1}, {transform_indices = #map2}]} {
    %mul3A = arith.constant 2 : i32
    %mul3A_0 = arith.muli %arg1, %mul3A : i32
    %add3A = arith.addi %mul3A_0, %arg0 : i32
    %iota3A = tpu.iota {dimensions = array<i32: 0>} : vector<16xi32>
    %eq3A = arith.constant 0 : i32
    %eq3A_1 = vector.broadcast %eq3A : i32 to vector<16xi32>
    %eq3A_2 = arith.cmpi eq, %iota3A, %eq3A_1 : vector<16xi32>
    %shift_left3A = arith.constant 0 : i32
    %shift_left3A_3 = arith.constant 5 : i32
    %shift_left3A_4 = arith.shli %shift_left3A, %shift_left3A_3 : i32
    %add3A_5 = arith.addi %add3A, %shift_left3A_4 : i32
    %lt3A = arith.constant 3906 : i32
    %lt3A_6 = arith.cmpi slt, %add3A_5, %lt3A : i32
    %convert_element_type3A = arith.extui %lt3A_6 : i1 to i32
    %cond3A = arith.constant 0 : i32
    %cond3A_7 = arith.cmpi ne, %convert_element_type3A, %cond3A : i32
    scf.if %cond3A_7 {
      %mul3A_193 = arith.constant 256 : i32
      %mul3A_194 = arith.muli %add3A_5, %mul3A_193 : i32
      %multiple_of3A = tpu.assume_multiple %mul3A_194, 256 : i32
      %dma_start3A = arith.constant 0 : i32
      %dma_start3A_195 = tpu.memref_slice %arg3[%dma_start3A, %multiple_of3A] : memref<64x1000000xf32, #tpu.memory_space<hbm>> -> memref<64x256xf32, #tpu.memory_space<hbm>>
      %dma_start3A_196 = arith.constant 0 : i32
      %dma_start3A_197 = tpu.memref_slice %arg3[%dma_start3A_196, %multiple_of3A] : memref<64x1000000xf32, #tpu.memory_space<hbm>> -> memref<64x256xf32, #tpu.memory_space<hbm>>
      tpu.enqueue_dma source(%dma_start3A_197 : memref<64x256xf32, #tpu.memory_space<hbm>>) target(%arg9 : memref<64x256xf32, #tpu.memory_space<vmem>>) target_semaphore(%arg16 : memref<!tpu.dma_semaphore, #tpu.memory_space<semaphore_mem>>)
    } else {
    }
    %ge3A = arith.constant 3906 : i32
    %ge3A_8 = arith.cmpi sge, %add3A_5, %ge3A : i32
    %convert_element_type3A_9 = arith.extui %ge3A_8 : i1 to i32
    %cond3A_10 = arith.constant 0 : i32
    %cond3A_11 = arith.cmpi ne, %convert_element_type3A_9, %cond3A_10 : i32
    scf.if %cond3A_11 {
      tpu.enqueue_dma source(%arg4 : memref<64x256xf32, #tpu.memory_space<hbm>>) target(%arg9 : memref<64x256xf32, #tpu.memory_space<vmem>>) target_semaphore(%arg16 : memref<!tpu.dma_semaphore, #tpu.memory_space<semaphore_mem>>)
    } else {
    }
    %shift_left3A_12 = arith.constant 1 : i32
    %shift_left3A_13 = arith.constant 5 : i32
    %shift_left3A_14 = arith.shli %shift_left3A_12, %shift_left3A_13 : i32
    %add3A_15 = arith.addi %add3A, %shift_left3A_14 : i32
    %lt3A_16 = arith.constant 3906 : i32
    %lt3A_17 = arith.cmpi slt, %add3A_15, %lt3A_16 : i32
    %convert_element_type3A_18 = arith.extui %lt3A_17 : i1 to i32
    %cond3A_19 = arith.constant 0 : i32
    %cond3A_20 = arith.cmpi ne, %convert_element_type3A_18, %cond3A_19 : i32
    scf.if %cond3A_20 {
      %mul3A_193 = arith.constant 256 : i32
      %mul3A_194 = arith.muli %add3A_15, %mul3A_193 : i32
      %multiple_of3A = tpu.assume_multiple %mul3A_194, 256 : i32
      %dma_start3A = arith.constant 0 : i32
      %dma_start3A_195 = tpu.memref_slice %arg3[%dma_start3A, %multiple_of3A] : memref<64x1000000xf32, #tpu.memory_space<hbm>> -> memref<64x256xf32, #tpu.memory_space<hbm>>
      %dma_start3A_196 = arith.constant 0 : i32
      %dma_start3A_197 = tpu.memref_slice %arg3[%dma_start3A_196, %multiple_of3A] : memref<64x1000000xf32, #tpu.memory_space<hbm>> -> memref<64x256xf32, #tpu.memory_space<hbm>>
      tpu.enqueue_dma source(%dma_start3A_197 : memref<64x256xf32, #tpu.memory_space<hbm>>) target(%arg10 : memref<64x256xf32, #tpu.memory_space<vmem>>) target_semaphore(%arg17 : memref<!tpu.dma_semaphore, #tpu.memory_space<semaphore_mem>>)
    } else {
    }
    %ge3A_21 = arith.constant 3906 : i32
    %ge3A_22 = arith.cmpi sge, %add3A_15, %ge3A_21 : i32
    %convert_element_type3A_23 = arith.extui %ge3A_22 : i1 to i32
    %cond3A_24 = arith.constant 0 : i32
    %cond3A_25 = arith.cmpi ne, %convert_element_type3A_23, %cond3A_24 : i32
    scf.if %cond3A_25 {
      tpu.enqueue_dma source(%arg4 : memref<64x256xf32, #tpu.memory_space<hbm>>) target(%arg10 : memref<64x256xf32, #tpu.memory_space<vmem>>) target_semaphore(%arg17 : memref<!tpu.dma_semaphore, #tpu.memory_space<semaphore_mem>>)
    } else {
    }
    %shift_left3A_26 = arith.constant 2 : i32
    %shift_left3A_27 = arith.constant 5 : i32
    %shift_left3A_28 = arith.shli %shift_left3A_26, %shift_left3A_27 : i32
    %add3A_29 = arith.addi %add3A, %shift_left3A_28 : i32
    %lt3A_30 = arith.constant 3906 : i32
    %lt3A_31 = arith.cmpi slt, %add3A_29, %lt3A_30 : i32
    %convert_element_type3A_32 = arith.extui %lt3A_31 : i1 to i32
    %cond3A_33 = arith.constant 0 : i32
    %cond3A_34 = arith.cmpi ne, %convert_element_type3A_32, %cond3A_33 : i32
    scf.if %cond3A_34 {
      %mul3A_193 = arith.constant 256 : i32
      %mul3A_194 = arith.muli %add3A_29, %mul3A_193 : i32
      %multiple_of3A = tpu.assume_multiple %mul3A_194, 256 : i32
      %dma_start3A = arith.constant 0 : i32
      %dma_start3A_195 = tpu.memref_slice %arg3[%dma_start3A, %multiple_of3A] : memref<64x1000000xf32, #tpu.memory_space<hbm>> -> memref<64x256xf32, #tpu.memory_space<hbm>>
      %dma_start3A_196 = arith.constant 0 : i32
      %dma_start3A_197 = tpu.memref_slice %arg3[%dma_start3A_196, %multiple_of3A] : memref<64x1000000xf32, #tpu.memory_space<hbm>> -> memref<64x256xf32, #tpu.memory_space<hbm>>
      tpu.enqueue_dma source(%dma_start3A_197 : memref<64x256xf32, #tpu.memory_space<hbm>>) target(%arg11 : memref<64x256xf32, #tpu.memory_space<vmem>>) target_semaphore(%arg18 : memref<!tpu.dma_semaphore, #tpu.memory_space<semaphore_mem>>)
    } else {
    }
    %ge3A_35 = arith.constant 3906 : i32
    %ge3A_36 = arith.cmpi sge, %add3A_29, %ge3A_35 : i32
    %convert_element_type3A_37 = arith.extui %ge3A_36 : i1 to i32
    %cond3A_38 = arith.constant 0 : i32
    %cond3A_39 = arith.cmpi ne, %convert_element_type3A_37, %cond3A_38 : i32
    scf.if %cond3A_39 {
      tpu.enqueue_dma source(%arg4 : memref<64x256xf32, #tpu.memory_space<hbm>>) target(%arg11 : memref<64x256xf32, #tpu.memory_space<vmem>>) target_semaphore(%arg18 : memref<!tpu.dma_semaphore, #tpu.memory_space<semaphore_mem>>)
    } else {
    }
    %shift_left3A_40 = arith.constant 3 : i32
    %shift_left3A_41 = arith.constant 5 : i32
    %shift_left3A_42 = arith.shli %shift_left3A_40, %shift_left3A_41 : i32
    %add3A_43 = arith.addi %add3A, %shift_left3A_42 : i32
    %lt3A_44 = arith.constant 3906 : i32
    %lt3A_45 = arith.cmpi slt, %add3A_43, %lt3A_44 : i32
    %convert_element_type3A_46 = arith.extui %lt3A_45 : i1 to i32
    %cond3A_47 = arith.constant 0 : i32
    %cond3A_48 = arith.cmpi ne, %convert_element_type3A_46, %cond3A_47 : i32
    scf.if %cond3A_48 {
      %mul3A_193 = arith.constant 256 : i32
      %mul3A_194 = arith.muli %add3A_43, %mul3A_193 : i32
      %multiple_of3A = tpu.assume_multiple %mul3A_194, 256 : i32
      %dma_start3A = arith.constant 0 : i32
      %dma_start3A_195 = tpu.memref_slice %arg3[%dma_start3A, %multiple_of3A] : memref<64x1000000xf32, #tpu.memory_space<hbm>> -> memref<64x256xf32, #tpu.memory_space<hbm>>
      %dma_start3A_196 = arith.constant 0 : i32
      %dma_start3A_197 = tpu.memref_slice %arg3[%dma_start3A_196, %multiple_of3A] : memref<64x1000000xf32, #tpu.memory_space<hbm>> -> memref<64x256xf32, #tpu.memory_space<hbm>>
      tpu.enqueue_dma source(%dma_start3A_197 : memref<64x256xf32, #tpu.memory_space<hbm>>) target(%arg12 : memref<64x256xf32, #tpu.memory_space<vmem>>) target_semaphore(%arg19 : memref<!tpu.dma_semaphore, #tpu.memory_space<semaphore_mem>>)
    } else {
    }
    %ge3A_49 = arith.constant 3906 : i32
    %ge3A_50 = arith.cmpi sge, %add3A_43, %ge3A_49 : i32
    %convert_element_type3A_51 = arith.extui %ge3A_50 : i1 to i32
    %cond3A_52 = arith.constant 0 : i32
    %cond3A_53 = arith.cmpi ne, %convert_element_type3A_51, %cond3A_52 : i32
    scf.if %cond3A_53 {
      tpu.enqueue_dma source(%arg4 : memref<64x256xf32, #tpu.memory_space<hbm>>) target(%arg12 : memref<64x256xf32, #tpu.memory_space<vmem>>) target_semaphore(%arg19 : memref<!tpu.dma_semaphore, #tpu.memory_space<semaphore_mem>>)
    } else {
    }
    "tpu.region"() ({
      %run_scoped3A = tpu.sem_alloc : memref<!tpu.dma_semaphore, #tpu.memory_space<semaphore_mem>>
      tpu.enqueue_dma source(%arg2 : memref<16384xi32, #tpu.memory_space<hbm>>) target(%arg6 : memref<16384xi32, #tpu.memory_space<vmem>>) target_semaphore(%run_scoped3A : memref<!tpu.dma_semaphore, #tpu.memory_space<semaphore_mem>>)
      tpu.wait_dma2 semaphore(%run_scoped3A : memref<!tpu.dma_semaphore, #tpu.memory_space<semaphore_mem>>) src(%arg2 : memref<16384xi32, #tpu.memory_space<hbm>>) dst(%arg6 : memref<16384xi32, #tpu.memory_space<vmem>>)
      tpu.yield
    }) : () -> ()
    %scan3A = arith.constant 0 : i32
    %scan3A_54 = arith.constant 0 : i32
    %scan3A_55 = arith.constant 1024 : i32
    %scan3A_56 = arith.addi %scan3A_54, %scan3A_55 : i32
    %scan3A_57 = arith.constant 1 : i32
    %scan3A_58 = scf.for %scan3A_193 = %scan3A_54 to %scan3A_56 step %scan3A_57 iter_args(%scan3A_194 = %scan3A) -> (i32)  : i32 {
      %mul3A_195 = arith.constant 16 : i32
      %mul3A_196 = arith.muli %scan3A_193, %mul3A_195 : i32
      %get3A_197 = arith.index_cast %mul3A_196 : i32 to index
      %get3A_198 = tpu.vector_load %arg6[%get3A_197] {strides = array<i32>} : memref<16384xi32, #tpu.memory_space<vmem>>, vector<16xi32>,
      %shift_right_logical3A = arith.constant 8 : i32
      %shift_right_logical3A_199 = vector.broadcast %shift_right_logical3A : i32 to vector<16xi32>
      %shift_right_logical3A_200 = arith.shrui %get3A_198, %shift_right_logical3A_199 : vector<16xi32>
      %shift_right_logical3A_201 = arith.constant 5 : i32
      %shift_right_logical3A_202 = vector.broadcast %shift_right_logical3A_201 : i32 to vector<16xi32>
      %shift_right_logical3A_203 = arith.shrui %shift_right_logical3A_200, %shift_right_logical3A_202 : vector<16xi32>
      %and3A = arith.constant 31 : i32
      %and3A_204 = vector.broadcast %and3A : i32 to vector<16xi32>
      %and3A_205 = arith.andi %shift_right_logical3A_200, %and3A_204 : vector<16xi32>
      %eq3A_206 = vector.broadcast %add3A : i32 to vector<16xi32>
      %eq3A_207 = arith.cmpi eq, %and3A_205, %eq3A_206 : vector<16xi32>
      %mul3A_208 = arith.constant 16 : i32
      %mul3A_209 = arith.muli %scan3A_193, %mul3A_208 : i32
      %add3A_210 = vector.broadcast %mul3A_209 : i32 to vector<16xi32>
      %add3A_211 = arith.addi %iota3A, %add3A_210 : vector<16xi32>
      %shift_left3A_212 = arith.constant 22 : i32
      %shift_left3A_213 = vector.broadcast %shift_left3A_212 : i32 to vector<16xi32>
      %shift_left3A_214 = arith.shli %shift_right_logical3A_203, %shift_left3A_213 : vector<16xi32>
      %shift_left3A_215 = arith.constant 8 : i32
      %shift_left3A_216 = vector.broadcast %shift_left3A_215 : i32 to vector<16xi32>
      %shift_left3A_217 = arith.shli %add3A_211, %shift_left3A_216 : vector<16xi32>
      %or3A = arith.ori %shift_left3A_214, %shift_left3A_217 : vector<16xi32>
      %and3A_218 = arith.constant 255 : i32
      %and3A_219 = vector.broadcast %and3A_218 : i32 to vector<16xi32>
      %and3A_220 = arith.andi %get3A_198, %and3A_219 : vector<16xi32>
      %or3A_221 = arith.ori %or3A, %and3A_220 : vector<16xi32>
      %swap3A_222 = arith.index_cast %scan3A_194 : i32 to index
      %swap3A_223 = tpu.vector_load %arg7[%swap3A_222] masked %eq3A_207 {strides = array<i32>} : memref<16400xi32, #tpu.memory_space<vmem>>, vector<16xi32>, vector<16xi1>
      tpu.vector_store %arg7[%swap3A_222], %or3A_221 masked %eq3A_207 {strides = array<i32>} : memref<16400xi32, #tpu.memory_space<vmem>>, vector<16xi32>, vector<16xi1>
      %all_reduce_population_count3A = tpu.all_reduce %eq3A_207 {dim = 0 : i64, kind = #tpu.reduction_kind<sum>} : vector<16xi1> -> vector<16xi32>
      %slice3A = vector.extract_strided_slice %all_reduce_population_count3A {offsets = [0], sizes = [1], strides = [1]} : vector<16xi32> to vector<1xi32>
      %squeeze3A = vector.extract %slice3A[0] : i32 from vector<1xi32>
      %add3A_224 = arith.addi %scan3A_194, %squeeze3A : i32
      scf.yield %add3A_224 : i32
    }
    %scan3A_59 = arith.constant 1024 : i32
    %scan3A_60 = arith.constant 0 : i32
    %scan3A_61 = arith.constant 0 : i32
    %scan3A_62 = arith.constant 125 : i32
    %scan3A_63 = arith.addi %scan3A_61, %scan3A_62 : i32
    %scan3A_64 = arith.constant 1 : i32
    scf.for %scan3A_193 = %scan3A_61 to %scan3A_63 step %scan3A_64  : i32 {
      %swap3A_194 = arith.constant 0 : i32
      %swap3A_195 = arith.index_cast %scan3A_193 : i32 to index
      %swap3A_196 = memref.load %arg14[%swap3A_195] : memref<125xi32, #tpu.memory_space<smem>>
      memref.store %swap3A_194, %arg14[%swap3A_195] : memref<125xi32, #tpu.memory_space<smem>>
      %swap3A_197 = arith.constant 0 : i32
      %swap3A_198 = arith.index_cast %scan3A_193 : i32 to index
      %swap3A_199 = memref.load %arg15[%swap3A_198] : memref<125xi32, #tpu.memory_space<smem>>
      memref.store %swap3A_197, %arg15[%swap3A_198] : memref<125xi32, #tpu.memory_space<smem>>
    }
    %scan3A_65 = arith.constant 125 : i32
    %while3A = arith.constant 0 : i32
    %while3A_66 = arith.constant 0 : i32
    %while3A_67 = arith.subi %scan3A_58, %while3A_66 : i32
    %while3A_68 = arith.addi %while3A_66, %while3A_67 : i32
    %while3A_69 = arith.constant 1 : i32
    %while3A_70 = arith.divsi %while3A_67, %while3A_69 : i32
    %while3A_71 = arith.muli %while3A_70, %while3A_69 : i32
    %while3A_72 = arith.addi %while3A_66, %while3A_71 : i32
    %while3A_73 = arith.constant 1 : i32
    scf.for %while3A_193 = %while3A_66 to %while3A_72 step %while3A_73  : i32 {
      %get3A_194 = arith.index_cast %while3A_193 : i32 to index
      %get3A_195 = tpu.vector_load %arg7[%get3A_194] {strides = array<i32>} : memref<16400xi32, #tpu.memory_space<vmem>>, vector<16xi32>,
      %slice3A = vector.extract_strided_slice %get3A_195 {offsets = [0], sizes = [1], strides = [1]} : vector<16xi32> to vector<1xi32>
      %squeeze3A = vector.extract %slice3A[0] : i32 from vector<1xi32>
      %shift_right_logical3A = arith.constant 22 : i32
      %shift_right_logical3A_196 = arith.shrui %squeeze3A, %shift_right_logical3A : i32
      %get3A_197 = arith.index_cast %shift_right_logical3A_196 : i32 to index
      %get3A_198 = memref.load %arg15[%get3A_197] : memref<125xi32, #tpu.memory_space<smem>>
      %add3A_199 = arith.constant 1 : i32
      %add3A_200 = arith.addi %get3A_198, %add3A_199 : i32
      %swap3A_201 = arith.index_cast %shift_right_logical3A_196 : i32 to index
      %swap3A_202 = memref.load %arg15[%swap3A_201] : memref<125xi32, #tpu.memory_space<smem>>
      memref.store %add3A_200, %arg15[%swap3A_201] : memref<125xi32, #tpu.memory_space<smem>>
    }
    %while3A_74 = arith.constant 1 : i32
    scf.for %while3A_193 = %while3A_72 to %while3A_68 step %while3A_74  : i32 {
      %get3A_194 = arith.index_cast %while3A_193 : i32 to index
      %get3A_195 = tpu.vector_load %arg7[%get3A_194] {strides = array<i32>} : memref<16400xi32, #tpu.memory_space<vmem>>, vector<16xi32>,
      %slice3A = vector.extract_strided_slice %get3A_195 {offsets = [0], sizes = [1], strides = [1]} : vector<16xi32> to vector<1xi32>
      %squeeze3A = vector.extract %slice3A[0] : i32 from vector<1xi32>
      %shift_right_logical3A = arith.constant 22 : i32
      %shift_right_logical3A_196 = arith.shrui %squeeze3A, %shift_right_logical3A : i32
      %get3A_197 = arith.index_cast %shift_right_logical3A_196 : i32 to index
      %get3A_198 = memref.load %arg15[%get3A_197] : memref<125xi32, #tpu.memory_space<smem>>
      %add3A_199 = arith.constant 1 : i32
      %add3A_200 = arith.addi %get3A_198, %add3A_199 : i32
      %swap3A_201 = arith.index_cast %shift_right_logical3A_196 : i32 to index
      %swap3A_202 = memref.load %arg15[%swap3A_201] : memref<125xi32, #tpu.memory_space<smem>>
      memref.store %add3A_200, %arg15[%swap3A_201] : memref<125xi32, #tpu.memory_space<smem>>
    }
    %scan3A_75 = arith.constant 0 : i32
    %scan3A_76 = arith.constant 0 : i32
    %scan3A_77 = arith.constant 124 : i32
    %scan3A_78 = arith.addi %scan3A_76, %scan3A_77 : i32
    %scan3A_79 = arith.constant 1 : i32
    %scan3A_80 = scf.for %scan3A_193 = %scan3A_76 to %scan3A_78 step %scan3A_79 iter_args(%scan3A_194 = %scan3A_75) -> (i32)  : i32 {
      %swap3A_195 = arith.index_cast %scan3A_193 : i32 to index
      %swap3A_196 = memref.load %arg14[%swap3A_195] : memref<125xi32, #tpu.memory_space<smem>>
      memref.store %scan3A_194, %arg14[%swap3A_195] : memref<125xi32, #tpu.memory_space<smem>>
      %get3A_197 = arith.index_cast %scan3A_193 : i32 to index
      %get3A_198 = memref.load %arg15[%get3A_197] : memref<125xi32, #tpu.memory_space<smem>>
      %add3A_199 = arith.addi %scan3A_194, %get3A_198 : i32
      %get3A_200 = arith.index_cast %scan3A_193 : i32 to index
      %get3A_201 = memref.load %arg14[%get3A_200] : memref<125xi32, #tpu.memory_space<smem>>
      %swap3A_202 = arith.index_cast %scan3A_193 : i32 to index
      %swap3A_203 = memref.load %arg15[%swap3A_202] : memref<125xi32, #tpu.memory_space<smem>>
      memref.store %get3A_201, %arg15[%swap3A_202] : memref<125xi32, #tpu.memory_space<smem>>
      scf.yield %add3A_199 : i32
    }
    %scan3A_81 = arith.constant 124 : i32
    %swap3A = arith.constant 124 : i32
    %swap3A_82 = arith.index_cast %swap3A : i32 to index
    %swap3A_83 = memref.load %arg14[%swap3A_82] : memref<125xi32, #tpu.memory_space<smem>>
    memref.store %scan3A_80, %arg14[%swap3A_82] : memref<125xi32, #tpu.memory_space<smem>>
    %while3A_84 = arith.constant 0 : i32
    %while3A_85 = arith.constant 0 : i32
    %while3A_86 = arith.subi %scan3A_58, %while3A_85 : i32
    %while3A_87 = arith.addi %while3A_85, %while3A_86 : i32
    %while3A_88 = arith.constant 1 : i32
    %while3A_89 = arith.divsi %while3A_86, %while3A_88 : i32
    %while3A_90 = arith.muli %while3A_89, %while3A_88 : i32
    %while3A_91 = arith.addi %while3A_85, %while3A_90 : i32
    %while3A_92 = arith.constant 1 : i32
    scf.for %while3A_193 = %while3A_85 to %while3A_91 step %while3A_92  : i32 {
      %get3A_194 = arith.index_cast %while3A_193 : i32 to index
      %get3A_195 = tpu.vector_load %arg7[%get3A_194] {strides = array<i32>} : memref<16400xi32, #tpu.memory_space<vmem>>, vector<16xi32>,
      %slice3A = vector.extract_strided_slice %get3A_195 {offsets = [0], sizes = [1], strides = [1]} : vector<16xi32> to vector<1xi32>
      %squeeze3A = vector.extract %slice3A[0] : i32 from vector<1xi32>
      %shift_right_logical3A = arith.constant 22 : i32
      %shift_right_logical3A_196 = arith.shrui %squeeze3A, %shift_right_logical3A : i32
      %get3A_197 = arith.index_cast %shift_right_logical3A_196 : i32 to index
      %get3A_198 = memref.load %arg15[%get3A_197] : memref<125xi32, #tpu.memory_space<smem>>
      %add3A_199 = arith.constant 1 : i32
      %add3A_200 = arith.addi %get3A_198, %add3A_199 : i32
      %swap3A_201 = arith.index_cast %shift_right_logical3A_196 : i32 to index
      %swap3A_202 = memref.load %arg15[%swap3A_201] : memref<125xi32, #tpu.memory_space<smem>>
      memref.store %add3A_200, %arg15[%swap3A_201] : memref<125xi32, #tpu.memory_space<smem>>
      %broadcast_in_dim3A = vector.broadcast %get3A_198 : i32 to vector<16xi32>
      %broadcast_in_dim3A_203 = vector.broadcast %squeeze3A : i32 to vector<16xi32>
      tpu.vector_store_idx %arg8[%broadcast_in_dim3A], %broadcast_in_dim3A_203 masked %eq3A_2 : memref<16400xi32, #tpu.memory_space<vmem>>[vector<16xi32>], vector<16xi32>, vector<16xi1>
    }
    %while3A_93 = arith.constant 1 : i32
    scf.for %while3A_193 = %while3A_91 to %while3A_87 step %while3A_93  : i32 {
      %get3A_194 = arith.index_cast %while3A_193 : i32 to index
      %get3A_195 = tpu.vector_load %arg7[%get3A_194] {strides = array<i32>} : memref<16400xi32, #tpu.memory_space<vmem>>, vector<16xi32>,
      %slice3A = vector.extract_strided_slice %get3A_195 {offsets = [0], sizes = [1], strides = [1]} : vector<16xi32> to vector<1xi32>
      %squeeze3A = vector.extract %slice3A[0] : i32 from vector<1xi32>
      %shift_right_logical3A = arith.constant 22 : i32
      %shift_right_logical3A_196 = arith.shrui %squeeze3A, %shift_right_logical3A : i32
      %get3A_197 = arith.index_cast %shift_right_logical3A_196 : i32 to index
      %get3A_198 = memref.load %arg15[%get3A_197] : memref<125xi32, #tpu.memory_space<smem>>
      %add3A_199 = arith.constant 1 : i32
      %add3A_200 = arith.addi %get3A_198, %add3A_199 : i32
      %swap3A_201 = arith.index_cast %shift_right_logical3A_196 : i32 to index
      %swap3A_202 = memref.load %arg15[%swap3A_201] : memref<125xi32, #tpu.memory_space<smem>>
      memref.store %add3A_200, %arg15[%swap3A_201] : memref<125xi32, #tpu.memory_space<smem>>
      %broadcast_in_dim3A = vector.broadcast %get3A_198 : i32 to vector<16xi32>
      %broadcast_in_dim3A_203 = vector.broadcast %squeeze3A : i32 to vector<16xi32>
      tpu.vector_store_idx %arg8[%broadcast_in_dim3A], %broadcast_in_dim3A_203 masked %eq3A_2 : memref<16400xi32, #tpu.memory_space<vmem>>[vector<16xi32>], vector<16xi32>, vector<16xi1>
    }
    %scan3A_94 = arith.constant 0 : i32
    %scan3A_95 = arith.constant 0 : i32
    %scan3A_96 = arith.constant 30 : i32
    %scan3A_97 = arith.addi %scan3A_95, %scan3A_96 : i32
    %scan3A_98 = arith.constant 1 : i32
    scf.for %scan3A_193 = %scan3A_95 to %scan3A_97 step %scan3A_98  : i32 {
      %mul3A_194 = arith.constant 4 : i32
      %mul3A_195 = arith.muli %scan3A_193, %mul3A_194 : i32
      %add3A_196 = arith.constant 0 : i32
      %add3A_197 = arith.addi %mul3A_195, %add3A_196 : i32
      %dma_wait3A_198 = arith.constant 0 : i32
      %dma_wait3A_199 = arith.constant 0 : i32
      %dma_wait3A_200 = tpu.memref_slice %arg3[%dma_wait3A_198, %dma_wait3A_199] : memref<64x1000000xf32, #tpu.memory_space<hbm>> -> memref<64x256xf32, #tpu.memory_space<hbm>>
      %dma_wait3A_201 = arith.constant 0 : i32
      %dma_wait3A_202 = arith.constant 0 : i32
      %dma_wait3A_203 = tpu.memref_slice %arg3[%dma_wait3A_201, %dma_wait3A_202] : memref<64x1000000xf32, #tpu.memory_space<hbm>> -> memref<64x256xf32, #tpu.memory_space<hbm>>
      tpu.wait_dma2 semaphore(%arg16 : memref<!tpu.dma_semaphore, #tpu.memory_space<semaphore_mem>>) src(%dma_wait3A_203 : memref<64x256xf32, #tpu.memory_space<hbm>>) dst(%arg9 : memref<64x256xf32, #tpu.memory_space<vmem>>)
      %get3A_204 = arith.index_cast %add3A_197 : i32 to index
      %get3A_205 = memref.load %arg14[%get3A_204] : memref<125xi32, #tpu.memory_space<smem>>
      %add3A_206 = arith.constant 1 : i32
      %add3A_207 = arith.addi %add3A_197, %add3A_206 : i32
      %get3A_208 = arith.index_cast %add3A_207 : i32 to index
      %get3A_209 = memref.load %arg14[%get3A_208] : memref<125xi32, #tpu.memory_space<smem>>
      %while3A_210 = arith.constant 0 : i32
      %while3A_211 = arith.subi %get3A_209, %get3A_205 : i32
      %while3A_212 = arith.addi %get3A_205, %while3A_211 : i32
      %while3A_213 = arith.constant 1 : i32
      %while3A_214 = arith.divsi %while3A_211, %while3A_213 : i32
      %while3A_215 = arith.muli %while3A_214, %while3A_213 : i32
      %while3A_216 = arith.addi %get3A_205, %while3A_215 : i32
      %while3A_217 = arith.constant 1 : i32
      scf.for %while3A_348 = %get3A_205 to %while3A_216 step %while3A_217  : i32 {
        %get3A_349 = arith.index_cast %while3A_348 : i32 to index
        %get3A_350 = tpu.vector_load %arg8[%get3A_349] {strides = array<i32>} : memref<16400xi32, #tpu.memory_space<vmem>>, vector<16xi32>,
        %slice3A = vector.extract_strided_slice %get3A_350 {offsets = [0], sizes = [1], strides = [1]} : vector<16xi32> to vector<1xi32>
        %squeeze3A = vector.extract %slice3A[0] : i32 from vector<1xi32>
        %shift_right_logical3A = arith.constant 8 : i32
        %shift_right_logical3A_351 = arith.shrui %squeeze3A, %shift_right_logical3A : i32
        %and3A = arith.constant 16383 : i32
        %and3A_352 = arith.andi %shift_right_logical3A_351, %and3A : i32
        %and3A_353 = arith.constant 255 : i32
        %and3A_354 = arith.andi %squeeze3A, %and3A_353 : i32
        %broadcast_in_dim3A = vector.broadcast %and3A_354 : i32 to vector<16xi32>
        %and3A_355 = arith.constant 15 : i32
        %and3A_356 = arith.andi %while3A_348, %and3A_355 : i32
        %shift_right_logical3A_357 = arith.constant 3 : i32
        %shift_right_logical3A_358 = arith.shrui %and3A_356, %shift_right_logical3A_357 : i32
        %and3A_359 = arith.constant 7 : i32
        %and3A_360 = arith.andi %and3A_356, %and3A_359 : i32
        %ge3A_361 = arith.constant 16 : i32
        %ge3A_362 = arith.cmpi sge, %while3A_348, %ge3A_361 : i32
        %convert_element_type3A_363 = arith.extui %ge3A_362 : i1 to i32
        %cond3A_364 = arith.constant 0 : i32
        %cond3A_365 = arith.cmpi ne, %convert_element_type3A_363, %cond3A_364 : i32
        scf.if %cond3A_365 {
          %dma_wait3A_416 = arith.constant 0 : i32
          %dma_wait3A_417 = arith.constant 0 : i32
          %dma_wait3A_418 = arith.constant 0 : i32
          %dma_wait3A_419 = arith.constant 0 : i32
          %dma_wait3A_420 = arith.constant 0 : i32
          %dma_wait3A_421 = tpu.memref_slice %arg13[%dma_wait3A_416, %dma_wait3A_417, %dma_wait3A_420] : memref<2x8x64xf32, #tpu.memory_space<vmem>> -> memref<1x1x64xf32, #tpu.memory_space<vmem>>
          %dma_wait3A_422 = tpu.memref_squeeze %dma_wait3A_421 : memref<1x1x64xf32, #tpu.memory_space<vmem>> -> memref<64xf32, #tpu.memory_space<vmem>>
          %dma_wait3A_423 = arith.constant 0 : i32
          %dma_wait3A_424 = tpu.memref_slice %arg5[%dma_wait3A_418, %dma_wait3A_419, %dma_wait3A_423] : memref<2048x8x64xf32, #tpu.memory_space<hbm>> -> memref<1x1x64xf32, #tpu.memory_space<hbm>>
          %dma_wait3A_425 = tpu.memref_squeeze %dma_wait3A_424 : memref<1x1x64xf32, #tpu.memory_space<hbm>> -> memref<64xf32, #tpu.memory_space<hbm>>
          %dma_wait3A_426 = arith.constant 0 : i32
          %dma_wait3A_427 = tpu.memref_slice %arg5[%dma_wait3A_418, %dma_wait3A_419, %dma_wait3A_426] : memref<2048x8x64xf32, #tpu.memory_space<hbm>> -> memref<1x1x64xf32, #tpu.memory_space<hbm>>
          %dma_wait3A_428 = tpu.memref_squeeze %dma_wait3A_427 : memref<1x1x64xf32, #tpu.memory_space<hbm>> -> memref<64xf32, #tpu.memory_space<hbm>>
          %dma_wait3A_429 = arith.constant 0 : i32
          %dma_wait3A_430 = tpu.memref_slice %arg13[%dma_wait3A_416, %dma_wait3A_417, %dma_wait3A_429] : memref<2x8x64xf32, #tpu.memory_space<vmem>> -> memref<1x1x64xf32, #tpu.memory_space<vmem>>
          %dma_wait3A_431 = tpu.memref_squeeze %dma_wait3A_430 : memref<1x1x64xf32, #tpu.memory_space<vmem>> -> memref<64xf32, #tpu.memory_space<vmem>>
          tpu.wait_dma2 semaphore(%arg20 : memref<!tpu.dma_semaphore, #tpu.memory_space<semaphore_mem>>) src(%dma_wait3A_431 : memref<64xf32, #tpu.memory_space<vmem>>) dst(%dma_wait3A_428 : memref<64xf32, #tpu.memory_space<hbm>>)
        } else {
        }
        %add3A_366 = arith.constant 0 : i32
        %add3A_367 = vector.broadcast %add3A_366 : i32 to vector<16xi32>
        %add3A_368 = arith.addi %iota3A, %add3A_367 : vector<16xi32>
        %gather3A = tpu.vector_load_idx %arg9[%add3A_368, %broadcast_in_dim3A] : memref<64x256xf32, #tpu.memory_space<vmem>>[vector<16xi32>, vector<16xi32>], vector<16xf32>,
        %broadcast_in_dim3A_369 = vector.broadcast %shift_right_logical3A_358 : i32 to vector<16xi32>
        %broadcast_in_dim3A_370 = vector.broadcast %and3A_360 : i32 to vector<16xi32>
        %add3A_371 = arith.constant 0 : i32
        %add3A_372 = vector.broadcast %add3A_371 : i32 to vector<16xi32>
        %add3A_373 = arith.addi %iota3A, %add3A_372 : vector<16xi32>
        tpu.vector_store_idx %arg13[%broadcast_in_dim3A_369, %broadcast_in_dim3A_370, %add3A_373], %gather3A : memref<2x8x64xf32, #tpu.memory_space<vmem>>[vector<16xi32>, vector<16xi32>, vector<16xi32>], vector<16xf32>,
        %add3A_374 = arith.constant 16 : i32
        %add3A_375 = vector.broadcast %add3A_374 : i32 to vector<16xi32>
        %add3A_376 = arith.addi %iota3A, %add3A_375 : vector<16xi32>
        %gather3A_377 = tpu.vector_load_idx %arg9[%add3A_376, %broadcast_in_dim3A] : memref<64x256xf32, #tpu.memory_space<vmem>>[vector<16xi32>, vector<16xi32>], vector<16xf32>,
        %broadcast_in_dim3A_378 = vector.broadcast %shift_right_logical3A_358 : i32 to vector<16xi32>
        %broadcast_in_dim3A_379 = vector.broadcast %and3A_360 : i32 to vector<16xi32>
        %add3A_380 = arith.constant 16 : i32
        %add3A_381 = vector.broadcast %add3A_380 : i32 to vector<16xi32>
        %add3A_382 = arith.addi %iota3A, %add3A_381 : vector<16xi32>
        tpu.vector_store_idx %arg13[%broadcast_in_dim3A_378, %broadcast_in_dim3A_379, %add3A_382], %gather3A_377 : memref<2x8x64xf32, #tpu.memory_space<vmem>>[vector<16xi32>, vector<16xi32>, vector<16xi32>], vector<16xf32>,
        %add3A_383 = arith.constant 32 : i32
        %add3A_384 = vector.broadcast %add3A_383 : i32 to vector<16xi32>
        %add3A_385 = arith.addi %iota3A, %add3A_384 : vector<16xi32>
        %gather3A_386 = tpu.vector_load_idx %arg9[%add3A_385, %broadcast_in_dim3A] : memref<64x256xf32, #tpu.memory_space<vmem>>[vector<16xi32>, vector<16xi32>], vector<16xf32>,
        %broadcast_in_dim3A_387 = vector.broadcast %shift_right_logical3A_358 : i32 to vector<16xi32>
        %broadcast_in_dim3A_388 = vector.broadcast %and3A_360 : i32 to vector<16xi32>
        %add3A_389 = arith.constant 32 : i32
        %add3A_390 = vector.broadcast %add3A_389 : i32 to vector<16xi32>
        %add3A_391 = arith.addi %iota3A, %add3A_390 : vector<16xi32>
        tpu.vector_store_idx %arg13[%broadcast_in_dim3A_387, %broadcast_in_dim3A_388, %add3A_391], %gather3A_386 : memref<2x8x64xf32, #tpu.memory_space<vmem>>[vector<16xi32>, vector<16xi32>, vector<16xi32>], vector<16xf32>,
        %add3A_392 = arith.constant 48 : i32
        %add3A_393 = vector.broadcast %add3A_392 : i32 to vector<16xi32>
        %add3A_394 = arith.addi %iota3A, %add3A_393 : vector<16xi32>
        %gather3A_395 = tpu.vector_load_idx %arg9[%add3A_394, %broadcast_in_dim3A] : memref<64x256xf32, #tpu.memory_space<vmem>>[vector<16xi32>, vector<16xi32>], vector<16xf32>,
        %broadcast_in_dim3A_396 = vector.broadcast %shift_right_logical3A_358 : i32 to vector<16xi32>
        %broadcast_in_dim3A_397 = vector.broadcast %and3A_360 : i32 to vector<16xi32>
        %add3A_398 = arith.constant 48 : i32
        %add3A_399 = vector.broadcast %add3A_398 : i32 to vector<16xi32>
        %add3A_400 = arith.addi %iota3A, %add3A_399 : vector<16xi32>
        tpu.vector_store_idx %arg13[%broadcast_in_dim3A_396, %broadcast_in_dim3A_397, %add3A_400], %gather3A_395 : memref<2x8x64xf32, #tpu.memory_space<vmem>>[vector<16xi32>, vector<16xi32>, vector<16xi32>], vector<16xf32>,
        %shift_right_logical3A_401 = arith.constant 3 : i32
        %shift_right_logical3A_402 = arith.shrui %and3A_352, %shift_right_logical3A_401 : i32
        %and3A_403 = arith.constant 7 : i32
        %and3A_404 = arith.andi %and3A_352, %and3A_403 : i32
        %dma_start3A = arith.constant 0 : i32
        %dma_start3A_405 = tpu.memref_slice %arg13[%shift_right_logical3A_358, %and3A_360, %dma_start3A] : memref<2x8x64xf32, #tpu.memory_space<vmem>> -> memref<1x1x64xf32, #tpu.memory_space<vmem>>
        %dma_start3A_406 = tpu.memref_squeeze %dma_start3A_405 : memref<1x1x64xf32, #tpu.memory_space<vmem>> -> memref<64xf32, #tpu.memory_space<vmem>>
        %dma_start3A_407 = arith.constant 0 : i32
        %dma_start3A_408 = tpu.memref_slice %arg5[%shift_right_logical3A_402, %and3A_404, %dma_start3A_407] : memref<2048x8x64xf32, #tpu.memory_space<hbm>> -> memref<1x1x64xf32, #tpu.memory_space<hbm>>
        %dma_start3A_409 = tpu.memref_squeeze %dma_start3A_408 : memref<1x1x64xf32, #tpu.memory_space<hbm>> -> memref<64xf32, #tpu.memory_space<hbm>>
        %dma_start3A_410 = arith.constant 0 : i32
        %dma_start3A_411 = tpu.memref_slice %arg5[%shift_right_logical3A_402, %and3A_404, %dma_start3A_410] : memref<2048x8x64xf32, #tpu.memory_space<hbm>> -> memref<1x1x64xf32, #tpu.memory_space<hbm>>
        %dma_start3A_412 = tpu.memref_squeeze %dma_start3A_411 : memref<1x1x64xf32, #tpu.memory_space<hbm>> -> memref<64xf32, #tpu.memory_space<hbm>>
        %dma_start3A_413 = arith.constant 0 : i32
        %dma_start3A_414 = tpu.memref_slice %arg13[%shift_right_logical3A_358, %and3A_360, %dma_start3A_413] : memref<2x8x64xf32, #tpu.memory_space<vmem>> -> memref<1x1x64xf32, #tpu.memory_space<vmem>>
        %dma_start3A_415 = tpu.memref_squeeze %dma_start3A_414 : memref<1x1x64xf32, #tpu.memory_space<vmem>> -> memref<64xf32, #tpu.memory_space<vmem>>
        tpu.enqueue_dma source(%dma_start3A_415 : memref<64xf32, #tpu.memory_space<vmem>>) target(%dma_start3A_412 : memref<64xf32, #tpu.memory_space<hbm>>) target_semaphore(%arg20 : memref<!tpu.dma_semaphore, #tpu.memory_space<semaphore_mem>>)
      }
      %while3A_218 = arith.constant 1 : i32
      scf.for %while3A_348 = %while3A_216 to %while3A_212 step %while3A_218  : i32 {
        %get3A_349 = arith.index_cast %while3A_348 : i32 to index
        %get3A_350 = tpu.vector_load %arg8[%get3A_349] {strides = array<i32>} : memref<16400xi32, #tpu.memory_space<vmem>>, vector<16xi32>,
        %slice3A = vector.extract_strided_slice %get3A_350 {offsets = [0], sizes = [1], strides = [1]} : vector<16xi32> to vector<1xi32>
        %squeeze3A = vector.extract %slice3A[0] : i32 from vector<1xi32>
        %shift_right_logical3A = arith.constant 8 : i32
        %shift_right_logical3A_351 = arith.shrui %squeeze3A, %shift_right_logical3A : i32
        %and3A = arith.constant 16383 : i32
        %and3A_352 = arith.andi %shift_right_logical3A_351, %and3A : i32
        %and3A_353 = arith.constant 255 : i32
        %and3A_354 = arith.andi %squeeze3A, %and3A_353 : i32
        %broadcast_in_dim3A = vector.broadcast %and3A_354 : i32 to vector<16xi32>
        %and3A_355 = arith.constant 15 : i32
        %and3A_356 = arith.andi %while3A_348, %and3A_355 : i32
        %shift_right_logical3A_357 = arith.constant 3 : i32
        %shift_right_logical3A_358 = arith.shrui %and3A_356, %shift_right_logical3A_357 : i32
        %and3A_359 = arith.constant 7 : i32
        %and3A_360 = arith.andi %and3A_356, %and3A_359 : i32
        %ge3A_361 = arith.constant 16 : i32
        %ge3A_362 = arith.cmpi sge, %while3A_348, %ge3A_361 : i32
        %convert_element_type3A_363 = arith.extui %ge3A_362 : i1 to i32
        %cond3A_364 = arith.constant 0 : i32
        %cond3A_365 = arith.cmpi ne, %convert_element_type3A_363, %cond3A_364 : i32
        scf.if %cond3A_365 {
          %dma_wait3A_416 = arith.constant 0 : i32
          %dma_wait3A_417 = arith.constant 0 : i32
          %dma_wait3A_418 = arith.constant 0 : i32
          %dma_wait3A_419 = arith.constant 0 : i32
          %dma_wait3A_420 = arith.constant 0 : i32
          %dma_wait3A_421 = tpu.memref_slice %arg13[%dma_wait3A_416, %dma_wait3A_417, %dma_wait3A_420] : memref<2x8x64xf32, #tpu.memory_space<vmem>> -> memref<1x1x64xf32, #tpu.memory_space<vmem>>
          %dma_wait3A_422 = tpu.memref_squeeze %dma_wait3A_421 : memref<1x1x64xf32, #tpu.memory_space<vmem>> -> memref<64xf32, #tpu.memory_space<vmem>>
          %dma_wait3A_423 = arith.constant 0 : i32
          %dma_wait3A_424 = tpu.memref_slice %arg5[%dma_wait3A_418, %dma_wait3A_419, %dma_wait3A_423] : memref<2048x8x64xf32, #tpu.memory_space<hbm>> -> memref<1x1x64xf32, #tpu.memory_space<hbm>>
          %dma_wait3A_425 = tpu.memref_squeeze %dma_wait3A_424 : memref<1x1x64xf32, #tpu.memory_space<hbm>> -> memref<64xf32, #tpu.memory_space<hbm>>
          %dma_wait3A_426 = arith.constant 0 : i32
          %dma_wait3A_427 = tpu.memref_slice %arg5[%dma_wait3A_418, %dma_wait3A_419, %dma_wait3A_426] : memref<2048x8x64xf32, #tpu.memory_space<hbm>> -> memref<1x1x64xf32, #tpu.memory_space<hbm>>
          %dma_wait3A_428 = tpu.memref_squeeze %dma_wait3A_427 : memref<1x1x64xf32, #tpu.memory_space<hbm>> -> memref<64xf32, #tpu.memory_space<hbm>>
          %dma_wait3A_429 = arith.constant 0 : i32
          %dma_wait3A_430 = tpu.memref_slice %arg13[%dma_wait3A_416, %dma_wait3A_417, %dma_wait3A_429] : memref<2x8x64xf32, #tpu.memory_space<vmem>> -> memref<1x1x64xf32, #tpu.memory_space<vmem>>
          %dma_wait3A_431 = tpu.memref_squeeze %dma_wait3A_430 : memref<1x1x64xf32, #tpu.memory_space<vmem>> -> memref<64xf32, #tpu.memory_space<vmem>>
          tpu.wait_dma2 semaphore(%arg20 : memref<!tpu.dma_semaphore, #tpu.memory_space<semaphore_mem>>) src(%dma_wait3A_431 : memref<64xf32, #tpu.memory_space<vmem>>) dst(%dma_wait3A_428 : memref<64xf32, #tpu.memory_space<hbm>>)
        } else {
        }
        %add3A_366 = arith.constant 0 : i32
        %add3A_367 = vector.broadcast %add3A_366 : i32 to vector<16xi32>
        %add3A_368 = arith.addi %iota3A, %add3A_367 : vector<16xi32>
        %gather3A = tpu.vector_load_idx %arg9[%add3A_368, %broadcast_in_dim3A] : memref<64x256xf32, #tpu.memory_space<vmem>>[vector<16xi32>, vector<16xi32>], vector<16xf32>,
        %broadcast_in_dim3A_369 = vector.broadcast %shift_right_logical3A_358 : i32 to vector<16xi32>
        %broadcast_in_dim3A_370 = vector.broadcast %and3A_360 : i32 to vector<16xi32>
        %add3A_371 = arith.constant 0 : i32
        %add3A_372 = vector.broadcast %add3A_371 : i32 to vector<16xi32>
        %add3A_373 = arith.addi %iota3A, %add3A_372 : vector<16xi32>
        tpu.vector_store_idx %arg13[%broadcast_in_dim3A_369, %broadcast_in_dim3A_370, %add3A_373], %gather3A : memref<2x8x64xf32, #tpu.memory_space<vmem>>[vector<16xi32>, vector<16xi32>, vector<16xi32>], vector<16xf32>,
        %add3A_374 = arith.constant 16 : i32
        %add3A_375 = vector.broadcast %add3A_374 : i32 to vector<16xi32>
        %add3A_376 = arith.addi %iota3A, %add3A_375 : vector<16xi32>
        %gather3A_377 = tpu.vector_load_idx %arg9[%add3A_376, %broadcast_in_dim3A] : memref<64x256xf32, #tpu.memory_space<vmem>>[vector<16xi32>, vector<16xi32>], vector<16xf32>,
        %broadcast_in_dim3A_378 = vector.broadcast %shift_right_logical3A_358 : i32 to vector<16xi32>
        %broadcast_in_dim3A_379 = vector.broadcast %and3A_360 : i32 to vector<16xi32>
        %add3A_380 = arith.constant 16 : i32
        %add3A_381 = vector.broadcast %add3A_380 : i32 to vector<16xi32>
        %add3A_382 = arith.addi %iota3A, %add3A_381 : vector<16xi32>
        tpu.vector_store_idx %arg13[%broadcast_in_dim3A_378, %broadcast_in_dim3A_379, %add3A_382], %gather3A_377 : memref<2x8x64xf32, #tpu.memory_space<vmem>>[vector<16xi32>, vector<16xi32>, vector<16xi32>], vector<16xf32>,
        %add3A_383 = arith.constant 32 : i32
        %add3A_384 = vector.broadcast %add3A_383 : i32 to vector<16xi32>
        %add3A_385 = arith.addi %iota3A, %add3A_384 : vector<16xi32>
        %gather3A_386 = tpu.vector_load_idx %arg9[%add3A_385, %broadcast_in_dim3A] : memref<64x256xf32, #tpu.memory_space<vmem>>[vector<16xi32>, vector<16xi32>], vector<16xf32>,
        %broadcast_in_dim3A_387 = vector.broadcast %shift_right_logical3A_358 : i32 to vector<16xi32>
        %broadcast_in_dim3A_388 = vector.broadcast %and3A_360 : i32 to vector<16xi32>
        %add3A_389 = arith.constant 32 : i32
        %add3A_390 = vector.broadcast %add3A_389 : i32 to vector<16xi32>
        %add3A_391 = arith.addi %iota3A, %add3A_390 : vector<16xi32>
        tpu.vector_store_idx %arg13[%broadcast_in_dim3A_387, %broadcast_in_dim3A_388, %add3A_391], %gather3A_386 : memref<2x8x64xf32, #tpu.memory_space<vmem>>[vector<16xi32>, vector<16xi32>, vector<16xi32>], vector<16xf32>,
        %add3A_392 = arith.constant 48 : i32
        %add3A_393 = vector.broadcast %add3A_392 : i32 to vector<16xi32>
        %add3A_394 = arith.addi %iota3A, %add3A_393 : vector<16xi32>
        %gather3A_395 = tpu.vector_load_idx %arg9[%add3A_394, %broadcast_in_dim3A] : memref<64x256xf32, #tpu.memory_space<vmem>>[vector<16xi32>, vector<16xi32>], vector<16xf32>,
        %broadcast_in_dim3A_396 = vector.broadcast %shift_right_logical3A_358 : i32 to vector<16xi32>
        %broadcast_in_dim3A_397 = vector.broadcast %and3A_360 : i32 to vector<16xi32>
        %add3A_398 = arith.constant 48 : i32
        %add3A_399 = vector.broadcast %add3A_398 : i32 to vector<16xi32>
        %add3A_400 = arith.addi %iota3A, %add3A_399 : vector<16xi32>
        tpu.vector_store_idx %arg13[%broadcast_in_dim3A_396, %broadcast_in_dim3A_397, %add3A_400], %gather3A_395 : memref<2x8x64xf32, #tpu.memory_space<vmem>>[vector<16xi32>, vector<16xi32>, vector<16xi32>], vector<16xf32>,
        %shift_right_logical3A_401 = arith.constant 3 : i32
        %shift_right_logical3A_402 = arith.shrui %and3A_352, %shift_right_logical3A_401 : i32
        %and3A_403 = arith.constant 7 : i32
        %and3A_404 = arith.andi %and3A_352, %and3A_403 : i32
        %dma_start3A = arith.constant 0 : i32
        %dma_start3A_405 = tpu.memref_slice %arg13[%shift_right_logical3A_358, %and3A_360, %dma_start3A] : memref<2x8x64xf32, #tpu.memory_space<vmem>> -> memref<1x1x64xf32, #tpu.memory_space<vmem>>
        %dma_start3A_406 = tpu.memref_squeeze %dma_start3A_405 : memref<1x1x64xf32, #tpu.memory_space<vmem>> -> memref<64xf32, #tpu.memory_space<vmem>>
        %dma_start3A_407 = arith.constant 0 : i32
        %dma_start3A_408 = tpu.memref_slice %arg5[%shift_right_logical3A_402, %and3A_404, %dma_start3A_407] : memref<2048x8x64xf32, #tpu.memory_space<hbm>> -> memref<1x1x64xf32, #tpu.memory_space<hbm>>
        %dma_start3A_409 = tpu.memref_squeeze %dma_start3A_408 : memref<1x1x64xf32, #tpu.memory_space<hbm>> -> memref<64xf32, #tpu.memory_space<hbm>>
        %dma_start3A_410 = arith.constant 0 : i32
        %dma_start3A_411 = tpu.memref_slice %arg5[%shift_right_logical3A_402, %and3A_404, %dma_start3A_410] : memref<2048x8x64xf32, #tpu.memory_space<hbm>> -> memref<1x1x64xf32, #tpu.memory_space<hbm>>
        %dma_start3A_412 = tpu.memref_squeeze %dma_start3A_411 : memref<1x1x64xf32, #tpu.memory_space<hbm>> -> memref<64xf32, #tpu.memory_space<hbm>>
        %dma_start3A_413 = arith.constant 0 : i32
        %dma_start3A_414 = tpu.memref_slice %arg13[%shift_right_logical3A_358, %and3A_360, %dma_start3A_413] : memref<2x8x64xf32, #tpu.memory_space<vmem>> -> memref<1x1x64xf32, #tpu.memory_space<vmem>>
        %dma_start3A_415 = tpu.memref_squeeze %dma_start3A_414 : memref<1x1x64xf32, #tpu.memory_space<vmem>> -> memref<64xf32, #tpu.memory_space<vmem>>
        tpu.enqueue_dma source(%dma_start3A_415 : memref<64xf32, #tpu.memory_space<vmem>>) target(%dma_start3A_412 : memref<64xf32, #tpu.memory_space<hbm>>) target_semaphore(%arg20 : memref<!tpu.dma_semaphore, #tpu.memory_space<semaphore_mem>>)
      }
      %add3A_219 = arith.constant 4 : i32
      %add3A_220 = arith.addi %add3A_197, %add3A_219 : i32
      %shift_left3A_221 = arith.constant 5 : i32
      %shift_left3A_222 = arith.shli %add3A_220, %shift_left3A_221 : i32
      %add3A_223 = arith.addi %add3A, %shift_left3A_222 : i32
      %lt3A_224 = arith.constant 3906 : i32
      %lt3A_225 = arith.cmpi slt, %add3A_223, %lt3A_224 : i32
      %convert_element_type3A_226 = arith.extui %lt3A_225 : i1 to i32
      %cond3A_227 = arith.constant 0 : i32
      %cond3A_228 = arith.cmpi ne, %convert_element_type3A_226, %cond3A_227 : i32
      scf.if %cond3A_228 {
        %mul3A_348 = arith.constant 256 : i32
        %mul3A_349 = arith.muli %add3A_223, %mul3A_348 : i32
        %multiple_of3A = tpu.assume_multiple %mul3A_349, 256 : i32
        %dma_start3A = arith.constant 0 : i32
        %dma_start3A_350 = tpu.memref_slice %arg3[%dma_start3A, %multiple_of3A] : memref<64x1000000xf32, #tpu.memory_space<hbm>> -> memref<64x256xf32, #tpu.memory_space<hbm>>
        %dma_start3A_351 = arith.constant 0 : i32
        %dma_start3A_352 = tpu.memref_slice %arg3[%dma_start3A_351, %multiple_of3A] : memref<64x1000000xf32, #tpu.memory_space<hbm>> -> memref<64x256xf32, #tpu.memory_space<hbm>>
        tpu.enqueue_dma source(%dma_start3A_352 : memref<64x256xf32, #tpu.memory_space<hbm>>) target(%arg9 : memref<64x256xf32, #tpu.memory_space<vmem>>) target_semaphore(%arg16 : memref<!tpu.dma_semaphore, #tpu.memory_space<semaphore_mem>>)
      } else {
      }
      %ge3A_229 = arith.constant 3906 : i32
      %ge3A_230 = arith.cmpi sge, %add3A_223, %ge3A_229 : i32
      %convert_element_type3A_231 = arith.extui %ge3A_230 : i1 to i32
      %cond3A_232 = arith.constant 0 : i32
      %cond3A_233 = arith.cmpi ne, %convert_element_type3A_231, %cond3A_232 : i32
      scf.if %cond3A_233 {
        tpu.enqueue_dma source(%arg4 : memref<64x256xf32, #tpu.memory_space<hbm>>) target(%arg9 : memref<64x256xf32, #tpu.memory_space<vmem>>) target_semaphore(%arg16 : memref<!tpu.dma_semaphore, #tpu.memory_space<semaphore_mem>>)
      } else {
      }
      %add3A_234 = arith.constant 1 : i32
      %add3A_235 = arith.addi %mul3A_195, %add3A_234 : i32
      %dma_wait3A_236 = arith.constant 0 : i32
      %dma_wait3A_237 = arith.constant 0 : i32
      %dma_wait3A_238 = tpu.memref_slice %arg3[%dma_wait3A_236, %dma_wait3A_237] : memref<64x1000000xf32, #tpu.memory_space<hbm>> -> memref<64x256xf32, #tpu.memory_space<hbm>>
      %dma_wait3A_239 = arith.constant 0 : i32
      %dma_wait3A_240 = arith.constant 0 : i32
      %dma_wait3A_241 = tpu.memref_slice %arg3[%dma_wait3A_239, %dma_wait3A_240] : memref<64x1000000xf32, #tpu.memory_space<hbm>> -> memref<64x256xf32, #tpu.memory_space<hbm>>
      tpu.wait_dma2 semaphore(%arg17 : memref<!tpu.dma_semaphore, #tpu.memory_space<semaphore_mem>>) src(%dma_wait3A_241 : memref<64x256xf32, #tpu.memory_space<hbm>>) dst(%arg10 : memref<64x256xf32, #tpu.memory_space<vmem>>)
      %get3A_242 = arith.index_cast %add3A_235 : i32 to index
      %get3A_243 = memref.load %arg14[%get3A_242] : memref<125xi32, #tpu.memory_space<smem>>
      %add3A_244 = arith.constant 1 : i32
      %add3A_245 = arith.addi %add3A_235, %add3A_244 : i32
      %get3A_246 = arith.index_cast %add3A_245 : i32 to index
      %get3A_247 = memref.load %arg14[%get3A_246] : memref<125xi32, #tpu.memory_space<smem>>
      %while3A_248 = arith.constant 0 : i32
      %while3A_249 = arith.subi %get3A_247, %get3A_243 : i32
      %while3A_250 = arith.addi %get3A_243, %while3A_249 : i32
      %while3A_251 = arith.constant 1 : i32
      %while3A_252 = arith.divsi %while3A_249, %while3A_251 : i32
      %while3A_253 = arith.muli %while3A_252, %while3A_251 : i32
      %while3A_254 = arith.addi %get3A_243, %while3A_253 : i32
      %while3A_255 = arith.constant 1 : i32
      scf.for %while3A_348 = %get3A_243 to %while3A_254 step %while3A_255  : i32 {
        %get3A_349 = arith.index_cast %while3A_348 : i32 to index
        %get3A_350 = tpu.vector_load %arg8[%get3A_349] {strides = array<i32>} : memref<16400xi32, #tpu.memory_space<vmem>>, vector<16xi32>,
        %slice3A = vector.extract_strided_slice %get3A_350 {offsets = [0], sizes = [1], strides = [1]} : vector<16xi32> to vector<1xi32>
        %squeeze3A = vector.extract %slice3A[0] : i32 from vector<1xi32>
        %shift_right_logical3A = arith.constant 8 : i32
        %shift_right_logical3A_351 = arith.shrui %squeeze3A, %shift_right_logical3A : i32
        %and3A = arith.constant 16383 : i32
        %and3A_352 = arith.andi %shift_right_logical3A_351, %and3A : i32
        %and3A_353 = arith.constant 255 : i32
        %and3A_354 = arith.andi %squeeze3A, %and3A_353 : i32
        %broadcast_in_dim3A = vector.broadcast %and3A_354 : i32 to vector<16xi32>
        %and3A_355 = arith.constant 15 : i32
        %and3A_356 = arith.andi %while3A_348, %and3A_355 : i32
        %shift_right_logical3A_357 = arith.constant 3 : i32
        %shift_right_logical3A_358 = arith.shrui %and3A_356, %shift_right_logical3A_357 : i32
        %and3A_359 = arith.constant 7 : i32
        %and3A_360 = arith.andi %and3A_356, %and3A_359 : i32
        %ge3A_361 = arith.constant 16 : i32
        %ge3A_362 = arith.cmpi sge, %while3A_348, %ge3A_361 : i32
        %convert_element_type3A_363 = arith.extui %ge3A_362 : i1 to i32
        %cond3A_364 = arith.constant 0 : i32
        %cond3A_365 = arith.cmpi ne, %convert_element_type3A_363, %cond3A_364 : i32
        scf.if %cond3A_365 {
          %dma_wait3A_416 = arith.constant 0 : i32
          %dma_wait3A_417 = arith.constant 0 : i32
          %dma_wait3A_418 = arith.constant 0 : i32
          %dma_wait3A_419 = arith.constant 0 : i32
          %dma_wait3A_420 = arith.constant 0 : i32
          %dma_wait3A_421 = tpu.memref_slice %arg13[%dma_wait3A_416, %dma_wait3A_417, %dma_wait3A_420] : memref<2x8x64xf32, #tpu.memory_space<vmem>> -> memref<1x1x64xf32, #tpu.memory_space<vmem>>
          %dma_wait3A_422 = tpu.memref_squeeze %dma_wait3A_421 : memref<1x1x64xf32, #tpu.memory_space<vmem>> -> memref<64xf32, #tpu.memory_space<vmem>>
          %dma_wait3A_423 = arith.constant 0 : i32
          %dma_wait3A_424 = tpu.memref_slice %arg5[%dma_wait3A_418, %dma_wait3A_419, %dma_wait3A_423] : memref<2048x8x64xf32, #tpu.memory_space<hbm>> -> memref<1x1x64xf32, #tpu.memory_space<hbm>>
          %dma_wait3A_425 = tpu.memref_squeeze %dma_wait3A_424 : memref<1x1x64xf32, #tpu.memory_space<hbm>> -> memref<64xf32, #tpu.memory_space<hbm>>
          %dma_wait3A_426 = arith.constant 0 : i32
          %dma_wait3A_427 = tpu.memref_slice %arg5[%dma_wait3A_418, %dma_wait3A_419, %dma_wait3A_426] : memref<2048x8x64xf32, #tpu.memory_space<hbm>> -> memref<1x1x64xf32, #tpu.memory_space<hbm>>
          %dma_wait3A_428 = tpu.memref_squeeze %dma_wait3A_427 : memref<1x1x64xf32, #tpu.memory_space<hbm>> -> memref<64xf32, #tpu.memory_space<hbm>>
          %dma_wait3A_429 = arith.constant 0 : i32
          %dma_wait3A_430 = tpu.memref_slice %arg13[%dma_wait3A_416, %dma_wait3A_417, %dma_wait3A_429] : memref<2x8x64xf32, #tpu.memory_space<vmem>> -> memref<1x1x64xf32, #tpu.memory_space<vmem>>
          %dma_wait3A_431 = tpu.memref_squeeze %dma_wait3A_430 : memref<1x1x64xf32, #tpu.memory_space<vmem>> -> memref<64xf32, #tpu.memory_space<vmem>>
          tpu.wait_dma2 semaphore(%arg20 : memref<!tpu.dma_semaphore, #tpu.memory_space<semaphore_mem>>) src(%dma_wait3A_431 : memref<64xf32, #tpu.memory_space<vmem>>) dst(%dma_wait3A_428 : memref<64xf32, #tpu.memory_space<hbm>>)
        } else {
        }
        %add3A_366 = arith.constant 0 : i32
        %add3A_367 = vector.broadcast %add3A_366 : i32 to vector<16xi32>
        %add3A_368 = arith.addi %iota3A, %add3A_367 : vector<16xi32>
        %gather3A = tpu.vector_load_idx %arg10[%add3A_368, %broadcast_in_dim3A] : memref<64x256xf32, #tpu.memory_space<vmem>>[vector<16xi32>, vector<16xi32>], vector<16xf32>,
        %broadcast_in_dim3A_369 = vector.broadcast %shift_right_logical3A_358 : i32 to vector<16xi32>
        %broadcast_in_dim3A_370 = vector.broadcast %and3A_360 : i32 to vector<16xi32>
        %add3A_371 = arith.constant 0 : i32
        %add3A_372 = vector.broadcast %add3A_371 : i32 to vector<16xi32>
        %add3A_373 = arith.addi %iota3A, %add3A_372 : vector<16xi32>
        tpu.vector_store_idx %arg13[%broadcast_in_dim3A_369, %broadcast_in_dim3A_370, %add3A_373], %gather3A : memref<2x8x64xf32, #tpu.memory_space<vmem>>[vector<16xi32>, vector<16xi32>, vector<16xi32>], vector<16xf32>,
        %add3A_374 = arith.constant 16 : i32
        %add3A_375 = vector.broadcast %add3A_374 : i32 to vector<16xi32>
        %add3A_376 = arith.addi %iota3A, %add3A_375 : vector<16xi32>
        %gather3A_377 = tpu.vector_load_idx %arg10[%add3A_376, %broadcast_in_dim3A] : memref<64x256xf32, #tpu.memory_space<vmem>>[vector<16xi32>, vector<16xi32>], vector<16xf32>,
        %broadcast_in_dim3A_378 = vector.broadcast %shift_right_logical3A_358 : i32 to vector<16xi32>
        %broadcast_in_dim3A_379 = vector.broadcast %and3A_360 : i32 to vector<16xi32>
        %add3A_380 = arith.constant 16 : i32
        %add3A_381 = vector.broadcast %add3A_380 : i32 to vector<16xi32>
        %add3A_382 = arith.addi %iota3A, %add3A_381 : vector<16xi32>
        tpu.vector_store_idx %arg13[%broadcast_in_dim3A_378, %broadcast_in_dim3A_379, %add3A_382], %gather3A_377 : memref<2x8x64xf32, #tpu.memory_space<vmem>>[vector<16xi32>, vector<16xi32>, vector<16xi32>], vector<16xf32>,
        %add3A_383 = arith.constant 32 : i32
        %add3A_384 = vector.broadcast %add3A_383 : i32 to vector<16xi32>
        %add3A_385 = arith.addi %iota3A, %add3A_384 : vector<16xi32>
        %gather3A_386 = tpu.vector_load_idx %arg10[%add3A_385, %broadcast_in_dim3A] : memref<64x256xf32, #tpu.memory_space<vmem>>[vector<16xi32>, vector<16xi32>], vector<16xf32>,
        %broadcast_in_dim3A_387 = vector.broadcast %shift_right_logical3A_358 : i32 to vector<16xi32>
        %broadcast_in_dim3A_388 = vector.broadcast %and3A_360 : i32 to vector<16xi32>
        %add3A_389 = arith.constant 32 : i32
        %add3A_390 = vector.broadcast %add3A_389 : i32 to vector<16xi32>
        %add3A_391 = arith.addi %iota3A, %add3A_390 : vector<16xi32>
        tpu.vector_store_idx %arg13[%broadcast_in_dim3A_387, %broadcast_in_dim3A_388, %add3A_391], %gather3A_386 : memref<2x8x64xf32, #tpu.memory_space<vmem>>[vector<16xi32>, vector<16xi32>, vector<16xi32>], vector<16xf32>,
        %add3A_392 = arith.constant 48 : i32
        %add3A_393 = vector.broadcast %add3A_392 : i32 to vector<16xi32>
        %add3A_394 = arith.addi %iota3A, %add3A_393 : vector<16xi32>
        %gather3A_395 = tpu.vector_load_idx %arg10[%add3A_394, %broadcast_in_dim3A] : memref<64x256xf32, #tpu.memory_space<vmem>>[vector<16xi32>, vector<16xi32>], vector<16xf32>,
        %broadcast_in_dim3A_396 = vector.broadcast %shift_right_logical3A_358 : i32 to vector<16xi32>
        %broadcast_in_dim3A_397 = vector.broadcast %and3A_360 : i32 to vector<16xi32>
        %add3A_398 = arith.constant 48 : i32
        %add3A_399 = vector.broadcast %add3A_398 : i32 to vector<16xi32>
        %add3A_400 = arith.addi %iota3A, %add3A_399 : vector<16xi32>
        tpu.vector_store_idx %arg13[%broadcast_in_dim3A_396, %broadcast_in_dim3A_397, %add3A_400], %gather3A_395 : memref<2x8x64xf32, #tpu.memory_space<vmem>>[vector<16xi32>, vector<16xi32>, vector<16xi32>], vector<16xf32>,
        %shift_right_logical3A_401 = arith.constant 3 : i32
        %shift_right_logical3A_402 = arith.shrui %and3A_352, %shift_right_logical3A_401 : i32
        %and3A_403 = arith.constant 7 : i32
        %and3A_404 = arith.andi %and3A_352, %and3A_403 : i32
        %dma_start3A = arith.constant 0 : i32
        %dma_start3A_405 = tpu.memref_slice %arg13[%shift_right_logical3A_358, %and3A_360, %dma_start3A] : memref<2x8x64xf32, #tpu.memory_space<vmem>> -> memref<1x1x64xf32, #tpu.memory_space<vmem>>
        %dma_start3A_406 = tpu.memref_squeeze %dma_start3A_405 : memref<1x1x64xf32, #tpu.memory_space<vmem>> -> memref<64xf32, #tpu.memory_space<vmem>>
        %dma_start3A_407 = arith.constant 0 : i32
        %dma_start3A_408 = tpu.memref_slice %arg5[%shift_right_logical3A_402, %and3A_404, %dma_start3A_407] : memref<2048x8x64xf32, #tpu.memory_space<hbm>> -> memref<1x1x64xf32, #tpu.memory_space<hbm>>
        %dma_start3A_409 = tpu.memref_squeeze %dma_start3A_408 : memref<1x1x64xf32, #tpu.memory_space<hbm>> -> memref<64xf32, #tpu.memory_space<hbm>>
        %dma_start3A_410 = arith.constant 0 : i32
        %dma_start3A_411 = tpu.memref_slice %arg5[%shift_right_logical3A_402, %and3A_404, %dma_start3A_410] : memref<2048x8x64xf32, #tpu.memory_space<hbm>> -> memref<1x1x64xf32, #tpu.memory_space<hbm>>
        %dma_start3A_412 = tpu.memref_squeeze %dma_start3A_411 : memref<1x1x64xf32, #tpu.memory_space<hbm>> -> memref<64xf32, #tpu.memory_space<hbm>>
        %dma_start3A_413 = arith.constant 0 : i32
        %dma_start3A_414 = tpu.memref_slice %arg13[%shift_right_logical3A_358, %and3A_360, %dma_start3A_413] : memref<2x8x64xf32, #tpu.memory_space<vmem>> -> memref<1x1x64xf32, #tpu.memory_space<vmem>>
        %dma_start3A_415 = tpu.memref_squeeze %dma_start3A_414 : memref<1x1x64xf32, #tpu.memory_space<vmem>> -> memref<64xf32, #tpu.memory_space<vmem>>
        tpu.enqueue_dma source(%dma_start3A_415 : memref<64xf32, #tpu.memory_space<vmem>>) target(%dma_start3A_412 : memref<64xf32, #tpu.memory_space<hbm>>) target_semaphore(%arg20 : memref<!tpu.dma_semaphore, #tpu.memory_space<semaphore_mem>>)
      }
      %while3A_256 = arith.constant 1 : i32
      scf.for %while3A_348 = %while3A_254 to %while3A_250 step %while3A_256  : i32 {
        %get3A_349 = arith.index_cast %while3A_348 : i32 to index
        %get3A_350 = tpu.vector_load %arg8[%get3A_349] {strides = array<i32>} : memref<16400xi32, #tpu.memory_space<vmem>>, vector<16xi32>,
        %slice3A = vector.extract_strided_slice %get3A_350 {offsets = [0], sizes = [1], strides = [1]} : vector<16xi32> to vector<1xi32>
        %squeeze3A = vector.extract %slice3A[0] : i32 from vector<1xi32>
        %shift_right_logical3A = arith.constant 8 : i32
        %shift_right_logical3A_351 = arith.shrui %squeeze3A, %shift_right_logical3A : i32
        %and3A = arith.constant 16383 : i32
        %and3A_352 = arith.andi %shift_right_logical3A_351, %and3A : i32
        %and3A_353 = arith.constant 255 : i32
        %and3A_354 = arith.andi %squeeze3A, %and3A_353 : i32
        %broadcast_in_dim3A = vector.broadcast %and3A_354 : i32 to vector<16xi32>
        %and3A_355 = arith.constant 15 : i32
        %and3A_356 = arith.andi %while3A_348, %and3A_355 : i32
        %shift_right_logical3A_357 = arith.constant 3 : i32
        %shift_right_logical3A_358 = arith.shrui %and3A_356, %shift_right_logical3A_357 : i32
        %and3A_359 = arith.constant 7 : i32
        %and3A_360 = arith.andi %and3A_356, %and3A_359 : i32
        %ge3A_361 = arith.constant 16 : i32
        %ge3A_362 = arith.cmpi sge, %while3A_348, %ge3A_361 : i32
        %convert_element_type3A_363 = arith.extui %ge3A_362 : i1 to i32
        %cond3A_364 = arith.constant 0 : i32
        %cond3A_365 = arith.cmpi ne, %convert_element_type3A_363, %cond3A_364 : i32
        scf.if %cond3A_365 {
          %dma_wait3A_416 = arith.constant 0 : i32
          %dma_wait3A_417 = arith.constant 0 : i32
          %dma_wait3A_418 = arith.constant 0 : i32
          %dma_wait3A_419 = arith.constant 0 : i32
          %dma_wait3A_420 = arith.constant 0 : i32
          %dma_wait3A_421 = tpu.memref_slice %arg13[%dma_wait3A_416, %dma_wait3A_417, %dma_wait3A_420] : memref<2x8x64xf32, #tpu.memory_space<vmem>> -> memref<1x1x64xf32, #tpu.memory_space<vmem>>
          %dma_wait3A_422 = tpu.memref_squeeze %dma_wait3A_421 : memref<1x1x64xf32, #tpu.memory_space<vmem>> -> memref<64xf32, #tpu.memory_space<vmem>>
          %dma_wait3A_423 = arith.constant 0 : i32
          %dma_wait3A_424 = tpu.memref_slice %arg5[%dma_wait3A_418, %dma_wait3A_419, %dma_wait3A_423] : memref<2048x8x64xf32, #tpu.memory_space<hbm>> -> memref<1x1x64xf32, #tpu.memory_space<hbm>>
          %dma_wait3A_425 = tpu.memref_squeeze %dma_wait3A_424 : memref<1x1x64xf32, #tpu.memory_space<hbm>> -> memref<64xf32, #tpu.memory_space<hbm>>
          %dma_wait3A_426 = arith.constant 0 : i32
          %dma_wait3A_427 = tpu.memref_slice %arg5[%dma_wait3A_418, %dma_wait3A_419, %dma_wait3A_426] : memref<2048x8x64xf32, #tpu.memory_space<hbm>> -> memref<1x1x64xf32, #tpu.memory_space<hbm>>
          %dma_wait3A_428 = tpu.memref_squeeze %dma_wait3A_427 : memref<1x1x64xf32, #tpu.memory_space<hbm>> -> memref<64xf32, #tpu.memory_space<hbm>>
          %dma_wait3A_429 = arith.constant 0 : i32
          %dma_wait3A_430 = tpu.memref_slice %arg13[%dma_wait3A_416, %dma_wait3A_417, %dma_wait3A_429] : memref<2x8x64xf32, #tpu.memory_space<vmem>> -> memref<1x1x64xf32, #tpu.memory_space<vmem>>
          %dma_wait3A_431 = tpu.memref_squeeze %dma_wait3A_430 : memref<1x1x64xf32, #tpu.memory_space<vmem>> -> memref<64xf32, #tpu.memory_space<vmem>>
          tpu.wait_dma2 semaphore(%arg20 : memref<!tpu.dma_semaphore, #tpu.memory_space<semaphore_mem>>) src(%dma_wait3A_431 : memref<64xf32, #tpu.memory_space<vmem>>) dst(%dma_wait3A_428 : memref<64xf32, #tpu.memory_space<hbm>>)
        } else {
        }
        %add3A_366 = arith.constant 0 : i32
        %add3A_367 = vector.broadcast %add3A_366 : i32 to vector<16xi32>
        %add3A_368 = arith.addi %iota3A, %add3A_367 : vector<16xi32>
        %gather3A = tpu.vector_load_idx %arg10[%add3A_368, %broadcast_in_dim3A] : memref<64x256xf32, #tpu.memory_space<vmem>>[vector<16xi32>, vector<16xi32>], vector<16xf32>,
        %broadcast_in_dim3A_369 = vector.broadcast %shift_right_logical3A_358 : i32 to vector<16xi32>
        %broadcast_in_dim3A_370 = vector.broadcast %and3A_360 : i32 to vector<16xi32>
        %add3A_371 = arith.constant 0 : i32
        %add3A_372 = vector.broadcast %add3A_371 : i32 to vector<16xi32>
        %add3A_373 = arith.addi %iota3A, %add3A_372 : vector<16xi32>
        tpu.vector_store_idx %arg13[%broadcast_in_dim3A_369, %broadcast_in_dim3A_370, %add3A_373], %gather3A : memref<2x8x64xf32, #tpu.memory_space<vmem>>[vector<16xi32>, vector<16xi32>, vector<16xi32>], vector<16xf32>,
        %add3A_374 = arith.constant 16 : i32
        %add3A_375 = vector.broadcast %add3A_374 : i32 to vector<16xi32>
        %add3A_376 = arith.addi %iota3A, %add3A_375 : vector<16xi32>
        %gather3A_377 = tpu.vector_load_idx %arg10[%add3A_376, %broadcast_in_dim3A] : memref<64x256xf32, #tpu.memory_space<vmem>>[vector<16xi32>, vector<16xi32>], vector<16xf32>,
        %broadcast_in_dim3A_378 = vector.broadcast %shift_right_logical3A_358 : i32 to vector<16xi32>
        %broadcast_in_dim3A_379 = vector.broadcast %and3A_360 : i32 to vector<16xi32>
        %add3A_380 = arith.constant 16 : i32
        %add3A_381 = vector.broadcast %add3A_380 : i32 to vector<16xi32>
        %add3A_382 = arith.addi %iota3A, %add3A_381 : vector<16xi32>
        tpu.vector_store_idx %arg13[%broadcast_in_dim3A_378, %broadcast_in_dim3A_379, %add3A_382], %gather3A_377 : memref<2x8x64xf32, #tpu.memory_space<vmem>>[vector<16xi32>, vector<16xi32>, vector<16xi32>], vector<16xf32>,
        %add3A_383 = arith.constant 32 : i32
        %add3A_384 = vector.broadcast %add3A_383 : i32 to vector<16xi32>
        %add3A_385 = arith.addi %iota3A, %add3A_384 : vector<16xi32>
        %gather3A_386 = tpu.vector_load_idx %arg10[%add3A_385, %broadcast_in_dim3A] : memref<64x256xf32, #tpu.memory_space<vmem>>[vector<16xi32>, vector<16xi32>], vector<16xf32>,
        %broadcast_in_dim3A_387 = vector.broadcast %shift_right_logical3A_358 : i32 to vector<16xi32>
        %broadcast_in_dim3A_388 = vector.broadcast %and3A_360 : i32 to vector<16xi32>
        %add3A_389 = arith.constant 32 : i32
        %add3A_390 = vector.broadcast %add3A_389 : i32 to vector<16xi32>
        %add3A_391 = arith.addi %iota3A, %add3A_390 : vector<16xi32>
        tpu.vector_store_idx %arg13[%broadcast_in_dim3A_387, %broadcast_in_dim3A_388, %add3A_391], %gather3A_386 : memref<2x8x64xf32, #tpu.memory_space<vmem>>[vector<16xi32>, vector<16xi32>, vector<16xi32>], vector<16xf32>,
        %add3A_392 = arith.constant 48 : i32
        %add3A_393 = vector.broadcast %add3A_392 : i32 to vector<16xi32>
        %add3A_394 = arith.addi %iota3A, %add3A_393 : vector<16xi32>
        %gather3A_395 = tpu.vector_load_idx %arg10[%add3A_394, %broadcast_in_dim3A] : memref<64x256xf32, #tpu.memory_space<vmem>>[vector<16xi32>, vector<16xi32>], vector<16xf32>,
        %broadcast_in_dim3A_396 = vector.broadcast %shift_right_logical3A_358 : i32 to vector<16xi32>
        %broadcast_in_dim3A_397 = vector.broadcast %and3A_360 : i32 to vector<16xi32>
        %add3A_398 = arith.constant 48 : i32
        %add3A_399 = vector.broadcast %add3A_398 : i32 to vector<16xi32>
        %add3A_400 = arith.addi %iota3A, %add3A_399 : vector<16xi32>
        tpu.vector_store_idx %arg13[%broadcast_in_dim3A_396, %broadcast_in_dim3A_397, %add3A_400], %gather3A_395 : memref<2x8x64xf32, #tpu.memory_space<vmem>>[vector<16xi32>, vector<16xi32>, vector<16xi32>], vector<16xf32>,
        %shift_right_logical3A_401 = arith.constant 3 : i32
        %shift_right_logical3A_402 = arith.shrui %and3A_352, %shift_right_logical3A_401 : i32
        %and3A_403 = arith.constant 7 : i32
        %and3A_404 = arith.andi %and3A_352, %and3A_403 : i32
        %dma_start3A = arith.constant 0 : i32
        %dma_start3A_405 = tpu.memref_slice %arg13[%shift_right_logical3A_358, %and3A_360, %dma_start3A] : memref<2x8x64xf32, #tpu.memory_space<vmem>> -> memref<1x1x64xf32, #tpu.memory_space<vmem>>
        %dma_start3A_406 = tpu.memref_squeeze %dma_start3A_405 : memref<1x1x64xf32, #tpu.memory_space<vmem>> -> memref<64xf32, #tpu.memory_space<vmem>>
        %dma_start3A_407 = arith.constant 0 : i32
        %dma_start3A_408 = tpu.memref_slice %arg5[%shift_right_logical3A_402, %and3A_404, %dma_start3A_407] : memref<2048x8x64xf32, #tpu.memory_space<hbm>> -> memref<1x1x64xf32, #tpu.memory_space<hbm>>
        %dma_start3A_409 = tpu.memref_squeeze %dma_start3A_408 : memref<1x1x64xf32, #tpu.memory_space<hbm>> -> memref<64xf32, #tpu.memory_space<hbm>>
        %dma_start3A_410 = arith.constant 0 : i32
        %dma_start3A_411 = tpu.memref_slice %arg5[%shift_right_logical3A_402, %and3A_404, %dma_start3A_410] : memref<2048x8x64xf32, #tpu.memory_space<hbm>> -> memref<1x1x64xf32, #tpu.memory_space<hbm>>
        %dma_start3A_412 = tpu.memref_squeeze %dma_start3A_411 : memref<1x1x64xf32, #tpu.memory_space<hbm>> -> memref<64xf32, #tpu.memory_space<hbm>>
        %dma_start3A_413 = arith.constant 0 : i32
        %dma_start3A_414 = tpu.memref_slice %arg13[%shift_right_logical3A_358, %and3A_360, %dma_start3A_413] : memref<2x8x64xf32, #tpu.memory_space<vmem>> -> memref<1x1x64xf32, #tpu.memory_space<vmem>>
        %dma_start3A_415 = tpu.memref_squeeze %dma_start3A_414 : memref<1x1x64xf32, #tpu.memory_space<vmem>> -> memref<64xf32, #tpu.memory_space<vmem>>
        tpu.enqueue_dma source(%dma_start3A_415 : memref<64xf32, #tpu.memory_space<vmem>>) target(%dma_start3A_412 : memref<64xf32, #tpu.memory_space<hbm>>) target_semaphore(%arg20 : memref<!tpu.dma_semaphore, #tpu.memory_space<semaphore_mem>>)
      }
      %add3A_257 = arith.constant 4 : i32
      %add3A_258 = arith.addi %add3A_235, %add3A_257 : i32
      %shift_left3A_259 = arith.constant 5 : i32
      %shift_left3A_260 = arith.shli %add3A_258, %shift_left3A_259 : i32
      %add3A_261 = arith.addi %add3A, %shift_left3A_260 : i32
      %lt3A_262 = arith.constant 3906 : i32
      %lt3A_263 = arith.cmpi slt, %add3A_261, %lt3A_262 : i32
      %convert_element_type3A_264 = arith.extui %lt3A_263 : i1 to i32
      %cond3A_265 = arith.constant 0 : i32
      %cond3A_266 = arith.cmpi ne, %convert_element_type3A_264, %cond3A_265 : i32
      scf.if %cond3A_266 {
        %mul3A_348 = arith.constant 256 : i32
        %mul3A_349 = arith.muli %add3A_261, %mul3A_348 : i32
        %multiple_of3A = tpu.assume_multiple %mul3A_349, 256 : i32
        %dma_start3A = arith.constant 0 : i32
        %dma_start3A_350 = tpu.memref_slice %arg3[%dma_start3A, %multiple_of3A] : memref<64x1000000xf32, #tpu.memory_space<hbm>> -> memref<64x256xf32, #tpu.memory_space<hbm>>
        %dma_start3A_351 = arith.constant 0 : i32
        %dma_start3A_352 = tpu.memref_slice %arg3[%dma_start3A_351, %multiple_of3A] : memref<64x1000000xf32, #tpu.memory_space<hbm>> -> memref<64x256xf32, #tpu.memory_space<hbm>>
        tpu.enqueue_dma source(%dma_start3A_352 : memref<64x256xf32, #tpu.memory_space<hbm>>) target(%arg10 : memref<64x256xf32, #tpu.memory_space<vmem>>) target_semaphore(%arg17 : memref<!tpu.dma_semaphore, #tpu.memory_space<semaphore_mem>>)
      } else {
      }
      %ge3A_267 = arith.constant 3906 : i32
      %ge3A_268 = arith.cmpi sge, %add3A_261, %ge3A_267 : i32
      %convert_element_type3A_269 = arith.extui %ge3A_268 : i1 to i32
      %cond3A_270 = arith.constant 0 : i32
      %cond3A_271 = arith.cmpi ne, %convert_element_type3A_269, %cond3A_270 : i32
      scf.if %cond3A_271 {
        tpu.enqueue_dma source(%arg4 : memref<64x256xf32, #tpu.memory_space<hbm>>) target(%arg10 : memref<64x256xf32, #tpu.memory_space<vmem>>) target_semaphore(%arg17 : memref<!tpu.dma_semaphore, #tpu.memory_space<semaphore_mem>>)
      } else {
      }
      %add3A_272 = arith.constant 2 : i32
      %add3A_273 = arith.addi %mul3A_195, %add3A_272 : i32
      %dma_wait3A_274 = arith.constant 0 : i32
      %dma_wait3A_275 = arith.constant 0 : i32
      %dma_wait3A_276 = tpu.memref_slice %arg3[%dma_wait3A_274, %dma_wait3A_275] : memref<64x1000000xf32, #tpu.memory_space<hbm>> -> memref<64x256xf32, #tpu.memory_space<hbm>>
      %dma_wait3A_277 = arith.constant 0 : i32
      %dma_wait3A_278 = arith.constant 0 : i32
      %dma_wait3A_279 = tpu.memref_slice %arg3[%dma_wait3A_277, %dma_wait3A_278] : memref<64x1000000xf32, #tpu.memory_space<hbm>> -> memref<64x256xf32, #tpu.memory_space<hbm>>
      tpu.wait_dma2 semaphore(%arg18 : memref<!tpu.dma_semaphore, #tpu.memory_space<semaphore_mem>>) src(%dma_wait3A_279 : memref<64x256xf32, #tpu.memory_space<hbm>>) dst(%arg11 : memref<64x256xf32, #tpu.memory_space<vmem>>)
      %get3A_280 = arith.index_cast %add3A_273 : i32 to index
      %get3A_281 = memref.load %arg14[%get3A_280] : memref<125xi32, #tpu.memory_space<smem>>
      %add3A_282 = arith.constant 1 : i32
      %add3A_283 = arith.addi %add3A_273, %add3A_282 : i32
      %get3A_284 = arith.index_cast %add3A_283 : i32 to index
      %get3A_285 = memref.load %arg14[%get3A_284] : memref<125xi32, #tpu.memory_space<smem>>
      %while3A_286 = arith.constant 0 : i32
      %while3A_287 = arith.subi %get3A_285, %get3A_281 : i32
      %while3A_288 = arith.addi %get3A_281, %while3A_287 : i32
      %while3A_289 = arith.constant 1 : i32
      %while3A_290 = arith.divsi %while3A_287, %while3A_289 : i32
      %while3A_291 = arith.muli %while3A_290, %while3A_289 : i32
      %while3A_292 = arith.addi %get3A_281, %while3A_291 : i32
      %while3A_293 = arith.constant 1 : i32
      scf.for %while3A_348 = %get3A_281 to %while3A_292 step %while3A_293  : i32 {
        %get3A_349 = arith.index_cast %while3A_348 : i32 to index
        %get3A_350 = tpu.vector_load %arg8[%get3A_349] {strides = array<i32>} : memref<16400xi32, #tpu.memory_space<vmem>>, vector<16xi32>,
        %slice3A = vector.extract_strided_slice %get3A_350 {offsets = [0], sizes = [1], strides = [1]} : vector<16xi32> to vector<1xi32>
        %squeeze3A = vector.extract %slice3A[0] : i32 from vector<1xi32>
        %shift_right_logical3A = arith.constant 8 : i32
        %shift_right_logical3A_351 = arith.shrui %squeeze3A, %shift_right_logical3A : i32
        %and3A = arith.constant 16383 : i32
        %and3A_352 = arith.andi %shift_right_logical3A_351, %and3A : i32
        %and3A_353 = arith.constant 255 : i32
        %and3A_354 = arith.andi %squeeze3A, %and3A_353 : i32
        %broadcast_in_dim3A = vector.broadcast %and3A_354 : i32 to vector<16xi32>
        %and3A_355 = arith.constant 15 : i32
        %and3A_356 = arith.andi %while3A_348, %and3A_355 : i32
        %shift_right_logical3A_357 = arith.constant 3 : i32
        %shift_right_logical3A_358 = arith.shrui %and3A_356, %shift_right_logical3A_357 : i32
        %and3A_359 = arith.constant 7 : i32
        %and3A_360 = arith.andi %and3A_356, %and3A_359 : i32
        %ge3A_361 = arith.constant 16 : i32
        %ge3A_362 = arith.cmpi sge, %while3A_348, %ge3A_361 : i32
        %convert_element_type3A_363 = arith.extui %ge3A_362 : i1 to i32
        %cond3A_364 = arith.constant 0 : i32
        %cond3A_365 = arith.cmpi ne, %convert_element_type3A_363, %cond3A_364 : i32
        scf.if %cond3A_365 {
          %dma_wait3A_416 = arith.constant 0 : i32
          %dma_wait3A_417 = arith.constant 0 : i32
          %dma_wait3A_418 = arith.constant 0 : i32
          %dma_wait3A_419 = arith.constant 0 : i32
          %dma_wait3A_420 = arith.constant 0 : i32
          %dma_wait3A_421 = tpu.memref_slice %arg13[%dma_wait3A_416, %dma_wait3A_417, %dma_wait3A_420] : memref<2x8x64xf32, #tpu.memory_space<vmem>> -> memref<1x1x64xf32, #tpu.memory_space<vmem>>
          %dma_wait3A_422 = tpu.memref_squeeze %dma_wait3A_421 : memref<1x1x64xf32, #tpu.memory_space<vmem>> -> memref<64xf32, #tpu.memory_space<vmem>>
          %dma_wait3A_423 = arith.constant 0 : i32
          %dma_wait3A_424 = tpu.memref_slice %arg5[%dma_wait3A_418, %dma_wait3A_419, %dma_wait3A_423] : memref<2048x8x64xf32, #tpu.memory_space<hbm>> -> memref<1x1x64xf32, #tpu.memory_space<hbm>>
          %dma_wait3A_425 = tpu.memref_squeeze %dma_wait3A_424 : memref<1x1x64xf32, #tpu.memory_space<hbm>> -> memref<64xf32, #tpu.memory_space<hbm>>
          %dma_wait3A_426 = arith.constant 0 : i32
          %dma_wait3A_427 = tpu.memref_slice %arg5[%dma_wait3A_418, %dma_wait3A_419, %dma_wait3A_426] : memref<2048x8x64xf32, #tpu.memory_space<hbm>> -> memref<1x1x64xf32, #tpu.memory_space<hbm>>
          %dma_wait3A_428 = tpu.memref_squeeze %dma_wait3A_427 : memref<1x1x64xf32, #tpu.memory_space<hbm>> -> memref<64xf32, #tpu.memory_space<hbm>>
          %dma_wait3A_429 = arith.constant 0 : i32
          %dma_wait3A_430 = tpu.memref_slice %arg13[%dma_wait3A_416, %dma_wait3A_417, %dma_wait3A_429] : memref<2x8x64xf32, #tpu.memory_space<vmem>> -> memref<1x1x64xf32, #tpu.memory_space<vmem>>
          %dma_wait3A_431 = tpu.memref_squeeze %dma_wait3A_430 : memref<1x1x64xf32, #tpu.memory_space<vmem>> -> memref<64xf32, #tpu.memory_space<vmem>>
          tpu.wait_dma2 semaphore(%arg20 : memref<!tpu.dma_semaphore, #tpu.memory_space<semaphore_mem>>) src(%dma_wait3A_431 : memref<64xf32, #tpu.memory_space<vmem>>) dst(%dma_wait3A_428 : memref<64xf32, #tpu.memory_space<hbm>>)
        } else {
        }
        %add3A_366 = arith.constant 0 : i32
        %add3A_367 = vector.broadcast %add3A_366 : i32 to vector<16xi32>
        %add3A_368 = arith.addi %iota3A, %add3A_367 : vector<16xi32>
        %gather3A = tpu.vector_load_idx %arg11[%add3A_368, %broadcast_in_dim3A] : memref<64x256xf32, #tpu.memory_space<vmem>>[vector<16xi32>, vector<16xi32>], vector<16xf32>,
        %broadcast_in_dim3A_369 = vector.broadcast %shift_right_logical3A_358 : i32 to vector<16xi32>
        %broadcast_in_dim3A_370 = vector.broadcast %and3A_360 : i32 to vector<16xi32>
        %add3A_371 = arith.constant 0 : i32
        %add3A_372 = vector.broadcast %add3A_371 : i32 to vector<16xi32>
        %add3A_373 = arith.addi %iota3A, %add3A_372 : vector<16xi32>
        tpu.vector_store_idx %arg13[%broadcast_in_dim3A_369, %broadcast_in_dim3A_370, %add3A_373], %gather3A : memref<2x8x64xf32, #tpu.memory_space<vmem>>[vector<16xi32>, vector<16xi32>, vector<16xi32>], vector<16xf32>,
        %add3A_374 = arith.constant 16 : i32
        %add3A_375 = vector.broadcast %add3A_374 : i32 to vector<16xi32>
        %add3A_376 = arith.addi %iota3A, %add3A_375 : vector<16xi32>
        %gather3A_377 = tpu.vector_load_idx %arg11[%add3A_376, %broadcast_in_dim3A] : memref<64x256xf32, #tpu.memory_space<vmem>>[vector<16xi32>, vector<16xi32>], vector<16xf32>,
        %broadcast_in_dim3A_378 = vector.broadcast %shift_right_logical3A_358 : i32 to vector<16xi32>
        %broadcast_in_dim3A_379 = vector.broadcast %and3A_360 : i32 to vector<16xi32>
        %add3A_380 = arith.constant 16 : i32
        %add3A_381 = vector.broadcast %add3A_380 : i32 to vector<16xi32>
        %add3A_382 = arith.addi %iota3A, %add3A_381 : vector<16xi32>
        tpu.vector_store_idx %arg13[%broadcast_in_dim3A_378, %broadcast_in_dim3A_379, %add3A_382], %gather3A_377 : memref<2x8x64xf32, #tpu.memory_space<vmem>>[vector<16xi32>, vector<16xi32>, vector<16xi32>], vector<16xf32>,
        %add3A_383 = arith.constant 32 : i32
        %add3A_384 = vector.broadcast %add3A_383 : i32 to vector<16xi32>
        %add3A_385 = arith.addi %iota3A, %add3A_384 : vector<16xi32>
        %gather3A_386 = tpu.vector_load_idx %arg11[%add3A_385, %broadcast_in_dim3A] : memref<64x256xf32, #tpu.memory_space<vmem>>[vector<16xi32>, vector<16xi32>], vector<16xf32>,
        %broadcast_in_dim3A_387 = vector.broadcast %shift_right_logical3A_358 : i32 to vector<16xi32>
        %broadcast_in_dim3A_388 = vector.broadcast %and3A_360 : i32 to vector<16xi32>
        %add3A_389 = arith.constant 32 : i32
        %add3A_390 = vector.broadcast %add3A_389 : i32 to vector<16xi32>
        %add3A_391 = arith.addi %iota3A, %add3A_390 : vector<16xi32>
        tpu.vector_store_idx %arg13[%broadcast_in_dim3A_387, %broadcast_in_dim3A_388, %add3A_391], %gather3A_386 : memref<2x8x64xf32, #tpu.memory_space<vmem>>[vector<16xi32>, vector<16xi32>, vector<16xi32>], vector<16xf32>,
        %add3A_392 = arith.constant 48 : i32
        %add3A_393 = vector.broadcast %add3A_392 : i32 to vector<16xi32>
        %add3A_394 = arith.addi %iota3A, %add3A_393 : vector<16xi32>
        %gather3A_395 = tpu.vector_load_idx %arg11[%add3A_394, %broadcast_in_dim3A] : memref<64x256xf32, #tpu.memory_space<vmem>>[vector<16xi32>, vector<16xi32>], vector<16xf32>,
        %broadcast_in_dim3A_396 = vector.broadcast %shift_right_logical3A_358 : i32 to vector<16xi32>
        %broadcast_in_dim3A_397 = vector.broadcast %and3A_360 : i32 to vector<16xi32>
        %add3A_398 = arith.constant 48 : i32
        %add3A_399 = vector.broadcast %add3A_398 : i32 to vector<16xi32>
        %add3A_400 = arith.addi %iota3A, %add3A_399 : vector<16xi32>
        tpu.vector_store_idx %arg13[%broadcast_in_dim3A_396, %broadcast_in_dim3A_397, %add3A_400], %gather3A_395 : memref<2x8x64xf32, #tpu.memory_space<vmem>>[vector<16xi32>, vector<16xi32>, vector<16xi32>], vector<16xf32>,
        %shift_right_logical3A_401 = arith.constant 3 : i32
        %shift_right_logical3A_402 = arith.shrui %and3A_352, %shift_right_logical3A_401 : i32
        %and3A_403 = arith.constant 7 : i32
        %and3A_404 = arith.andi %and3A_352, %and3A_403 : i32
        %dma_start3A = arith.constant 0 : i32
        %dma_start3A_405 = tpu.memref_slice %arg13[%shift_right_logical3A_358, %and3A_360, %dma_start3A] : memref<2x8x64xf32, #tpu.memory_space<vmem>> -> memref<1x1x64xf32, #tpu.memory_space<vmem>>
        %dma_start3A_406 = tpu.memref_squeeze %dma_start3A_405 : memref<1x1x64xf32, #tpu.memory_space<vmem>> -> memref<64xf32, #tpu.memory_space<vmem>>
        %dma_start3A_407 = arith.constant 0 : i32
        %dma_start3A_408 = tpu.memref_slice %arg5[%shift_right_logical3A_402, %and3A_404, %dma_start3A_407] : memref<2048x8x64xf32, #tpu.memory_space<hbm>> -> memref<1x1x64xf32, #tpu.memory_space<hbm>>
        %dma_start3A_409 = tpu.memref_squeeze %dma_start3A_408 : memref<1x1x64xf32, #tpu.memory_space<hbm>> -> memref<64xf32, #tpu.memory_space<hbm>>
        %dma_start3A_410 = arith.constant 0 : i32
        %dma_start3A_411 = tpu.memref_slice %arg5[%shift_right_logical3A_402, %and3A_404, %dma_start3A_410] : memref<2048x8x64xf32, #tpu.memory_space<hbm>> -> memref<1x1x64xf32, #tpu.memory_space<hbm>>
        %dma_start3A_412 = tpu.memref_squeeze %dma_start3A_411 : memref<1x1x64xf32, #tpu.memory_space<hbm>> -> memref<64xf32, #tpu.memory_space<hbm>>
        %dma_start3A_413 = arith.constant 0 : i32
        %dma_start3A_414 = tpu.memref_slice %arg13[%shift_right_logical3A_358, %and3A_360, %dma_start3A_413] : memref<2x8x64xf32, #tpu.memory_space<vmem>> -> memref<1x1x64xf32, #tpu.memory_space<vmem>>
        %dma_start3A_415 = tpu.memref_squeeze %dma_start3A_414 : memref<1x1x64xf32, #tpu.memory_space<vmem>> -> memref<64xf32, #tpu.memory_space<vmem>>
        tpu.enqueue_dma source(%dma_start3A_415 : memref<64xf32, #tpu.memory_space<vmem>>) target(%dma_start3A_412 : memref<64xf32, #tpu.memory_space<hbm>>) target_semaphore(%arg20 : memref<!tpu.dma_semaphore, #tpu.memory_space<semaphore_mem>>)
      }
      %while3A_294 = arith.constant 1 : i32
      scf.for %while3A_348 = %while3A_292 to %while3A_288 step %while3A_294  : i32 {
        %get3A_349 = arith.index_cast %while3A_348 : i32 to index
        %get3A_350 = tpu.vector_load %arg8[%get3A_349] {strides = array<i32>} : memref<16400xi32, #tpu.memory_space<vmem>>, vector<16xi32>,
        %slice3A = vector.extract_strided_slice %get3A_350 {offsets = [0], sizes = [1], strides = [1]} : vector<16xi32> to vector<1xi32>
        %squeeze3A = vector.extract %slice3A[0] : i32 from vector<1xi32>
        %shift_right_logical3A = arith.constant 8 : i32
        %shift_right_logical3A_351 = arith.shrui %squeeze3A, %shift_right_logical3A : i32
        %and3A = arith.constant 16383 : i32
        %and3A_352 = arith.andi %shift_right_logical3A_351, %and3A : i32
        %and3A_353 = arith.constant 255 : i32
        %and3A_354 = arith.andi %squeeze3A, %and3A_353 : i32
        %broadcast_in_dim3A = vector.broadcast %and3A_354 : i32 to vector<16xi32>
        %and3A_355 = arith.constant 15 : i32
        %and3A_356 = arith.andi %while3A_348, %and3A_355 : i32
        %shift_right_logical3A_357 = arith.constant 3 : i32
        %shift_right_logical3A_358 = arith.shrui %and3A_356, %shift_right_logical3A_357 : i32
        %and3A_359 = arith.constant 7 : i32
        %and3A_360 = arith.andi %and3A_356, %and3A_359 : i32
        %ge3A_361 = arith.constant 16 : i32
        %ge3A_362 = arith.cmpi sge, %while3A_348, %ge3A_361 : i32
        %convert_element_type3A_363 = arith.extui %ge3A_362 : i1 to i32
        %cond3A_364 = arith.constant 0 : i32
        %cond3A_365 = arith.cmpi ne, %convert_element_type3A_363, %cond3A_364 : i32
        scf.if %cond3A_365 {
          %dma_wait3A_416 = arith.constant 0 : i32
          %dma_wait3A_417 = arith.constant 0 : i32
          %dma_wait3A_418 = arith.constant 0 : i32
          %dma_wait3A_419 = arith.constant 0 : i32
          %dma_wait3A_420 = arith.constant 0 : i32
          %dma_wait3A_421 = tpu.memref_slice %arg13[%dma_wait3A_416, %dma_wait3A_417, %dma_wait3A_420] : memref<2x8x64xf32, #tpu.memory_space<vmem>> -> memref<1x1x64xf32, #tpu.memory_space<vmem>>
          %dma_wait3A_422 = tpu.memref_squeeze %dma_wait3A_421 : memref<1x1x64xf32, #tpu.memory_space<vmem>> -> memref<64xf32, #tpu.memory_space<vmem>>
          %dma_wait3A_423 = arith.constant 0 : i32
          %dma_wait3A_424 = tpu.memref_slice %arg5[%dma_wait3A_418, %dma_wait3A_419, %dma_wait3A_423] : memref<2048x8x64xf32, #tpu.memory_space<hbm>> -> memref<1x1x64xf32, #tpu.memory_space<hbm>>
          %dma_wait3A_425 = tpu.memref_squeeze %dma_wait3A_424 : memref<1x1x64xf32, #tpu.memory_space<hbm>> -> memref<64xf32, #tpu.memory_space<hbm>>
          %dma_wait3A_426 = arith.constant 0 : i32
          %dma_wait3A_427 = tpu.memref_slice %arg5[%dma_wait3A_418, %dma_wait3A_419, %dma_wait3A_426] : memref<2048x8x64xf32, #tpu.memory_space<hbm>> -> memref<1x1x64xf32, #tpu.memory_space<hbm>>
          %dma_wait3A_428 = tpu.memref_squeeze %dma_wait3A_427 : memref<1x1x64xf32, #tpu.memory_space<hbm>> -> memref<64xf32, #tpu.memory_space<hbm>>
          %dma_wait3A_429 = arith.constant 0 : i32
          %dma_wait3A_430 = tpu.memref_slice %arg13[%dma_wait3A_416, %dma_wait3A_417, %dma_wait3A_429] : memref<2x8x64xf32, #tpu.memory_space<vmem>> -> memref<1x1x64xf32, #tpu.memory_space<vmem>>
          %dma_wait3A_431 = tpu.memref_squeeze %dma_wait3A_430 : memref<1x1x64xf32, #tpu.memory_space<vmem>> -> memref<64xf32, #tpu.memory_space<vmem>>
          tpu.wait_dma2 semaphore(%arg20 : memref<!tpu.dma_semaphore, #tpu.memory_space<semaphore_mem>>) src(%dma_wait3A_431 : memref<64xf32, #tpu.memory_space<vmem>>) dst(%dma_wait3A_428 : memref<64xf32, #tpu.memory_space<hbm>>)
        } else {
        }
        %add3A_366 = arith.constant 0 : i32
        %add3A_367 = vector.broadcast %add3A_366 : i32 to vector<16xi32>
        %add3A_368 = arith.addi %iota3A, %add3A_367 : vector<16xi32>
        %gather3A = tpu.vector_load_idx %arg11[%add3A_368, %broadcast_in_dim3A] : memref<64x256xf32, #tpu.memory_space<vmem>>[vector<16xi32>, vector<16xi32>], vector<16xf32>,
        %broadcast_in_dim3A_369 = vector.broadcast %shift_right_logical3A_358 : i32 to vector<16xi32>
        %broadcast_in_dim3A_370 = vector.broadcast %and3A_360 : i32 to vector<16xi32>
        %add3A_371 = arith.constant 0 : i32
        %add3A_372 = vector.broadcast %add3A_371 : i32 to vector<16xi32>
        %add3A_373 = arith.addi %iota3A, %add3A_372 : vector<16xi32>
        tpu.vector_store_idx %arg13[%broadcast_in_dim3A_369, %broadcast_in_dim3A_370, %add3A_373], %gather3A : memref<2x8x64xf32, #tpu.memory_space<vmem>>[vector<16xi32>, vector<16xi32>, vector<16xi32>], vector<16xf32>,
        %add3A_374 = arith.constant 16 : i32
        %add3A_375 = vector.broadcast %add3A_374 : i32 to vector<16xi32>
        %add3A_376 = arith.addi %iota3A, %add3A_375 : vector<16xi32>
        %gather3A_377 = tpu.vector_load_idx %arg11[%add3A_376, %broadcast_in_dim3A] : memref<64x256xf32, #tpu.memory_space<vmem>>[vector<16xi32>, vector<16xi32>], vector<16xf32>,
        %broadcast_in_dim3A_378 = vector.broadcast %shift_right_logical3A_358 : i32 to vector<16xi32>
        %broadcast_in_dim3A_379 = vector.broadcast %and3A_360 : i32 to vector<16xi32>
        %add3A_380 = arith.constant 16 : i32
        %add3A_381 = vector.broadcast %add3A_380 : i32 to vector<16xi32>
        %add3A_382 = arith.addi %iota3A, %add3A_381 : vector<16xi32>
        tpu.vector_store_idx %arg13[%broadcast_in_dim3A_378, %broadcast_in_dim3A_379, %add3A_382], %gather3A_377 : memref<2x8x64xf32, #tpu.memory_space<vmem>>[vector<16xi32>, vector<16xi32>, vector<16xi32>], vector<16xf32>,
        %add3A_383 = arith.constant 32 : i32
        %add3A_384 = vector.broadcast %add3A_383 : i32 to vector<16xi32>
        %add3A_385 = arith.addi %iota3A, %add3A_384 : vector<16xi32>
        %gather3A_386 = tpu.vector_load_idx %arg11[%add3A_385, %broadcast_in_dim3A] : memref<64x256xf32, #tpu.memory_space<vmem>>[vector<16xi32>, vector<16xi32>], vector<16xf32>,
        %broadcast_in_dim3A_387 = vector.broadcast %shift_right_logical3A_358 : i32 to vector<16xi32>
        %broadcast_in_dim3A_388 = vector.broadcast %and3A_360 : i32 to vector<16xi32>
        %add3A_389 = arith.constant 32 : i32
        %add3A_390 = vector.broadcast %add3A_389 : i32 to vector<16xi32>
        %add3A_391 = arith.addi %iota3A, %add3A_390 : vector<16xi32>
        tpu.vector_store_idx %arg13[%broadcast_in_dim3A_387, %broadcast_in_dim3A_388, %add3A_391], %gather3A_386 : memref<2x8x64xf32, #tpu.memory_space<vmem>>[vector<16xi32>, vector<16xi32>, vector<16xi32>], vector<16xf32>,
        %add3A_392 = arith.constant 48 : i32
        %add3A_393 = vector.broadcast %add3A_392 : i32 to vector<16xi32>
        %add3A_394 = arith.addi %iota3A, %add3A_393 : vector<16xi32>
        %gather3A_395 = tpu.vector_load_idx %arg11[%add3A_394, %broadcast_in_dim3A] : memref<64x256xf32, #tpu.memory_space<vmem>>[vector<16xi32>, vector<16xi32>], vector<16xf32>,
        %broadcast_in_dim3A_396 = vector.broadcast %shift_right_logical3A_358 : i32 to vector<16xi32>
        %broadcast_in_dim3A_397 = vector.broadcast %and3A_360 : i32 to vector<16xi32>
        %add3A_398 = arith.constant 48 : i32
        %add3A_399 = vector.broadcast %add3A_398 : i32 to vector<16xi32>
        %add3A_400 = arith.addi %iota3A, %add3A_399 : vector<16xi32>
        tpu.vector_store_idx %arg13[%broadcast_in_dim3A_396, %broadcast_in_dim3A_397, %add3A_400], %gather3A_395 : memref<2x8x64xf32, #tpu.memory_space<vmem>>[vector<16xi32>, vector<16xi32>, vector<16xi32>], vector<16xf32>,
        %shift_right_logical3A_401 = arith.constant 3 : i32
        %shift_right_logical3A_402 = arith.shrui %and3A_352, %shift_right_logical3A_401 : i32
        %and3A_403 = arith.constant 7 : i32
        %and3A_404 = arith.andi %and3A_352, %and3A_403 : i32
        %dma_start3A = arith.constant 0 : i32
        %dma_start3A_405 = tpu.memref_slice %arg13[%shift_right_logical3A_358, %and3A_360, %dma_start3A] : memref<2x8x64xf32, #tpu.memory_space<vmem>> -> memref<1x1x64xf32, #tpu.memory_space<vmem>>
        %dma_start3A_406 = tpu.memref_squeeze %dma_start3A_405 : memref<1x1x64xf32, #tpu.memory_space<vmem>> -> memref<64xf32, #tpu.memory_space<vmem>>
        %dma_start3A_407 = arith.constant 0 : i32
        %dma_start3A_408 = tpu.memref_slice %arg5[%shift_right_logical3A_402, %and3A_404, %dma_start3A_407] : memref<2048x8x64xf32, #tpu.memory_space<hbm>> -> memref<1x1x64xf32, #tpu.memory_space<hbm>>
        %dma_start3A_409 = tpu.memref_squeeze %dma_start3A_408 : memref<1x1x64xf32, #tpu.memory_space<hbm>> -> memref<64xf32, #tpu.memory_space<hbm>>
        %dma_start3A_410 = arith.constant 0 : i32
        %dma_start3A_411 = tpu.memref_slice %arg5[%shift_right_logical3A_402, %and3A_404, %dma_start3A_410] : memref<2048x8x64xf32, #tpu.memory_space<hbm>> -> memref<1x1x64xf32, #tpu.memory_space<hbm>>
        %dma_start3A_412 = tpu.memref_squeeze %dma_start3A_411 : memref<1x1x64xf32, #tpu.memory_space<hbm>> -> memref<64xf32, #tpu.memory_space<hbm>>
        %dma_start3A_413 = arith.constant 0 : i32
        %dma_start3A_414 = tpu.memref_slice %arg13[%shift_right_logical3A_358, %and3A_360, %dma_start3A_413] : memref<2x8x64xf32, #tpu.memory_space<vmem>> -> memref<1x1x64xf32, #tpu.memory_space<vmem>>
        %dma_start3A_415 = tpu.memref_squeeze %dma_start3A_414 : memref<1x1x64xf32, #tpu.memory_space<vmem>> -> memref<64xf32, #tpu.memory_space<vmem>>
        tpu.enqueue_dma source(%dma_start3A_415 : memref<64xf32, #tpu.memory_space<vmem>>) target(%dma_start3A_412 : memref<64xf32, #tpu.memory_space<hbm>>) target_semaphore(%arg20 : memref<!tpu.dma_semaphore, #tpu.memory_space<semaphore_mem>>)
      }
      %add3A_295 = arith.constant 4 : i32
      %add3A_296 = arith.addi %add3A_273, %add3A_295 : i32
      %shift_left3A_297 = arith.constant 5 : i32
      %shift_left3A_298 = arith.shli %add3A_296, %shift_left3A_297 : i32
      %add3A_299 = arith.addi %add3A, %shift_left3A_298 : i32
      %lt3A_300 = arith.constant 3906 : i32
      %lt3A_301 = arith.cmpi slt, %add3A_299, %lt3A_300 : i32
      %convert_element_type3A_302 = arith.extui %lt3A_301 : i1 to i32
      %cond3A_303 = arith.constant 0 : i32
      %cond3A_304 = arith.cmpi ne, %convert_element_type3A_302, %cond3A_303 : i32
      scf.if %cond3A_304 {
        %mul3A_348 = arith.constant 256 : i32
        %mul3A_349 = arith.muli %add3A_299, %mul3A_348 : i32
        %multiple_of3A = tpu.assume_multiple %mul3A_349, 256 : i32
        %dma_start3A = arith.constant 0 : i32
        %dma_start3A_350 = tpu.memref_slice %arg3[%dma_start3A, %multiple_of3A] : memref<64x1000000xf32, #tpu.memory_space<hbm>> -> memref<64x256xf32, #tpu.memory_space<hbm>>
        %dma_start3A_351 = arith.constant 0 : i32
        %dma_start3A_352 = tpu.memref_slice %arg3[%dma_start3A_351, %multiple_of3A] : memref<64x1000000xf32, #tpu.memory_space<hbm>> -> memref<64x256xf32, #tpu.memory_space<hbm>>
        tpu.enqueue_dma source(%dma_start3A_352 : memref<64x256xf32, #tpu.memory_space<hbm>>) target(%arg11 : memref<64x256xf32, #tpu.memory_space<vmem>>) target_semaphore(%arg18 : memref<!tpu.dma_semaphore, #tpu.memory_space<semaphore_mem>>)
      } else {
      }
      %ge3A_305 = arith.constant 3906 : i32
      %ge3A_306 = arith.cmpi sge, %add3A_299, %ge3A_305 : i32
      %convert_element_type3A_307 = arith.extui %ge3A_306 : i1 to i32
      %cond3A_308 = arith.constant 0 : i32
      %cond3A_309 = arith.cmpi ne, %convert_element_type3A_307, %cond3A_308 : i32
      scf.if %cond3A_309 {
        tpu.enqueue_dma source(%arg4 : memref<64x256xf32, #tpu.memory_space<hbm>>) target(%arg11 : memref<64x256xf32, #tpu.memory_space<vmem>>) target_semaphore(%arg18 : memref<!tpu.dma_semaphore, #tpu.memory_space<semaphore_mem>>)
      } else {
      }
      %add3A_310 = arith.constant 3 : i32
      %add3A_311 = arith.addi %mul3A_195, %add3A_310 : i32
      %dma_wait3A_312 = arith.constant 0 : i32
      %dma_wait3A_313 = arith.constant 0 : i32
      %dma_wait3A_314 = tpu.memref_slice %arg3[%dma_wait3A_312, %dma_wait3A_313] : memref<64x1000000xf32, #tpu.memory_space<hbm>> -> memref<64x256xf32, #tpu.memory_space<hbm>>
      %dma_wait3A_315 = arith.constant 0 : i32
      %dma_wait3A_316 = arith.constant 0 : i32
      %dma_wait3A_317 = tpu.memref_slice %arg3[%dma_wait3A_315, %dma_wait3A_316] : memref<64x1000000xf32, #tpu.memory_space<hbm>> -> memref<64x256xf32, #tpu.memory_space<hbm>>
      tpu.wait_dma2 semaphore(%arg19 : memref<!tpu.dma_semaphore, #tpu.memory_space<semaphore_mem>>) src(%dma_wait3A_317 : memref<64x256xf32, #tpu.memory_space<hbm>>) dst(%arg12 : memref<64x256xf32, #tpu.memory_space<vmem>>)
      %get3A_318 = arith.index_cast %add3A_311 : i32 to index
      %get3A_319 = memref.load %arg14[%get3A_318] : memref<125xi32, #tpu.memory_space<smem>>
      %add3A_320 = arith.constant 1 : i32
      %add3A_321 = arith.addi %add3A_311, %add3A_320 : i32
      %get3A_322 = arith.index_cast %add3A_321 : i32 to index
      %get3A_323 = memref.load %arg14[%get3A_322] : memref<125xi32, #tpu.memory_space<smem>>
      %while3A_324 = arith.constant 0 : i32
      %while3A_325 = arith.subi %get3A_323, %get3A_319 : i32
      %while3A_326 = arith.addi %get3A_319, %while3A_325 : i32
      %while3A_327 = arith.constant 1 : i32
      %while3A_328 = arith.divsi %while3A_325, %while3A_327 : i32
      %while3A_329 = arith.muli %while3A_328, %while3A_327 : i32
      %while3A_330 = arith.addi %get3A_319, %while3A_329 : i32
      %while3A_331 = arith.constant 1 : i32
      scf.for %while3A_348 = %get3A_319 to %while3A_330 step %while3A_331  : i32 {
        %get3A_349 = arith.index_cast %while3A_348 : i32 to index
        %get3A_350 = tpu.vector_load %arg8[%get3A_349] {strides = array<i32>} : memref<16400xi32, #tpu.memory_space<vmem>>, vector<16xi32>,
        %slice3A = vector.extract_strided_slice %get3A_350 {offsets = [0], sizes = [1], strides = [1]} : vector<16xi32> to vector<1xi32>
        %squeeze3A = vector.extract %slice3A[0] : i32 from vector<1xi32>
        %shift_right_logical3A = arith.constant 8 : i32
        %shift_right_logical3A_351 = arith.shrui %squeeze3A, %shift_right_logical3A : i32
        %and3A = arith.constant 16383 : i32
        %and3A_352 = arith.andi %shift_right_logical3A_351, %and3A : i32
        %and3A_353 = arith.constant 255 : i32
        %and3A_354 = arith.andi %squeeze3A, %and3A_353 : i32
        %broadcast_in_dim3A = vector.broadcast %and3A_354 : i32 to vector<16xi32>
        %and3A_355 = arith.constant 15 : i32
        %and3A_356 = arith.andi %while3A_348, %and3A_355 : i32
        %shift_right_logical3A_357 = arith.constant 3 : i32
        %shift_right_logical3A_358 = arith.shrui %and3A_356, %shift_right_logical3A_357 : i32
        %and3A_359 = arith.constant 7 : i32
        %and3A_360 = arith.andi %and3A_356, %and3A_359 : i32
        %ge3A_361 = arith.constant 16 : i32
        %ge3A_362 = arith.cmpi sge, %while3A_348, %ge3A_361 : i32
        %convert_element_type3A_363 = arith.extui %ge3A_362 : i1 to i32
        %cond3A_364 = arith.constant 0 : i32
        %cond3A_365 = arith.cmpi ne, %convert_element_type3A_363, %cond3A_364 : i32
        scf.if %cond3A_365 {
          %dma_wait3A_416 = arith.constant 0 : i32
          %dma_wait3A_417 = arith.constant 0 : i32
          %dma_wait3A_418 = arith.constant 0 : i32
          %dma_wait3A_419 = arith.constant 0 : i32
          %dma_wait3A_420 = arith.constant 0 : i32
          %dma_wait3A_421 = tpu.memref_slice %arg13[%dma_wait3A_416, %dma_wait3A_417, %dma_wait3A_420] : memref<2x8x64xf32, #tpu.memory_space<vmem>> -> memref<1x1x64xf32, #tpu.memory_space<vmem>>
          %dma_wait3A_422 = tpu.memref_squeeze %dma_wait3A_421 : memref<1x1x64xf32, #tpu.memory_space<vmem>> -> memref<64xf32, #tpu.memory_space<vmem>>
          %dma_wait3A_423 = arith.constant 0 : i32
          %dma_wait3A_424 = tpu.memref_slice %arg5[%dma_wait3A_418, %dma_wait3A_419, %dma_wait3A_423] : memref<2048x8x64xf32, #tpu.memory_space<hbm>> -> memref<1x1x64xf32, #tpu.memory_space<hbm>>
          %dma_wait3A_425 = tpu.memref_squeeze %dma_wait3A_424 : memref<1x1x64xf32, #tpu.memory_space<hbm>> -> memref<64xf32, #tpu.memory_space<hbm>>
          %dma_wait3A_426 = arith.constant 0 : i32
          %dma_wait3A_427 = tpu.memref_slice %arg5[%dma_wait3A_418, %dma_wait3A_419, %dma_wait3A_426] : memref<2048x8x64xf32, #tpu.memory_space<hbm>> -> memref<1x1x64xf32, #tpu.memory_space<hbm>>
          %dma_wait3A_428 = tpu.memref_squeeze %dma_wait3A_427 : memref<1x1x64xf32, #tpu.memory_space<hbm>> -> memref<64xf32, #tpu.memory_space<hbm>>
          %dma_wait3A_429 = arith.constant 0 : i32
          %dma_wait3A_430 = tpu.memref_slice %arg13[%dma_wait3A_416, %dma_wait3A_417, %dma_wait3A_429] : memref<2x8x64xf32, #tpu.memory_space<vmem>> -> memref<1x1x64xf32, #tpu.memory_space<vmem>>
          %dma_wait3A_431 = tpu.memref_squeeze %dma_wait3A_430 : memref<1x1x64xf32, #tpu.memory_space<vmem>> -> memref<64xf32, #tpu.memory_space<vmem>>
          tpu.wait_dma2 semaphore(%arg20 : memref<!tpu.dma_semaphore, #tpu.memory_space<semaphore_mem>>) src(%dma_wait3A_431 : memref<64xf32, #tpu.memory_space<vmem>>) dst(%dma_wait3A_428 : memref<64xf32, #tpu.memory_space<hbm>>)
        } else {
        }
        %add3A_366 = arith.constant 0 : i32
        %add3A_367 = vector.broadcast %add3A_366 : i32 to vector<16xi32>
        %add3A_368 = arith.addi %iota3A, %add3A_367 : vector<16xi32>
        %gather3A = tpu.vector_load_idx %arg12[%add3A_368, %broadcast_in_dim3A] : memref<64x256xf32, #tpu.memory_space<vmem>>[vector<16xi32>, vector<16xi32>], vector<16xf32>,
        %broadcast_in_dim3A_369 = vector.broadcast %shift_right_logical3A_358 : i32 to vector<16xi32>
        %broadcast_in_dim3A_370 = vector.broadcast %and3A_360 : i32 to vector<16xi32>
        %add3A_371 = arith.constant 0 : i32
        %add3A_372 = vector.broadcast %add3A_371 : i32 to vector<16xi32>
        %add3A_373 = arith.addi %iota3A, %add3A_372 : vector<16xi32>
        tpu.vector_store_idx %arg13[%broadcast_in_dim3A_369, %broadcast_in_dim3A_370, %add3A_373], %gather3A : memref<2x8x64xf32, #tpu.memory_space<vmem>>[vector<16xi32>, vector<16xi32>, vector<16xi32>], vector<16xf32>,
        %add3A_374 = arith.constant 16 : i32
        %add3A_375 = vector.broadcast %add3A_374 : i32 to vector<16xi32>
        %add3A_376 = arith.addi %iota3A, %add3A_375 : vector<16xi32>
        %gather3A_377 = tpu.vector_load_idx %arg12[%add3A_376, %broadcast_in_dim3A] : memref<64x256xf32, #tpu.memory_space<vmem>>[vector<16xi32>, vector<16xi32>], vector<16xf32>,
        %broadcast_in_dim3A_378 = vector.broadcast %shift_right_logical3A_358 : i32 to vector<16xi32>
        %broadcast_in_dim3A_379 = vector.broadcast %and3A_360 : i32 to vector<16xi32>
        %add3A_380 = arith.constant 16 : i32
        %add3A_381 = vector.broadcast %add3A_380 : i32 to vector<16xi32>
        %add3A_382 = arith.addi %iota3A, %add3A_381 : vector<16xi32>
        tpu.vector_store_idx %arg13[%broadcast_in_dim3A_378, %broadcast_in_dim3A_379, %add3A_382], %gather3A_377 : memref<2x8x64xf32, #tpu.memory_space<vmem>>[vector<16xi32>, vector<16xi32>, vector<16xi32>], vector<16xf32>,
        %add3A_383 = arith.constant 32 : i32
        %add3A_384 = vector.broadcast %add3A_383 : i32 to vector<16xi32>
        %add3A_385 = arith.addi %iota3A, %add3A_384 : vector<16xi32>
        %gather3A_386 = tpu.vector_load_idx %arg12[%add3A_385, %broadcast_in_dim3A] : memref<64x256xf32, #tpu.memory_space<vmem>>[vector<16xi32>, vector<16xi32>], vector<16xf32>,
        %broadcast_in_dim3A_387 = vector.broadcast %shift_right_logical3A_358 : i32 to vector<16xi32>
        %broadcast_in_dim3A_388 = vector.broadcast %and3A_360 : i32 to vector<16xi32>
        %add3A_389 = arith.constant 32 : i32
        %add3A_390 = vector.broadcast %add3A_389 : i32 to vector<16xi32>
        %add3A_391 = arith.addi %iota3A, %add3A_390 : vector<16xi32>
        tpu.vector_store_idx %arg13[%broadcast_in_dim3A_387, %broadcast_in_dim3A_388, %add3A_391], %gather3A_386 : memref<2x8x64xf32, #tpu.memory_space<vmem>>[vector<16xi32>, vector<16xi32>, vector<16xi32>], vector<16xf32>,
        %add3A_392 = arith.constant 48 : i32
        %add3A_393 = vector.broadcast %add3A_392 : i32 to vector<16xi32>
        %add3A_394 = arith.addi %iota3A, %add3A_393 : vector<16xi32>
        %gather3A_395 = tpu.vector_load_idx %arg12[%add3A_394, %broadcast_in_dim3A] : memref<64x256xf32, #tpu.memory_space<vmem>>[vector<16xi32>, vector<16xi32>], vector<16xf32>,
        %broadcast_in_dim3A_396 = vector.broadcast %shift_right_logical3A_358 : i32 to vector<16xi32>
        %broadcast_in_dim3A_397 = vector.broadcast %and3A_360 : i32 to vector<16xi32>
        %add3A_398 = arith.constant 48 : i32
        %add3A_399 = vector.broadcast %add3A_398 : i32 to vector<16xi32>
        %add3A_400 = arith.addi %iota3A, %add3A_399 : vector<16xi32>
        tpu.vector_store_idx %arg13[%broadcast_in_dim3A_396, %broadcast_in_dim3A_397, %add3A_400], %gather3A_395 : memref<2x8x64xf32, #tpu.memory_space<vmem>>[vector<16xi32>, vector<16xi32>, vector<16xi32>], vector<16xf32>,
        %shift_right_logical3A_401 = arith.constant 3 : i32
        %shift_right_logical3A_402 = arith.shrui %and3A_352, %shift_right_logical3A_401 : i32
        %and3A_403 = arith.constant 7 : i32
        %and3A_404 = arith.andi %and3A_352, %and3A_403 : i32
        %dma_start3A = arith.constant 0 : i32
        %dma_start3A_405 = tpu.memref_slice %arg13[%shift_right_logical3A_358, %and3A_360, %dma_start3A] : memref<2x8x64xf32, #tpu.memory_space<vmem>> -> memref<1x1x64xf32, #tpu.memory_space<vmem>>
        %dma_start3A_406 = tpu.memref_squeeze %dma_start3A_405 : memref<1x1x64xf32, #tpu.memory_space<vmem>> -> memref<64xf32, #tpu.memory_space<vmem>>
        %dma_start3A_407 = arith.constant 0 : i32
        %dma_start3A_408 = tpu.memref_slice %arg5[%shift_right_logical3A_402, %and3A_404, %dma_start3A_407] : memref<2048x8x64xf32, #tpu.memory_space<hbm>> -> memref<1x1x64xf32, #tpu.memory_space<hbm>>
        %dma_start3A_409 = tpu.memref_squeeze %dma_start3A_408 : memref<1x1x64xf32, #tpu.memory_space<hbm>> -> memref<64xf32, #tpu.memory_space<hbm>>
        %dma_start3A_410 = arith.constant 0 : i32
        %dma_start3A_411 = tpu.memref_slice %arg5[%shift_right_logical3A_402, %and3A_404, %dma_start3A_410] : memref<2048x8x64xf32, #tpu.memory_space<hbm>> -> memref<1x1x64xf32, #tpu.memory_space<hbm>>
        %dma_start3A_412 = tpu.memref_squeeze %dma_start3A_411 : memref<1x1x64xf32, #tpu.memory_space<hbm>> -> memref<64xf32, #tpu.memory_space<hbm>>
        %dma_start3A_413 = arith.constant 0 : i32
        %dma_start3A_414 = tpu.memref_slice %arg13[%shift_right_logical3A_358, %and3A_360, %dma_start3A_413] : memref<2x8x64xf32, #tpu.memory_space<vmem>> -> memref<1x1x64xf32, #tpu.memory_space<vmem>>
        %dma_start3A_415 = tpu.memref_squeeze %dma_start3A_414 : memref<1x1x64xf32, #tpu.memory_space<vmem>> -> memref<64xf32, #tpu.memory_space<vmem>>
        tpu.enqueue_dma source(%dma_start3A_415 : memref<64xf32, #tpu.memory_space<vmem>>) target(%dma_start3A_412 : memref<64xf32, #tpu.memory_space<hbm>>) target_semaphore(%arg20 : memref<!tpu.dma_semaphore, #tpu.memory_space<semaphore_mem>>)
      }
      %while3A_332 = arith.constant 1 : i32
      scf.for %while3A_348 = %while3A_330 to %while3A_326 step %while3A_332  : i32 {
        %get3A_349 = arith.index_cast %while3A_348 : i32 to index
        %get3A_350 = tpu.vector_load %arg8[%get3A_349] {strides = array<i32>} : memref<16400xi32, #tpu.memory_space<vmem>>, vector<16xi32>,
        %slice3A = vector.extract_strided_slice %get3A_350 {offsets = [0], sizes = [1], strides = [1]} : vector<16xi32> to vector<1xi32>
        %squeeze3A = vector.extract %slice3A[0] : i32 from vector<1xi32>
        %shift_right_logical3A = arith.constant 8 : i32
        %shift_right_logical3A_351 = arith.shrui %squeeze3A, %shift_right_logical3A : i32
        %and3A = arith.constant 16383 : i32
        %and3A_352 = arith.andi %shift_right_logical3A_351, %and3A : i32
        %and3A_353 = arith.constant 255 : i32
        %and3A_354 = arith.andi %squeeze3A, %and3A_353 : i32
        %broadcast_in_dim3A = vector.broadcast %and3A_354 : i32 to vector<16xi32>
        %and3A_355 = arith.constant 15 : i32
        %and3A_356 = arith.andi %while3A_348, %and3A_355 : i32
        %shift_right_logical3A_357 = arith.constant 3 : i32
        %shift_right_logical3A_358 = arith.shrui %and3A_356, %shift_right_logical3A_357 : i32
        %and3A_359 = arith.constant 7 : i32
        %and3A_360 = arith.andi %and3A_356, %and3A_359 : i32
        %ge3A_361 = arith.constant 16 : i32
        %ge3A_362 = arith.cmpi sge, %while3A_348, %ge3A_361 : i32
        %convert_element_type3A_363 = arith.extui %ge3A_362 : i1 to i32
        %cond3A_364 = arith.constant 0 : i32
        %cond3A_365 = arith.cmpi ne, %convert_element_type3A_363, %cond3A_364 : i32
        scf.if %cond3A_365 {
          %dma_wait3A_416 = arith.constant 0 : i32
          %dma_wait3A_417 = arith.constant 0 : i32
          %dma_wait3A_418 = arith.constant 0 : i32
          %dma_wait3A_419 = arith.constant 0 : i32
          %dma_wait3A_420 = arith.constant 0 : i32
          %dma_wait3A_421 = tpu.memref_slice %arg13[%dma_wait3A_416, %dma_wait3A_417, %dma_wait3A_420] : memref<2x8x64xf32, #tpu.memory_space<vmem>> -> memref<1x1x64xf32, #tpu.memory_space<vmem>>
          %dma_wait3A_422 = tpu.memref_squeeze %dma_wait3A_421 : memref<1x1x64xf32, #tpu.memory_space<vmem>> -> memref<64xf32, #tpu.memory_space<vmem>>
          %dma_wait3A_423 = arith.constant 0 : i32
          %dma_wait3A_424 = tpu.memref_slice %arg5[%dma_wait3A_418, %dma_wait3A_419, %dma_wait3A_423] : memref<2048x8x64xf32, #tpu.memory_space<hbm>> -> memref<1x1x64xf32, #tpu.memory_space<hbm>>
          %dma_wait3A_425 = tpu.memref_squeeze %dma_wait3A_424 : memref<1x1x64xf32, #tpu.memory_space<hbm>> -> memref<64xf32, #tpu.memory_space<hbm>>
          %dma_wait3A_426 = arith.constant 0 : i32
          %dma_wait3A_427 = tpu.memref_slice %arg5[%dma_wait3A_418, %dma_wait3A_419, %dma_wait3A_426] : memref<2048x8x64xf32, #tpu.memory_space<hbm>> -> memref<1x1x64xf32, #tpu.memory_space<hbm>>
          %dma_wait3A_428 = tpu.memref_squeeze %dma_wait3A_427 : memref<1x1x64xf32, #tpu.memory_space<hbm>> -> memref<64xf32, #tpu.memory_space<hbm>>
          %dma_wait3A_429 = arith.constant 0 : i32
          %dma_wait3A_430 = tpu.memref_slice %arg13[%dma_wait3A_416, %dma_wait3A_417, %dma_wait3A_429] : memref<2x8x64xf32, #tpu.memory_space<vmem>> -> memref<1x1x64xf32, #tpu.memory_space<vmem>>
          %dma_wait3A_431 = tpu.memref_squeeze %dma_wait3A_430 : memref<1x1x64xf32, #tpu.memory_space<vmem>> -> memref<64xf32, #tpu.memory_space<vmem>>
          tpu.wait_dma2 semaphore(%arg20 : memref<!tpu.dma_semaphore, #tpu.memory_space<semaphore_mem>>) src(%dma_wait3A_431 : memref<64xf32, #tpu.memory_space<vmem>>) dst(%dma_wait3A_428 : memref<64xf32, #tpu.memory_space<hbm>>)
        } else {
        }
        %add3A_366 = arith.constant 0 : i32
        %add3A_367 = vector.broadcast %add3A_366 : i32 to vector<16xi32>
        %add3A_368 = arith.addi %iota3A, %add3A_367 : vector<16xi32>
        %gather3A = tpu.vector_load_idx %arg12[%add3A_368, %broadcast_in_dim3A] : memref<64x256xf32, #tpu.memory_space<vmem>>[vector<16xi32>, vector<16xi32>], vector<16xf32>,
        %broadcast_in_dim3A_369 = vector.broadcast %shift_right_logical3A_358 : i32 to vector<16xi32>
        %broadcast_in_dim3A_370 = vector.broadcast %and3A_360 : i32 to vector<16xi32>
        %add3A_371 = arith.constant 0 : i32
        %add3A_372 = vector.broadcast %add3A_371 : i32 to vector<16xi32>
        %add3A_373 = arith.addi %iota3A, %add3A_372 : vector<16xi32>
        tpu.vector_store_idx %arg13[%broadcast_in_dim3A_369, %broadcast_in_dim3A_370, %add3A_373], %gather3A : memref<2x8x64xf32, #tpu.memory_space<vmem>>[vector<16xi32>, vector<16xi32>, vector<16xi32>], vector<16xf32>,
        %add3A_374 = arith.constant 16 : i32
        %add3A_375 = vector.broadcast %add3A_374 : i32 to vector<16xi32>
        %add3A_376 = arith.addi %iota3A, %add3A_375 : vector<16xi32>
        %gather3A_377 = tpu.vector_load_idx %arg12[%add3A_376, %broadcast_in_dim3A] : memref<64x256xf32, #tpu.memory_space<vmem>>[vector<16xi32>, vector<16xi32>], vector<16xf32>,
        %broadcast_in_dim3A_378 = vector.broadcast %shift_right_logical3A_358 : i32 to vector<16xi32>
        %broadcast_in_dim3A_379 = vector.broadcast %and3A_360 : i32 to vector<16xi32>
        %add3A_380 = arith.constant 16 : i32
        %add3A_381 = vector.broadcast %add3A_380 : i32 to vector<16xi32>
        %add3A_382 = arith.addi %iota3A, %add3A_381 : vector<16xi32>
        tpu.vector_store_idx %arg13[%broadcast_in_dim3A_378, %broadcast_in_dim3A_379, %add3A_382], %gather3A_377 : memref<2x8x64xf32, #tpu.memory_space<vmem>>[vector<16xi32>, vector<16xi32>, vector<16xi32>], vector<16xf32>,
        %add3A_383 = arith.constant 32 : i32
        %add3A_384 = vector.broadcast %add3A_383 : i32 to vector<16xi32>
        %add3A_385 = arith.addi %iota3A, %add3A_384 : vector<16xi32>
        %gather3A_386 = tpu.vector_load_idx %arg12[%add3A_385, %broadcast_in_dim3A] : memref<64x256xf32, #tpu.memory_space<vmem>>[vector<16xi32>, vector<16xi32>], vector<16xf32>,
        %broadcast_in_dim3A_387 = vector.broadcast %shift_right_logical3A_358 : i32 to vector<16xi32>
        %broadcast_in_dim3A_388 = vector.broadcast %and3A_360 : i32 to vector<16xi32>
        %add3A_389 = arith.constant 32 : i32
        %add3A_390 = vector.broadcast %add3A_389 : i32 to vector<16xi32>
        %add3A_391 = arith.addi %iota3A, %add3A_390 : vector<16xi32>
        tpu.vector_store_idx %arg13[%broadcast_in_dim3A_387, %broadcast_in_dim3A_388, %add3A_391], %gather3A_386 : memref<2x8x64xf32, #tpu.memory_space<vmem>>[vector<16xi32>, vector<16xi32>, vector<16xi32>], vector<16xf32>,
        %add3A_392 = arith.constant 48 : i32
        %add3A_393 = vector.broadcast %add3A_392 : i32 to vector<16xi32>
        %add3A_394 = arith.addi %iota3A, %add3A_393 : vector<16xi32>
        %gather3A_395 = tpu.vector_load_idx %arg12[%add3A_394, %broadcast_in_dim3A] : memref<64x256xf32, #tpu.memory_space<vmem>>[vector<16xi32>, vector<16xi32>], vector<16xf32>,
        %broadcast_in_dim3A_396 = vector.broadcast %shift_right_logical3A_358 : i32 to vector<16xi32>
        %broadcast_in_dim3A_397 = vector.broadcast %and3A_360 : i32 to vector<16xi32>
        %add3A_398 = arith.constant 48 : i32
        %add3A_399 = vector.broadcast %add3A_398 : i32 to vector<16xi32>
        %add3A_400 = arith.addi %iota3A, %add3A_399 : vector<16xi32>
        tpu.vector_store_idx %arg13[%broadcast_in_dim3A_396, %broadcast_in_dim3A_397, %add3A_400], %gather3A_395 : memref<2x8x64xf32, #tpu.memory_space<vmem>>[vector<16xi32>, vector<16xi32>, vector<16xi32>], vector<16xf32>,
        %shift_right_logical3A_401 = arith.constant 3 : i32
        %shift_right_logical3A_402 = arith.shrui %and3A_352, %shift_right_logical3A_401 : i32
        %and3A_403 = arith.constant 7 : i32
        %and3A_404 = arith.andi %and3A_352, %and3A_403 : i32
        %dma_start3A = arith.constant 0 : i32
        %dma_start3A_405 = tpu.memref_slice %arg13[%shift_right_logical3A_358, %and3A_360, %dma_start3A] : memref<2x8x64xf32, #tpu.memory_space<vmem>> -> memref<1x1x64xf32, #tpu.memory_space<vmem>>
        %dma_start3A_406 = tpu.memref_squeeze %dma_start3A_405 : memref<1x1x64xf32, #tpu.memory_space<vmem>> -> memref<64xf32, #tpu.memory_space<vmem>>
        %dma_start3A_407 = arith.constant 0 : i32
        %dma_start3A_408 = tpu.memref_slice %arg5[%shift_right_logical3A_402, %and3A_404, %dma_start3A_407] : memref<2048x8x64xf32, #tpu.memory_space<hbm>> -> memref<1x1x64xf32, #tpu.memory_space<hbm>>
        %dma_start3A_409 = tpu.memref_squeeze %dma_start3A_408 : memref<1x1x64xf32, #tpu.memory_space<hbm>> -> memref<64xf32, #tpu.memory_space<hbm>>
        %dma_start3A_410 = arith.constant 0 : i32
        %dma_start3A_411 = tpu.memref_slice %arg5[%shift_right_logical3A_402, %and3A_404, %dma_start3A_410] : memref<2048x8x64xf32, #tpu.memory_space<hbm>> -> memref<1x1x64xf32, #tpu.memory_space<hbm>>
        %dma_start3A_412 = tpu.memref_squeeze %dma_start3A_411 : memref<1x1x64xf32, #tpu.memory_space<hbm>> -> memref<64xf32, #tpu.memory_space<hbm>>
        %dma_start3A_413 = arith.constant 0 : i32
        %dma_start3A_414 = tpu.memref_slice %arg13[%shift_right_logical3A_358, %and3A_360, %dma_start3A_413] : memref<2x8x64xf32, #tpu.memory_space<vmem>> -> memref<1x1x64xf32, #tpu.memory_space<vmem>>
        %dma_start3A_415 = tpu.memref_squeeze %dma_start3A_414 : memref<1x1x64xf32, #tpu.memory_space<vmem>> -> memref<64xf32, #tpu.memory_space<vmem>>
        tpu.enqueue_dma source(%dma_start3A_415 : memref<64xf32, #tpu.memory_space<vmem>>) target(%dma_start3A_412 : memref<64xf32, #tpu.memory_space<hbm>>) target_semaphore(%arg20 : memref<!tpu.dma_semaphore, #tpu.memory_space<semaphore_mem>>)
      }
      %add3A_333 = arith.constant 4 : i32
      %add3A_334 = arith.addi %add3A_311, %add3A_333 : i32
      %shift_left3A_335 = arith.constant 5 : i32
      %shift_left3A_336 = arith.shli %add3A_334, %shift_left3A_335 : i32
      %add3A_337 = arith.addi %add3A, %shift_left3A_336 : i32
      %lt3A_338 = arith.constant 3906 : i32
      %lt3A_339 = arith.cmpi slt, %add3A_337, %lt3A_338 : i32
      %convert_element_type3A_340 = arith.extui %lt3A_339 : i1 to i32
      %cond3A_341 = arith.constant 0 : i32
      %cond3A_342 = arith.cmpi ne, %convert_element_type3A_340, %cond3A_341 : i32
      scf.if %cond3A_342 {
        %mul3A_348 = arith.constant 256 : i32
        %mul3A_349 = arith.muli %add3A_337, %mul3A_348 : i32
        %multiple_of3A = tpu.assume_multiple %mul3A_349, 256 : i32
        %dma_start3A = arith.constant 0 : i32
        %dma_start3A_350 = tpu.memref_slice %arg3[%dma_start3A, %multiple_of3A] : memref<64x1000000xf32, #tpu.memory_space<hbm>> -> memref<64x256xf32, #tpu.memory_space<hbm>>
        %dma_start3A_351 = arith.constant 0 : i32
        %dma_start3A_352 = tpu.memref_slice %arg3[%dma_start3A_351, %multiple_of3A] : memref<64x1000000xf32, #tpu.memory_space<hbm>> -> memref<64x256xf32, #tpu.memory_space<hbm>>
        tpu.enqueue_dma source(%dma_start3A_352 : memref<64x256xf32, #tpu.memory_space<hbm>>) target(%arg12 : memref<64x256xf32, #tpu.memory_space<vmem>>) target_semaphore(%arg19 : memref<!tpu.dma_semaphore, #tpu.memory_space<semaphore_mem>>)
      } else {
      }
      %ge3A_343 = arith.constant 3906 : i32
      %ge3A_344 = arith.cmpi sge, %add3A_337, %ge3A_343 : i32
      %convert_element_type3A_345 = arith.extui %ge3A_344 : i1 to i32
      %cond3A_346 = arith.constant 0 : i32
      %cond3A_347 = arith.cmpi ne, %convert_element_type3A_345, %cond3A_346 : i32
      scf.if %cond3A_347 {
        tpu.enqueue_dma source(%arg4 : memref<64x256xf32, #tpu.memory_space<hbm>>) target(%arg12 : memref<64x256xf32, #tpu.memory_space<vmem>>) target_semaphore(%arg19 : memref<!tpu.dma_semaphore, #tpu.memory_space<semaphore_mem>>)
      } else {
      }
    }
    %scan3A_99 = arith.constant 30 : i32
    %dma_wait3A = arith.constant 0 : i32
    %dma_wait3A_100 = arith.constant 0 : i32
    %dma_wait3A_101 = tpu.memref_slice %arg3[%dma_wait3A, %dma_wait3A_100] : memref<64x1000000xf32, #tpu.memory_space<hbm>> -> memref<64x256xf32, #tpu.memory_space<hbm>>
    %dma_wait3A_102 = arith.constant 0 : i32
    %dma_wait3A_103 = arith.constant 0 : i32
    %dma_wait3A_104 = tpu.memref_slice %arg3[%dma_wait3A_102, %dma_wait3A_103] : memref<64x1000000xf32, #tpu.memory_space<hbm>> -> memref<64x256xf32, #tpu.memory_space<hbm>>
    tpu.wait_dma2 semaphore(%arg16 : memref<!tpu.dma_semaphore, #tpu.memory_space<semaphore_mem>>) src(%dma_wait3A_104 : memref<64x256xf32, #tpu.memory_space<hbm>>) dst(%arg9 : memref<64x256xf32, #tpu.memory_space<vmem>>)
    %get3A = arith.constant 120 : i32
    %get3A_105 = arith.index_cast %get3A : i32 to index
    %get3A_106 = memref.load %arg14[%get3A_105] : memref<125xi32, #tpu.memory_space<smem>>
    %get3A_107 = arith.constant 121 : i32
    %get3A_108 = arith.index_cast %get3A_107 : i32 to index
    %get3A_109 = memref.load %arg14[%get3A_108] : memref<125xi32, #tpu.memory_space<smem>>
    %while3A_110 = arith.constant 0 : i32
    %while3A_111 = arith.subi %get3A_109, %get3A_106 : i32
    %while3A_112 = arith.addi %get3A_106, %while3A_111 : i32
    %while3A_113 = arith.constant 1 : i32
    %while3A_114 = arith.divsi %while3A_111, %while3A_113 : i32
    %while3A_115 = arith.muli %while3A_114, %while3A_113 : i32
    %while3A_116 = arith.addi %get3A_106, %while3A_115 : i32
    %while3A_117 = arith.constant 1 : i32
    scf.for %while3A_193 = %get3A_106 to %while3A_116 step %while3A_117  : i32 {
      %get3A_194 = arith.index_cast %while3A_193 : i32 to index
      %get3A_195 = tpu.vector_load %arg8[%get3A_194] {strides = array<i32>} : memref<16400xi32, #tpu.memory_space<vmem>>, vector<16xi32>,
      %slice3A = vector.extract_strided_slice %get3A_195 {offsets = [0], sizes = [1], strides = [1]} : vector<16xi32> to vector<1xi32>
      %squeeze3A = vector.extract %slice3A[0] : i32 from vector<1xi32>
      %shift_right_logical3A = arith.constant 8 : i32
      %shift_right_logical3A_196 = arith.shrui %squeeze3A, %shift_right_logical3A : i32
      %and3A = arith.constant 16383 : i32
      %and3A_197 = arith.andi %shift_right_logical3A_196, %and3A : i32
      %and3A_198 = arith.constant 255 : i32
      %and3A_199 = arith.andi %squeeze3A, %and3A_198 : i32
      %broadcast_in_dim3A = vector.broadcast %and3A_199 : i32 to vector<16xi32>
      %and3A_200 = arith.constant 15 : i32
      %and3A_201 = arith.andi %while3A_193, %and3A_200 : i32
      %shift_right_logical3A_202 = arith.constant 3 : i32
      %shift_right_logical3A_203 = arith.shrui %and3A_201, %shift_right_logical3A_202 : i32
      %and3A_204 = arith.constant 7 : i32
      %and3A_205 = arith.andi %and3A_201, %and3A_204 : i32
      %ge3A_206 = arith.constant 16 : i32
      %ge3A_207 = arith.cmpi sge, %while3A_193, %ge3A_206 : i32
      %convert_element_type3A_208 = arith.extui %ge3A_207 : i1 to i32
      %cond3A_209 = arith.constant 0 : i32
      %cond3A_210 = arith.cmpi ne, %convert_element_type3A_208, %cond3A_209 : i32
      scf.if %cond3A_210 {
        %dma_wait3A_261 = arith.constant 0 : i32
        %dma_wait3A_262 = arith.constant 0 : i32
        %dma_wait3A_263 = arith.constant 0 : i32
        %dma_wait3A_264 = arith.constant 0 : i32
        %dma_wait3A_265 = arith.constant 0 : i32
        %dma_wait3A_266 = tpu.memref_slice %arg13[%dma_wait3A_261, %dma_wait3A_262, %dma_wait3A_265] : memref<2x8x64xf32, #tpu.memory_space<vmem>> -> memref<1x1x64xf32, #tpu.memory_space<vmem>>
        %dma_wait3A_267 = tpu.memref_squeeze %dma_wait3A_266 : memref<1x1x64xf32, #tpu.memory_space<vmem>> -> memref<64xf32, #tpu.memory_space<vmem>>
        %dma_wait3A_268 = arith.constant 0 : i32
        %dma_wait3A_269 = tpu.memref_slice %arg5[%dma_wait3A_263, %dma_wait3A_264, %dma_wait3A_268] : memref<2048x8x64xf32, #tpu.memory_space<hbm>> -> memref<1x1x64xf32, #tpu.memory_space<hbm>>
        %dma_wait3A_270 = tpu.memref_squeeze %dma_wait3A_269 : memref<1x1x64xf32, #tpu.memory_space<hbm>> -> memref<64xf32, #tpu.memory_space<hbm>>
        %dma_wait3A_271 = arith.constant 0 : i32
        %dma_wait3A_272 = tpu.memref_slice %arg5[%dma_wait3A_263, %dma_wait3A_264, %dma_wait3A_271] : memref<2048x8x64xf32, #tpu.memory_space<hbm>> -> memref<1x1x64xf32, #tpu.memory_space<hbm>>
        %dma_wait3A_273 = tpu.memref_squeeze %dma_wait3A_272 : memref<1x1x64xf32, #tpu.memory_space<hbm>> -> memref<64xf32, #tpu.memory_space<hbm>>
        %dma_wait3A_274 = arith.constant 0 : i32
        %dma_wait3A_275 = tpu.memref_slice %arg13[%dma_wait3A_261, %dma_wait3A_262, %dma_wait3A_274] : memref<2x8x64xf32, #tpu.memory_space<vmem>> -> memref<1x1x64xf32, #tpu.memory_space<vmem>>
        %dma_wait3A_276 = tpu.memref_squeeze %dma_wait3A_275 : memref<1x1x64xf32, #tpu.memory_space<vmem>> -> memref<64xf32, #tpu.memory_space<vmem>>
        tpu.wait_dma2 semaphore(%arg20 : memref<!tpu.dma_semaphore, #tpu.memory_space<semaphore_mem>>) src(%dma_wait3A_276 : memref<64xf32, #tpu.memory_space<vmem>>) dst(%dma_wait3A_273 : memref<64xf32, #tpu.memory_space<hbm>>)
      } else {
      }
      %add3A_211 = arith.constant 0 : i32
      %add3A_212 = vector.broadcast %add3A_211 : i32 to vector<16xi32>
      %add3A_213 = arith.addi %iota3A, %add3A_212 : vector<16xi32>
      %gather3A = tpu.vector_load_idx %arg9[%add3A_213, %broadcast_in_dim3A] : memref<64x256xf32, #tpu.memory_space<vmem>>[vector<16xi32>, vector<16xi32>], vector<16xf32>,
      %broadcast_in_dim3A_214 = vector.broadcast %shift_right_logical3A_203 : i32 to vector<16xi32>
      %broadcast_in_dim3A_215 = vector.broadcast %and3A_205 : i32 to vector<16xi32>
      %add3A_216 = arith.constant 0 : i32
      %add3A_217 = vector.broadcast %add3A_216 : i32 to vector<16xi32>
      %add3A_218 = arith.addi %iota3A, %add3A_217 : vector<16xi32>
      tpu.vector_store_idx %arg13[%broadcast_in_dim3A_214, %broadcast_in_dim3A_215, %add3A_218], %gather3A : memref<2x8x64xf32, #tpu.memory_space<vmem>>[vector<16xi32>, vector<16xi32>, vector<16xi32>], vector<16xf32>,
      %add3A_219 = arith.constant 16 : i32
      %add3A_220 = vector.broadcast %add3A_219 : i32 to vector<16xi32>
      %add3A_221 = arith.addi %iota3A, %add3A_220 : vector<16xi32>
      %gather3A_222 = tpu.vector_load_idx %arg9[%add3A_221, %broadcast_in_dim3A] : memref<64x256xf32, #tpu.memory_space<vmem>>[vector<16xi32>, vector<16xi32>], vector<16xf32>,
      %broadcast_in_dim3A_223 = vector.broadcast %shift_right_logical3A_203 : i32 to vector<16xi32>
      %broadcast_in_dim3A_224 = vector.broadcast %and3A_205 : i32 to vector<16xi32>
      %add3A_225 = arith.constant 16 : i32
      %add3A_226 = vector.broadcast %add3A_225 : i32 to vector<16xi32>
      %add3A_227 = arith.addi %iota3A, %add3A_226 : vector<16xi32>
      tpu.vector_store_idx %arg13[%broadcast_in_dim3A_223, %broadcast_in_dim3A_224, %add3A_227], %gather3A_222 : memref<2x8x64xf32, #tpu.memory_space<vmem>>[vector<16xi32>, vector<16xi32>, vector<16xi32>], vector<16xf32>,
      %add3A_228 = arith.constant 32 : i32
      %add3A_229 = vector.broadcast %add3A_228 : i32 to vector<16xi32>
      %add3A_230 = arith.addi %iota3A, %add3A_229 : vector<16xi32>
      %gather3A_231 = tpu.vector_load_idx %arg9[%add3A_230, %broadcast_in_dim3A] : memref<64x256xf32, #tpu.memory_space<vmem>>[vector<16xi32>, vector<16xi32>], vector<16xf32>,
      %broadcast_in_dim3A_232 = vector.broadcast %shift_right_logical3A_203 : i32 to vector<16xi32>
      %broadcast_in_dim3A_233 = vector.broadcast %and3A_205 : i32 to vector<16xi32>
      %add3A_234 = arith.constant 32 : i32
      %add3A_235 = vector.broadcast %add3A_234 : i32 to vector<16xi32>
      %add3A_236 = arith.addi %iota3A, %add3A_235 : vector<16xi32>
      tpu.vector_store_idx %arg13[%broadcast_in_dim3A_232, %broadcast_in_dim3A_233, %add3A_236], %gather3A_231 : memref<2x8x64xf32, #tpu.memory_space<vmem>>[vector<16xi32>, vector<16xi32>, vector<16xi32>], vector<16xf32>,
      %add3A_237 = arith.constant 48 : i32
      %add3A_238 = vector.broadcast %add3A_237 : i32 to vector<16xi32>
      %add3A_239 = arith.addi %iota3A, %add3A_238 : vector<16xi32>
      %gather3A_240 = tpu.vector_load_idx %arg9[%add3A_239, %broadcast_in_dim3A] : memref<64x256xf32, #tpu.memory_space<vmem>>[vector<16xi32>, vector<16xi32>], vector<16xf32>,
      %broadcast_in_dim3A_241 = vector.broadcast %shift_right_logical3A_203 : i32 to vector<16xi32>
      %broadcast_in_dim3A_242 = vector.broadcast %and3A_205 : i32 to vector<16xi32>
      %add3A_243 = arith.constant 48 : i32
      %add3A_244 = vector.broadcast %add3A_243 : i32 to vector<16xi32>
      %add3A_245 = arith.addi %iota3A, %add3A_244 : vector<16xi32>
      tpu.vector_store_idx %arg13[%broadcast_in_dim3A_241, %broadcast_in_dim3A_242, %add3A_245], %gather3A_240 : memref<2x8x64xf32, #tpu.memory_space<vmem>>[vector<16xi32>, vector<16xi32>, vector<16xi32>], vector<16xf32>,
      %shift_right_logical3A_246 = arith.constant 3 : i32
      %shift_right_logical3A_247 = arith.shrui %and3A_197, %shift_right_logical3A_246 : i32
      %and3A_248 = arith.constant 7 : i32
      %and3A_249 = arith.andi %and3A_197, %and3A_248 : i32
      %dma_start3A = arith.constant 0 : i32
      %dma_start3A_250 = tpu.memref_slice %arg13[%shift_right_logical3A_203, %and3A_205, %dma_start3A] : memref<2x8x64xf32, #tpu.memory_space<vmem>> -> memref<1x1x64xf32, #tpu.memory_space<vmem>>
      %dma_start3A_251 = tpu.memref_squeeze %dma_start3A_250 : memref<1x1x64xf32, #tpu.memory_space<vmem>> -> memref<64xf32, #tpu.memory_space<vmem>>
      %dma_start3A_252 = arith.constant 0 : i32
      %dma_start3A_253 = tpu.memref_slice %arg5[%shift_right_logical3A_247, %and3A_249, %dma_start3A_252] : memref<2048x8x64xf32, #tpu.memory_space<hbm>> -> memref<1x1x64xf32, #tpu.memory_space<hbm>>
      %dma_start3A_254 = tpu.memref_squeeze %dma_start3A_253 : memref<1x1x64xf32, #tpu.memory_space<hbm>> -> memref<64xf32, #tpu.memory_space<hbm>>
      %dma_start3A_255 = arith.constant 0 : i32
      %dma_start3A_256 = tpu.memref_slice %arg5[%shift_right_logical3A_247, %and3A_249, %dma_start3A_255] : memref<2048x8x64xf32, #tpu.memory_space<hbm>> -> memref<1x1x64xf32, #tpu.memory_space<hbm>>
      %dma_start3A_257 = tpu.memref_squeeze %dma_start3A_256 : memref<1x1x64xf32, #tpu.memory_space<hbm>> -> memref<64xf32, #tpu.memory_space<hbm>>
      %dma_start3A_258 = arith.constant 0 : i32
      %dma_start3A_259 = tpu.memref_slice %arg13[%shift_right_logical3A_203, %and3A_205, %dma_start3A_258] : memref<2x8x64xf32, #tpu.memory_space<vmem>> -> memref<1x1x64xf32, #tpu.memory_space<vmem>>
      %dma_start3A_260 = tpu.memref_squeeze %dma_start3A_259 : memref<1x1x64xf32, #tpu.memory_space<vmem>> -> memref<64xf32, #tpu.memory_space<vmem>>
      tpu.enqueue_dma source(%dma_start3A_260 : memref<64xf32, #tpu.memory_space<vmem>>) target(%dma_start3A_257 : memref<64xf32, #tpu.memory_space<hbm>>) target_semaphore(%arg20 : memref<!tpu.dma_semaphore, #tpu.memory_space<semaphore_mem>>)
    }
    %while3A_118 = arith.constant 1 : i32
    scf.for %while3A_193 = %while3A_116 to %while3A_112 step %while3A_118  : i32 {
      %get3A_194 = arith.index_cast %while3A_193 : i32 to index
      %get3A_195 = tpu.vector_load %arg8[%get3A_194] {strides = array<i32>} : memref<16400xi32, #tpu.memory_space<vmem>>, vector<16xi32>,
      %slice3A = vector.extract_strided_slice %get3A_195 {offsets = [0], sizes = [1], strides = [1]} : vector<16xi32> to vector<1xi32>
      %squeeze3A = vector.extract %slice3A[0] : i32 from vector<1xi32>
      %shift_right_logical3A = arith.constant 8 : i32
      %shift_right_logical3A_196 = arith.shrui %squeeze3A, %shift_right_logical3A : i32
      %and3A = arith.constant 16383 : i32
      %and3A_197 = arith.andi %shift_right_logical3A_196, %and3A : i32
      %and3A_198 = arith.constant 255 : i32
      %and3A_199 = arith.andi %squeeze3A, %and3A_198 : i32
      %broadcast_in_dim3A = vector.broadcast %and3A_199 : i32 to vector<16xi32>
      %and3A_200 = arith.constant 15 : i32
      %and3A_201 = arith.andi %while3A_193, %and3A_200 : i32
      %shift_right_logical3A_202 = arith.constant 3 : i32
      %shift_right_logical3A_203 = arith.shrui %and3A_201, %shift_right_logical3A_202 : i32
      %and3A_204 = arith.constant 7 : i32
      %and3A_205 = arith.andi %and3A_201, %and3A_204 : i32
      %ge3A_206 = arith.constant 16 : i32
      %ge3A_207 = arith.cmpi sge, %while3A_193, %ge3A_206 : i32
      %convert_element_type3A_208 = arith.extui %ge3A_207 : i1 to i32
      %cond3A_209 = arith.constant 0 : i32
      %cond3A_210 = arith.cmpi ne, %convert_element_type3A_208, %cond3A_209 : i32
      scf.if %cond3A_210 {
        %dma_wait3A_261 = arith.constant 0 : i32
        %dma_wait3A_262 = arith.constant 0 : i32
        %dma_wait3A_263 = arith.constant 0 : i32
        %dma_wait3A_264 = arith.constant 0 : i32
        %dma_wait3A_265 = arith.constant 0 : i32
        %dma_wait3A_266 = tpu.memref_slice %arg13[%dma_wait3A_261, %dma_wait3A_262, %dma_wait3A_265] : memref<2x8x64xf32, #tpu.memory_space<vmem>> -> memref<1x1x64xf32, #tpu.memory_space<vmem>>
        %dma_wait3A_267 = tpu.memref_squeeze %dma_wait3A_266 : memref<1x1x64xf32, #tpu.memory_space<vmem>> -> memref<64xf32, #tpu.memory_space<vmem>>
        %dma_wait3A_268 = arith.constant 0 : i32
        %dma_wait3A_269 = tpu.memref_slice %arg5[%dma_wait3A_263, %dma_wait3A_264, %dma_wait3A_268] : memref<2048x8x64xf32, #tpu.memory_space<hbm>> -> memref<1x1x64xf32, #tpu.memory_space<hbm>>
        %dma_wait3A_270 = tpu.memref_squeeze %dma_wait3A_269 : memref<1x1x64xf32, #tpu.memory_space<hbm>> -> memref<64xf32, #tpu.memory_space<hbm>>
        %dma_wait3A_271 = arith.constant 0 : i32
        %dma_wait3A_272 = tpu.memref_slice %arg5[%dma_wait3A_263, %dma_wait3A_264, %dma_wait3A_271] : memref<2048x8x64xf32, #tpu.memory_space<hbm>> -> memref<1x1x64xf32, #tpu.memory_space<hbm>>
        %dma_wait3A_273 = tpu.memref_squeeze %dma_wait3A_272 : memref<1x1x64xf32, #tpu.memory_space<hbm>> -> memref<64xf32, #tpu.memory_space<hbm>>
        %dma_wait3A_274 = arith.constant 0 : i32
        %dma_wait3A_275 = tpu.memref_slice %arg13[%dma_wait3A_261, %dma_wait3A_262, %dma_wait3A_274] : memref<2x8x64xf32, #tpu.memory_space<vmem>> -> memref<1x1x64xf32, #tpu.memory_space<vmem>>
        %dma_wait3A_276 = tpu.memref_squeeze %dma_wait3A_275 : memref<1x1x64xf32, #tpu.memory_space<vmem>> -> memref<64xf32, #tpu.memory_space<vmem>>
        tpu.wait_dma2 semaphore(%arg20 : memref<!tpu.dma_semaphore, #tpu.memory_space<semaphore_mem>>) src(%dma_wait3A_276 : memref<64xf32, #tpu.memory_space<vmem>>) dst(%dma_wait3A_273 : memref<64xf32, #tpu.memory_space<hbm>>)
      } else {
      }
      %add3A_211 = arith.constant 0 : i32
      %add3A_212 = vector.broadcast %add3A_211 : i32 to vector<16xi32>
      %add3A_213 = arith.addi %iota3A, %add3A_212 : vector<16xi32>
      %gather3A = tpu.vector_load_idx %arg9[%add3A_213, %broadcast_in_dim3A] : memref<64x256xf32, #tpu.memory_space<vmem>>[vector<16xi32>, vector<16xi32>], vector<16xf32>,
      %broadcast_in_dim3A_214 = vector.broadcast %shift_right_logical3A_203 : i32 to vector<16xi32>
      %broadcast_in_dim3A_215 = vector.broadcast %and3A_205 : i32 to vector<16xi32>
      %add3A_216 = arith.constant 0 : i32
      %add3A_217 = vector.broadcast %add3A_216 : i32 to vector<16xi32>
      %add3A_218 = arith.addi %iota3A, %add3A_217 : vector<16xi32>
      tpu.vector_store_idx %arg13[%broadcast_in_dim3A_214, %broadcast_in_dim3A_215, %add3A_218], %gather3A : memref<2x8x64xf32, #tpu.memory_space<vmem>>[vector<16xi32>, vector<16xi32>, vector<16xi32>], vector<16xf32>,
      %add3A_219 = arith.constant 16 : i32
      %add3A_220 = vector.broadcast %add3A_219 : i32 to vector<16xi32>
      %add3A_221 = arith.addi %iota3A, %add3A_220 : vector<16xi32>
      %gather3A_222 = tpu.vector_load_idx %arg9[%add3A_221, %broadcast_in_dim3A] : memref<64x256xf32, #tpu.memory_space<vmem>>[vector<16xi32>, vector<16xi32>], vector<16xf32>,
      %broadcast_in_dim3A_223 = vector.broadcast %shift_right_logical3A_203 : i32 to vector<16xi32>
      %broadcast_in_dim3A_224 = vector.broadcast %and3A_205 : i32 to vector<16xi32>
      %add3A_225 = arith.constant 16 : i32
      %add3A_226 = vector.broadcast %add3A_225 : i32 to vector<16xi32>
      %add3A_227 = arith.addi %iota3A, %add3A_226 : vector<16xi32>
      tpu.vector_store_idx %arg13[%broadcast_in_dim3A_223, %broadcast_in_dim3A_224, %add3A_227], %gather3A_222 : memref<2x8x64xf32, #tpu.memory_space<vmem>>[vector<16xi32>, vector<16xi32>, vector<16xi32>], vector<16xf32>,
      %add3A_228 = arith.constant 32 : i32
      %add3A_229 = vector.broadcast %add3A_228 : i32 to vector<16xi32>
      %add3A_230 = arith.addi %iota3A, %add3A_229 : vector<16xi32>
      %gather3A_231 = tpu.vector_load_idx %arg9[%add3A_230, %broadcast_in_dim3A] : memref<64x256xf32, #tpu.memory_space<vmem>>[vector<16xi32>, vector<16xi32>], vector<16xf32>,
      %broadcast_in_dim3A_232 = vector.broadcast %shift_right_logical3A_203 : i32 to vector<16xi32>
      %broadcast_in_dim3A_233 = vector.broadcast %and3A_205 : i32 to vector<16xi32>
      %add3A_234 = arith.constant 32 : i32
      %add3A_235 = vector.broadcast %add3A_234 : i32 to vector<16xi32>
      %add3A_236 = arith.addi %iota3A, %add3A_235 : vector<16xi32>
      tpu.vector_store_idx %arg13[%broadcast_in_dim3A_232, %broadcast_in_dim3A_233, %add3A_236], %gather3A_231 : memref<2x8x64xf32, #tpu.memory_space<vmem>>[vector<16xi32>, vector<16xi32>, vector<16xi32>], vector<16xf32>,
      %add3A_237 = arith.constant 48 : i32
      %add3A_238 = vector.broadcast %add3A_237 : i32 to vector<16xi32>
      %add3A_239 = arith.addi %iota3A, %add3A_238 : vector<16xi32>
      %gather3A_240 = tpu.vector_load_idx %arg9[%add3A_239, %broadcast_in_dim3A] : memref<64x256xf32, #tpu.memory_space<vmem>>[vector<16xi32>, vector<16xi32>], vector<16xf32>,
      %broadcast_in_dim3A_241 = vector.broadcast %shift_right_logical3A_203 : i32 to vector<16xi32>
      %broadcast_in_dim3A_242 = vector.broadcast %and3A_205 : i32 to vector<16xi32>
      %add3A_243 = arith.constant 48 : i32
      %add3A_244 = vector.broadcast %add3A_243 : i32 to vector<16xi32>
      %add3A_245 = arith.addi %iota3A, %add3A_244 : vector<16xi32>
      tpu.vector_store_idx %arg13[%broadcast_in_dim3A_241, %broadcast_in_dim3A_242, %add3A_245], %gather3A_240 : memref<2x8x64xf32, #tpu.memory_space<vmem>>[vector<16xi32>, vector<16xi32>, vector<16xi32>], vector<16xf32>,
      %shift_right_logical3A_246 = arith.constant 3 : i32
      %shift_right_logical3A_247 = arith.shrui %and3A_197, %shift_right_logical3A_246 : i32
      %and3A_248 = arith.constant 7 : i32
      %and3A_249 = arith.andi %and3A_197, %and3A_248 : i32
      %dma_start3A = arith.constant 0 : i32
      %dma_start3A_250 = tpu.memref_slice %arg13[%shift_right_logical3A_203, %and3A_205, %dma_start3A] : memref<2x8x64xf32, #tpu.memory_space<vmem>> -> memref<1x1x64xf32, #tpu.memory_space<vmem>>
      %dma_start3A_251 = tpu.memref_squeeze %dma_start3A_250 : memref<1x1x64xf32, #tpu.memory_space<vmem>> -> memref<64xf32, #tpu.memory_space<vmem>>
      %dma_start3A_252 = arith.constant 0 : i32
      %dma_start3A_253 = tpu.memref_slice %arg5[%shift_right_logical3A_247, %and3A_249, %dma_start3A_252] : memref<2048x8x64xf32, #tpu.memory_space<hbm>> -> memref<1x1x64xf32, #tpu.memory_space<hbm>>
      %dma_start3A_254 = tpu.memref_squeeze %dma_start3A_253 : memref<1x1x64xf32, #tpu.memory_space<hbm>> -> memref<64xf32, #tpu.memory_space<hbm>>
      %dma_start3A_255 = arith.constant 0 : i32
      %dma_start3A_256 = tpu.memref_slice %arg5[%shift_right_logical3A_247, %and3A_249, %dma_start3A_255] : memref<2048x8x64xf32, #tpu.memory_space<hbm>> -> memref<1x1x64xf32, #tpu.memory_space<hbm>>
      %dma_start3A_257 = tpu.memref_squeeze %dma_start3A_256 : memref<1x1x64xf32, #tpu.memory_space<hbm>> -> memref<64xf32, #tpu.memory_space<hbm>>
      %dma_start3A_258 = arith.constant 0 : i32
      %dma_start3A_259 = tpu.memref_slice %arg13[%shift_right_logical3A_203, %and3A_205, %dma_start3A_258] : memref<2x8x64xf32, #tpu.memory_space<vmem>> -> memref<1x1x64xf32, #tpu.memory_space<vmem>>
      %dma_start3A_260 = tpu.memref_squeeze %dma_start3A_259 : memref<1x1x64xf32, #tpu.memory_space<vmem>> -> memref<64xf32, #tpu.memory_space<vmem>>
      tpu.enqueue_dma source(%dma_start3A_260 : memref<64xf32, #tpu.memory_space<vmem>>) target(%dma_start3A_257 : memref<64xf32, #tpu.memory_space<hbm>>) target_semaphore(%arg20 : memref<!tpu.dma_semaphore, #tpu.memory_space<semaphore_mem>>)
    }
    %dma_wait3A_119 = arith.constant 0 : i32
    %dma_wait3A_120 = arith.constant 0 : i32
    %dma_wait3A_121 = tpu.memref_slice %arg3[%dma_wait3A_119, %dma_wait3A_120] : memref<64x1000000xf32, #tpu.memory_space<hbm>> -> memref<64x256xf32, #tpu.memory_space<hbm>>
    %dma_wait3A_122 = arith.constant 0 : i32
    %dma_wait3A_123 = arith.constant 0 : i32
    %dma_wait3A_124 = tpu.memref_slice %arg3[%dma_wait3A_122, %dma_wait3A_123] : memref<64x1000000xf32, #tpu.memory_space<hbm>> -> memref<64x256xf32, #tpu.memory_space<hbm>>
    tpu.wait_dma2 semaphore(%arg17 : memref<!tpu.dma_semaphore, #tpu.memory_space<semaphore_mem>>) src(%dma_wait3A_124 : memref<64x256xf32, #tpu.memory_space<hbm>>) dst(%arg10 : memref<64x256xf32, #tpu.memory_space<vmem>>)
    %get3A_125 = arith.constant 121 : i32
    %get3A_126 = arith.index_cast %get3A_125 : i32 to index
    %get3A_127 = memref.load %arg14[%get3A_126] : memref<125xi32, #tpu.memory_space<smem>>
    %get3A_128 = arith.constant 122 : i32
    %get3A_129 = arith.index_cast %get3A_128 : i32 to index
    %get3A_130 = memref.load %arg14[%get3A_129] : memref<125xi32, #tpu.memory_space<smem>>
    %while3A_131 = arith.constant 0 : i32
    %while3A_132 = arith.subi %get3A_130, %get3A_127 : i32
    %while3A_133 = arith.addi %get3A_127, %while3A_132 : i32
    %while3A_134 = arith.constant 1 : i32
    %while3A_135 = arith.divsi %while3A_132, %while3A_134 : i32
    %while3A_136 = arith.muli %while3A_135, %while3A_134 : i32
    %while3A_137 = arith.addi %get3A_127, %while3A_136 : i32
    %while3A_138 = arith.constant 1 : i32
    scf.for %while3A_193 = %get3A_127 to %while3A_137 step %while3A_138  : i32 {
      %get3A_194 = arith.index_cast %while3A_193 : i32 to index
      %get3A_195 = tpu.vector_load %arg8[%get3A_194] {strides = array<i32>} : memref<16400xi32, #tpu.memory_space<vmem>>, vector<16xi32>,
      %slice3A = vector.extract_strided_slice %get3A_195 {offsets = [0], sizes = [1], strides = [1]} : vector<16xi32> to vector<1xi32>
      %squeeze3A = vector.extract %slice3A[0] : i32 from vector<1xi32>
      %shift_right_logical3A = arith.constant 8 : i32
      %shift_right_logical3A_196 = arith.shrui %squeeze3A, %shift_right_logical3A : i32
      %and3A = arith.constant 16383 : i32
      %and3A_197 = arith.andi %shift_right_logical3A_196, %and3A : i32
      %and3A_198 = arith.constant 255 : i32
      %and3A_199 = arith.andi %squeeze3A, %and3A_198 : i32
      %broadcast_in_dim3A = vector.broadcast %and3A_199 : i32 to vector<16xi32>
      %and3A_200 = arith.constant 15 : i32
      %and3A_201 = arith.andi %while3A_193, %and3A_200 : i32
      %shift_right_logical3A_202 = arith.constant 3 : i32
      %shift_right_logical3A_203 = arith.shrui %and3A_201, %shift_right_logical3A_202 : i32
      %and3A_204 = arith.constant 7 : i32
      %and3A_205 = arith.andi %and3A_201, %and3A_204 : i32
      %ge3A_206 = arith.constant 16 : i32
      %ge3A_207 = arith.cmpi sge, %while3A_193, %ge3A_206 : i32
      %convert_element_type3A_208 = arith.extui %ge3A_207 : i1 to i32
      %cond3A_209 = arith.constant 0 : i32
      %cond3A_210 = arith.cmpi ne, %convert_element_type3A_208, %cond3A_209 : i32
      scf.if %cond3A_210 {
        %dma_wait3A_261 = arith.constant 0 : i32
        %dma_wait3A_262 = arith.constant 0 : i32
        %dma_wait3A_263 = arith.constant 0 : i32
        %dma_wait3A_264 = arith.constant 0 : i32
        %dma_wait3A_265 = arith.constant 0 : i32
        %dma_wait3A_266 = tpu.memref_slice %arg13[%dma_wait3A_261, %dma_wait3A_262, %dma_wait3A_265] : memref<2x8x64xf32, #tpu.memory_space<vmem>> -> memref<1x1x64xf32, #tpu.memory_space<vmem>>
        %dma_wait3A_267 = tpu.memref_squeeze %dma_wait3A_266 : memref<1x1x64xf32, #tpu.memory_space<vmem>> -> memref<64xf32, #tpu.memory_space<vmem>>
        %dma_wait3A_268 = arith.constant 0 : i32
        %dma_wait3A_269 = tpu.memref_slice %arg5[%dma_wait3A_263, %dma_wait3A_264, %dma_wait3A_268] : memref<2048x8x64xf32, #tpu.memory_space<hbm>> -> memref<1x1x64xf32, #tpu.memory_space<hbm>>
        %dma_wait3A_270 = tpu.memref_squeeze %dma_wait3A_269 : memref<1x1x64xf32, #tpu.memory_space<hbm>> -> memref<64xf32, #tpu.memory_space<hbm>>
        %dma_wait3A_271 = arith.constant 0 : i32
        %dma_wait3A_272 = tpu.memref_slice %arg5[%dma_wait3A_263, %dma_wait3A_264, %dma_wait3A_271] : memref<2048x8x64xf32, #tpu.memory_space<hbm>> -> memref<1x1x64xf32, #tpu.memory_space<hbm>>
        %dma_wait3A_273 = tpu.memref_squeeze %dma_wait3A_272 : memref<1x1x64xf32, #tpu.memory_space<hbm>> -> memref<64xf32, #tpu.memory_space<hbm>>
        %dma_wait3A_274 = arith.constant 0 : i32
        %dma_wait3A_275 = tpu.memref_slice %arg13[%dma_wait3A_261, %dma_wait3A_262, %dma_wait3A_274] : memref<2x8x64xf32, #tpu.memory_space<vmem>> -> memref<1x1x64xf32, #tpu.memory_space<vmem>>
        %dma_wait3A_276 = tpu.memref_squeeze %dma_wait3A_275 : memref<1x1x64xf32, #tpu.memory_space<vmem>> -> memref<64xf32, #tpu.memory_space<vmem>>
        tpu.wait_dma2 semaphore(%arg20 : memref<!tpu.dma_semaphore, #tpu.memory_space<semaphore_mem>>) src(%dma_wait3A_276 : memref<64xf32, #tpu.memory_space<vmem>>) dst(%dma_wait3A_273 : memref<64xf32, #tpu.memory_space<hbm>>)
      } else {
      }
      %add3A_211 = arith.constant 0 : i32
      %add3A_212 = vector.broadcast %add3A_211 : i32 to vector<16xi32>
      %add3A_213 = arith.addi %iota3A, %add3A_212 : vector<16xi32>
      %gather3A = tpu.vector_load_idx %arg10[%add3A_213, %broadcast_in_dim3A] : memref<64x256xf32, #tpu.memory_space<vmem>>[vector<16xi32>, vector<16xi32>], vector<16xf32>,
      %broadcast_in_dim3A_214 = vector.broadcast %shift_right_logical3A_203 : i32 to vector<16xi32>
      %broadcast_in_dim3A_215 = vector.broadcast %and3A_205 : i32 to vector<16xi32>
      %add3A_216 = arith.constant 0 : i32
      %add3A_217 = vector.broadcast %add3A_216 : i32 to vector<16xi32>
      %add3A_218 = arith.addi %iota3A, %add3A_217 : vector<16xi32>
      tpu.vector_store_idx %arg13[%broadcast_in_dim3A_214, %broadcast_in_dim3A_215, %add3A_218], %gather3A : memref<2x8x64xf32, #tpu.memory_space<vmem>>[vector<16xi32>, vector<16xi32>, vector<16xi32>], vector<16xf32>,
      %add3A_219 = arith.constant 16 : i32
      %add3A_220 = vector.broadcast %add3A_219 : i32 to vector<16xi32>
      %add3A_221 = arith.addi %iota3A, %add3A_220 : vector<16xi32>
      %gather3A_222 = tpu.vector_load_idx %arg10[%add3A_221, %broadcast_in_dim3A] : memref<64x256xf32, #tpu.memory_space<vmem>>[vector<16xi32>, vector<16xi32>], vector<16xf32>,
      %broadcast_in_dim3A_223 = vector.broadcast %shift_right_logical3A_203 : i32 to vector<16xi32>
      %broadcast_in_dim3A_224 = vector.broadcast %and3A_205 : i32 to vector<16xi32>
      %add3A_225 = arith.constant 16 : i32
      %add3A_226 = vector.broadcast %add3A_225 : i32 to vector<16xi32>
      %add3A_227 = arith.addi %iota3A, %add3A_226 : vector<16xi32>
      tpu.vector_store_idx %arg13[%broadcast_in_dim3A_223, %broadcast_in_dim3A_224, %add3A_227], %gather3A_222 : memref<2x8x64xf32, #tpu.memory_space<vmem>>[vector<16xi32>, vector<16xi32>, vector<16xi32>], vector<16xf32>,
      %add3A_228 = arith.constant 32 : i32
      %add3A_229 = vector.broadcast %add3A_228 : i32 to vector<16xi32>
      %add3A_230 = arith.addi %iota3A, %add3A_229 : vector<16xi32>
      %gather3A_231 = tpu.vector_load_idx %arg10[%add3A_230, %broadcast_in_dim3A] : memref<64x256xf32, #tpu.memory_space<vmem>>[vector<16xi32>, vector<16xi32>], vector<16xf32>,
      %broadcast_in_dim3A_232 = vector.broadcast %shift_right_logical3A_203 : i32 to vector<16xi32>
      %broadcast_in_dim3A_233 = vector.broadcast %and3A_205 : i32 to vector<16xi32>
      %add3A_234 = arith.constant 32 : i32
      %add3A_235 = vector.broadcast %add3A_234 : i32 to vector<16xi32>
      %add3A_236 = arith.addi %iota3A, %add3A_235 : vector<16xi32>
      tpu.vector_store_idx %arg13[%broadcast_in_dim3A_232, %broadcast_in_dim3A_233, %add3A_236], %gather3A_231 : memref<2x8x64xf32, #tpu.memory_space<vmem>>[vector<16xi32>, vector<16xi32>, vector<16xi32>], vector<16xf32>,
      %add3A_237 = arith.constant 48 : i32
      %add3A_238 = vector.broadcast %add3A_237 : i32 to vector<16xi32>
      %add3A_239 = arith.addi %iota3A, %add3A_238 : vector<16xi32>
      %gather3A_240 = tpu.vector_load_idx %arg10[%add3A_239, %broadcast_in_dim3A] : memref<64x256xf32, #tpu.memory_space<vmem>>[vector<16xi32>, vector<16xi32>], vector<16xf32>,
      %broadcast_in_dim3A_241 = vector.broadcast %shift_right_logical3A_203 : i32 to vector<16xi32>
      %broadcast_in_dim3A_242 = vector.broadcast %and3A_205 : i32 to vector<16xi32>
      %add3A_243 = arith.constant 48 : i32
      %add3A_244 = vector.broadcast %add3A_243 : i32 to vector<16xi32>
      %add3A_245 = arith.addi %iota3A, %add3A_244 : vector<16xi32>
      tpu.vector_store_idx %arg13[%broadcast_in_dim3A_241, %broadcast_in_dim3A_242, %add3A_245], %gather3A_240 : memref<2x8x64xf32, #tpu.memory_space<vmem>>[vector<16xi32>, vector<16xi32>, vector<16xi32>], vector<16xf32>,
      %shift_right_logical3A_246 = arith.constant 3 : i32
      %shift_right_logical3A_247 = arith.shrui %and3A_197, %shift_right_logical3A_246 : i32
      %and3A_248 = arith.constant 7 : i32
      %and3A_249 = arith.andi %and3A_197, %and3A_248 : i32
      %dma_start3A = arith.constant 0 : i32
      %dma_start3A_250 = tpu.memref_slice %arg13[%shift_right_logical3A_203, %and3A_205, %dma_start3A] : memref<2x8x64xf32, #tpu.memory_space<vmem>> -> memref<1x1x64xf32, #tpu.memory_space<vmem>>
      %dma_start3A_251 = tpu.memref_squeeze %dma_start3A_250 : memref<1x1x64xf32, #tpu.memory_space<vmem>> -> memref<64xf32, #tpu.memory_space<vmem>>
      %dma_start3A_252 = arith.constant 0 : i32
      %dma_start3A_253 = tpu.memref_slice %arg5[%shift_right_logical3A_247, %and3A_249, %dma_start3A_252] : memref<2048x8x64xf32, #tpu.memory_space<hbm>> -> memref<1x1x64xf32, #tpu.memory_space<hbm>>
      %dma_start3A_254 = tpu.memref_squeeze %dma_start3A_253 : memref<1x1x64xf32, #tpu.memory_space<hbm>> -> memref<64xf32, #tpu.memory_space<hbm>>
      %dma_start3A_255 = arith.constant 0 : i32
      %dma_start3A_256 = tpu.memref_slice %arg5[%shift_right_logical3A_247, %and3A_249, %dma_start3A_255] : memref<2048x8x64xf32, #tpu.memory_space<hbm>> -> memref<1x1x64xf32, #tpu.memory_space<hbm>>
      %dma_start3A_257 = tpu.memref_squeeze %dma_start3A_256 : memref<1x1x64xf32, #tpu.memory_space<hbm>> -> memref<64xf32, #tpu.memory_space<hbm>>
      %dma_start3A_258 = arith.constant 0 : i32
      %dma_start3A_259 = tpu.memref_slice %arg13[%shift_right_logical3A_203, %and3A_205, %dma_start3A_258] : memref<2x8x64xf32, #tpu.memory_space<vmem>> -> memref<1x1x64xf32, #tpu.memory_space<vmem>>
      %dma_start3A_260 = tpu.memref_squeeze %dma_start3A_259 : memref<1x1x64xf32, #tpu.memory_space<vmem>> -> memref<64xf32, #tpu.memory_space<vmem>>
      tpu.enqueue_dma source(%dma_start3A_260 : memref<64xf32, #tpu.memory_space<vmem>>) target(%dma_start3A_257 : memref<64xf32, #tpu.memory_space<hbm>>) target_semaphore(%arg20 : memref<!tpu.dma_semaphore, #tpu.memory_space<semaphore_mem>>)
    }
    %while3A_139 = arith.constant 1 : i32
    scf.for %while3A_193 = %while3A_137 to %while3A_133 step %while3A_139  : i32 {
      %get3A_194 = arith.index_cast %while3A_193 : i32 to index
      %get3A_195 = tpu.vector_load %arg8[%get3A_194] {strides = array<i32>} : memref<16400xi32, #tpu.memory_space<vmem>>, vector<16xi32>,
      %slice3A = vector.extract_strided_slice %get3A_195 {offsets = [0], sizes = [1], strides = [1]} : vector<16xi32> to vector<1xi32>
      %squeeze3A = vector.extract %slice3A[0] : i32 from vector<1xi32>
      %shift_right_logical3A = arith.constant 8 : i32
      %shift_right_logical3A_196 = arith.shrui %squeeze3A, %shift_right_logical3A : i32
      %and3A = arith.constant 16383 : i32
      %and3A_197 = arith.andi %shift_right_logical3A_196, %and3A : i32
      %and3A_198 = arith.constant 255 : i32
      %and3A_199 = arith.andi %squeeze3A, %and3A_198 : i32
      %broadcast_in_dim3A = vector.broadcast %and3A_199 : i32 to vector<16xi32>
      %and3A_200 = arith.constant 15 : i32
      %and3A_201 = arith.andi %while3A_193, %and3A_200 : i32
      %shift_right_logical3A_202 = arith.constant 3 : i32
      %shift_right_logical3A_203 = arith.shrui %and3A_201, %shift_right_logical3A_202 : i32
      %and3A_204 = arith.constant 7 : i32
      %and3A_205 = arith.andi %and3A_201, %and3A_204 : i32
      %ge3A_206 = arith.constant 16 : i32
      %ge3A_207 = arith.cmpi sge, %while3A_193, %ge3A_206 : i32
      %convert_element_type3A_208 = arith.extui %ge3A_207 : i1 to i32
      %cond3A_209 = arith.constant 0 : i32
      %cond3A_210 = arith.cmpi ne, %convert_element_type3A_208, %cond3A_209 : i32
      scf.if %cond3A_210 {
        %dma_wait3A_261 = arith.constant 0 : i32
        %dma_wait3A_262 = arith.constant 0 : i32
        %dma_wait3A_263 = arith.constant 0 : i32
        %dma_wait3A_264 = arith.constant 0 : i32
        %dma_wait3A_265 = arith.constant 0 : i32
        %dma_wait3A_266 = tpu.memref_slice %arg13[%dma_wait3A_261, %dma_wait3A_262, %dma_wait3A_265] : memref<2x8x64xf32, #tpu.memory_space<vmem>> -> memref<1x1x64xf32, #tpu.memory_space<vmem>>
        %dma_wait3A_267 = tpu.memref_squeeze %dma_wait3A_266 : memref<1x1x64xf32, #tpu.memory_space<vmem>> -> memref<64xf32, #tpu.memory_space<vmem>>
        %dma_wait3A_268 = arith.constant 0 : i32
        %dma_wait3A_269 = tpu.memref_slice %arg5[%dma_wait3A_263, %dma_wait3A_264, %dma_wait3A_268] : memref<2048x8x64xf32, #tpu.memory_space<hbm>> -> memref<1x1x64xf32, #tpu.memory_space<hbm>>
        %dma_wait3A_270 = tpu.memref_squeeze %dma_wait3A_269 : memref<1x1x64xf32, #tpu.memory_space<hbm>> -> memref<64xf32, #tpu.memory_space<hbm>>
        %dma_wait3A_271 = arith.constant 0 : i32
        %dma_wait3A_272 = tpu.memref_slice %arg5[%dma_wait3A_263, %dma_wait3A_264, %dma_wait3A_271] : memref<2048x8x64xf32, #tpu.memory_space<hbm>> -> memref<1x1x64xf32, #tpu.memory_space<hbm>>
        %dma_wait3A_273 = tpu.memref_squeeze %dma_wait3A_272 : memref<1x1x64xf32, #tpu.memory_space<hbm>> -> memref<64xf32, #tpu.memory_space<hbm>>
        %dma_wait3A_274 = arith.constant 0 : i32
        %dma_wait3A_275 = tpu.memref_slice %arg13[%dma_wait3A_261, %dma_wait3A_262, %dma_wait3A_274] : memref<2x8x64xf32, #tpu.memory_space<vmem>> -> memref<1x1x64xf32, #tpu.memory_space<vmem>>
        %dma_wait3A_276 = tpu.memref_squeeze %dma_wait3A_275 : memref<1x1x64xf32, #tpu.memory_space<vmem>> -> memref<64xf32, #tpu.memory_space<vmem>>
        tpu.wait_dma2 semaphore(%arg20 : memref<!tpu.dma_semaphore, #tpu.memory_space<semaphore_mem>>) src(%dma_wait3A_276 : memref<64xf32, #tpu.memory_space<vmem>>) dst(%dma_wait3A_273 : memref<64xf32, #tpu.memory_space<hbm>>)
      } else {
      }
      %add3A_211 = arith.constant 0 : i32
      %add3A_212 = vector.broadcast %add3A_211 : i32 to vector<16xi32>
      %add3A_213 = arith.addi %iota3A, %add3A_212 : vector<16xi32>
      %gather3A = tpu.vector_load_idx %arg10[%add3A_213, %broadcast_in_dim3A] : memref<64x256xf32, #tpu.memory_space<vmem>>[vector<16xi32>, vector<16xi32>], vector<16xf32>,
      %broadcast_in_dim3A_214 = vector.broadcast %shift_right_logical3A_203 : i32 to vector<16xi32>
      %broadcast_in_dim3A_215 = vector.broadcast %and3A_205 : i32 to vector<16xi32>
      %add3A_216 = arith.constant 0 : i32
      %add3A_217 = vector.broadcast %add3A_216 : i32 to vector<16xi32>
      %add3A_218 = arith.addi %iota3A, %add3A_217 : vector<16xi32>
      tpu.vector_store_idx %arg13[%broadcast_in_dim3A_214, %broadcast_in_dim3A_215, %add3A_218], %gather3A : memref<2x8x64xf32, #tpu.memory_space<vmem>>[vector<16xi32>, vector<16xi32>, vector<16xi32>], vector<16xf32>,
      %add3A_219 = arith.constant 16 : i32
      %add3A_220 = vector.broadcast %add3A_219 : i32 to vector<16xi32>
      %add3A_221 = arith.addi %iota3A, %add3A_220 : vector<16xi32>
      %gather3A_222 = tpu.vector_load_idx %arg10[%add3A_221, %broadcast_in_dim3A] : memref<64x256xf32, #tpu.memory_space<vmem>>[vector<16xi32>, vector<16xi32>], vector<16xf32>,
      %broadcast_in_dim3A_223 = vector.broadcast %shift_right_logical3A_203 : i32 to vector<16xi32>
      %broadcast_in_dim3A_224 = vector.broadcast %and3A_205 : i32 to vector<16xi32>
      %add3A_225 = arith.constant 16 : i32
      %add3A_226 = vector.broadcast %add3A_225 : i32 to vector<16xi32>
      %add3A_227 = arith.addi %iota3A, %add3A_226 : vector<16xi32>
      tpu.vector_store_idx %arg13[%broadcast_in_dim3A_223, %broadcast_in_dim3A_224, %add3A_227], %gather3A_222 : memref<2x8x64xf32, #tpu.memory_space<vmem>>[vector<16xi32>, vector<16xi32>, vector<16xi32>], vector<16xf32>,
      %add3A_228 = arith.constant 32 : i32
      %add3A_229 = vector.broadcast %add3A_228 : i32 to vector<16xi32>
      %add3A_230 = arith.addi %iota3A, %add3A_229 : vector<16xi32>
      %gather3A_231 = tpu.vector_load_idx %arg10[%add3A_230, %broadcast_in_dim3A] : memref<64x256xf32, #tpu.memory_space<vmem>>[vector<16xi32>, vector<16xi32>], vector<16xf32>,
      %broadcast_in_dim3A_232 = vector.broadcast %shift_right_logical3A_203 : i32 to vector<16xi32>
      %broadcast_in_dim3A_233 = vector.broadcast %and3A_205 : i32 to vector<16xi32>
      %add3A_234 = arith.constant 32 : i32
      %add3A_235 = vector.broadcast %add3A_234 : i32 to vector<16xi32>
      %add3A_236 = arith.addi %iota3A, %add3A_235 : vector<16xi32>
      tpu.vector_store_idx %arg13[%broadcast_in_dim3A_232, %broadcast_in_dim3A_233, %add3A_236], %gather3A_231 : memref<2x8x64xf32, #tpu.memory_space<vmem>>[vector<16xi32>, vector<16xi32>, vector<16xi32>], vector<16xf32>,
      %add3A_237 = arith.constant 48 : i32
      %add3A_238 = vector.broadcast %add3A_237 : i32 to vector<16xi32>
      %add3A_239 = arith.addi %iota3A, %add3A_238 : vector<16xi32>
      %gather3A_240 = tpu.vector_load_idx %arg10[%add3A_239, %broadcast_in_dim3A] : memref<64x256xf32, #tpu.memory_space<vmem>>[vector<16xi32>, vector<16xi32>], vector<16xf32>,
      %broadcast_in_dim3A_241 = vector.broadcast %shift_right_logical3A_203 : i32 to vector<16xi32>
      %broadcast_in_dim3A_242 = vector.broadcast %and3A_205 : i32 to vector<16xi32>
      %add3A_243 = arith.constant 48 : i32
      %add3A_244 = vector.broadcast %add3A_243 : i32 to vector<16xi32>
      %add3A_245 = arith.addi %iota3A, %add3A_244 : vector<16xi32>
      tpu.vector_store_idx %arg13[%broadcast_in_dim3A_241, %broadcast_in_dim3A_242, %add3A_245], %gather3A_240 : memref<2x8x64xf32, #tpu.memory_space<vmem>>[vector<16xi32>, vector<16xi32>, vector<16xi32>], vector<16xf32>,
      %shift_right_logical3A_246 = arith.constant 3 : i32
      %shift_right_logical3A_247 = arith.shrui %and3A_197, %shift_right_logical3A_246 : i32
      %and3A_248 = arith.constant 7 : i32
      %and3A_249 = arith.andi %and3A_197, %and3A_248 : i32
      %dma_start3A = arith.constant 0 : i32
      %dma_start3A_250 = tpu.memref_slice %arg13[%shift_right_logical3A_203, %and3A_205, %dma_start3A] : memref<2x8x64xf32, #tpu.memory_space<vmem>> -> memref<1x1x64xf32, #tpu.memory_space<vmem>>
      %dma_start3A_251 = tpu.memref_squeeze %dma_start3A_250 : memref<1x1x64xf32, #tpu.memory_space<vmem>> -> memref<64xf32, #tpu.memory_space<vmem>>
      %dma_start3A_252 = arith.constant 0 : i32
      %dma_start3A_253 = tpu.memref_slice %arg5[%shift_right_logical3A_247, %and3A_249, %dma_start3A_252] : memref<2048x8x64xf32, #tpu.memory_space<hbm>> -> memref<1x1x64xf32, #tpu.memory_space<hbm>>
      %dma_start3A_254 = tpu.memref_squeeze %dma_start3A_253 : memref<1x1x64xf32, #tpu.memory_space<hbm>> -> memref<64xf32, #tpu.memory_space<hbm>>
      %dma_start3A_255 = arith.constant 0 : i32
      %dma_start3A_256 = tpu.memref_slice %arg5[%shift_right_logical3A_247, %and3A_249, %dma_start3A_255] : memref<2048x8x64xf32, #tpu.memory_space<hbm>> -> memref<1x1x64xf32, #tpu.memory_space<hbm>>
      %dma_start3A_257 = tpu.memref_squeeze %dma_start3A_256 : memref<1x1x64xf32, #tpu.memory_space<hbm>> -> memref<64xf32, #tpu.memory_space<hbm>>
      %dma_start3A_258 = arith.constant 0 : i32
      %dma_start3A_259 = tpu.memref_slice %arg13[%shift_right_logical3A_203, %and3A_205, %dma_start3A_258] : memref<2x8x64xf32, #tpu.memory_space<vmem>> -> memref<1x1x64xf32, #tpu.memory_space<vmem>>
      %dma_start3A_260 = tpu.memref_squeeze %dma_start3A_259 : memref<1x1x64xf32, #tpu.memory_space<vmem>> -> memref<64xf32, #tpu.memory_space<vmem>>
      tpu.enqueue_dma source(%dma_start3A_260 : memref<64xf32, #tpu.memory_space<vmem>>) target(%dma_start3A_257 : memref<64xf32, #tpu.memory_space<hbm>>) target_semaphore(%arg20 : memref<!tpu.dma_semaphore, #tpu.memory_space<semaphore_mem>>)
    }
    %dma_wait3A_140 = arith.constant 0 : i32
    %dma_wait3A_141 = arith.constant 0 : i32
    %dma_wait3A_142 = tpu.memref_slice %arg3[%dma_wait3A_140, %dma_wait3A_141] : memref<64x1000000xf32, #tpu.memory_space<hbm>> -> memref<64x256xf32, #tpu.memory_space<hbm>>
    %dma_wait3A_143 = arith.constant 0 : i32
    %dma_wait3A_144 = arith.constant 0 : i32
    %dma_wait3A_145 = tpu.memref_slice %arg3[%dma_wait3A_143, %dma_wait3A_144] : memref<64x1000000xf32, #tpu.memory_space<hbm>> -> memref<64x256xf32, #tpu.memory_space<hbm>>
    tpu.wait_dma2 semaphore(%arg18 : memref<!tpu.dma_semaphore, #tpu.memory_space<semaphore_mem>>) src(%dma_wait3A_145 : memref<64x256xf32, #tpu.memory_space<hbm>>) dst(%arg11 : memref<64x256xf32, #tpu.memory_space<vmem>>)
    %get3A_146 = arith.constant 122 : i32
    %get3A_147 = arith.index_cast %get3A_146 : i32 to index
    %get3A_148 = memref.load %arg14[%get3A_147] : memref<125xi32, #tpu.memory_space<smem>>
    %get3A_149 = arith.constant 123 : i32
    %get3A_150 = arith.index_cast %get3A_149 : i32 to index
    %get3A_151 = memref.load %arg14[%get3A_150] : memref<125xi32, #tpu.memory_space<smem>>
    %while3A_152 = arith.constant 0 : i32
    %while3A_153 = arith.subi %get3A_151, %get3A_148 : i32
    %while3A_154 = arith.addi %get3A_148, %while3A_153 : i32
    %while3A_155 = arith.constant 1 : i32
    %while3A_156 = arith.divsi %while3A_153, %while3A_155 : i32
    %while3A_157 = arith.muli %while3A_156, %while3A_155 : i32
    %while3A_158 = arith.addi %get3A_148, %while3A_157 : i32
    %while3A_159 = arith.constant 1 : i32
    scf.for %while3A_193 = %get3A_148 to %while3A_158 step %while3A_159  : i32 {
      %get3A_194 = arith.index_cast %while3A_193 : i32 to index
      %get3A_195 = tpu.vector_load %arg8[%get3A_194] {strides = array<i32>} : memref<16400xi32, #tpu.memory_space<vmem>>, vector<16xi32>,
      %slice3A = vector.extract_strided_slice %get3A_195 {offsets = [0], sizes = [1], strides = [1]} : vector<16xi32> to vector<1xi32>
      %squeeze3A = vector.extract %slice3A[0] : i32 from vector<1xi32>
      %shift_right_logical3A = arith.constant 8 : i32
      %shift_right_logical3A_196 = arith.shrui %squeeze3A, %shift_right_logical3A : i32
      %and3A = arith.constant 16383 : i32
      %and3A_197 = arith.andi %shift_right_logical3A_196, %and3A : i32
      %and3A_198 = arith.constant 255 : i32
      %and3A_199 = arith.andi %squeeze3A, %and3A_198 : i32
      %broadcast_in_dim3A = vector.broadcast %and3A_199 : i32 to vector<16xi32>
      %and3A_200 = arith.constant 15 : i32
      %and3A_201 = arith.andi %while3A_193, %and3A_200 : i32
      %shift_right_logical3A_202 = arith.constant 3 : i32
      %shift_right_logical3A_203 = arith.shrui %and3A_201, %shift_right_logical3A_202 : i32
      %and3A_204 = arith.constant 7 : i32
      %and3A_205 = arith.andi %and3A_201, %and3A_204 : i32
      %ge3A_206 = arith.constant 16 : i32
      %ge3A_207 = arith.cmpi sge, %while3A_193, %ge3A_206 : i32
      %convert_element_type3A_208 = arith.extui %ge3A_207 : i1 to i32
      %cond3A_209 = arith.constant 0 : i32
      %cond3A_210 = arith.cmpi ne, %convert_element_type3A_208, %cond3A_209 : i32
      scf.if %cond3A_210 {
        %dma_wait3A_261 = arith.constant 0 : i32
        %dma_wait3A_262 = arith.constant 0 : i32
        %dma_wait3A_263 = arith.constant 0 : i32
        %dma_wait3A_264 = arith.constant 0 : i32
        %dma_wait3A_265 = arith.constant 0 : i32
        %dma_wait3A_266 = tpu.memref_slice %arg13[%dma_wait3A_261, %dma_wait3A_262, %dma_wait3A_265] : memref<2x8x64xf32, #tpu.memory_space<vmem>> -> memref<1x1x64xf32, #tpu.memory_space<vmem>>
        %dma_wait3A_267 = tpu.memref_squeeze %dma_wait3A_266 : memref<1x1x64xf32, #tpu.memory_space<vmem>> -> memref<64xf32, #tpu.memory_space<vmem>>
        %dma_wait3A_268 = arith.constant 0 : i32
        %dma_wait3A_269 = tpu.memref_slice %arg5[%dma_wait3A_263, %dma_wait3A_264, %dma_wait3A_268] : memref<2048x8x64xf32, #tpu.memory_space<hbm>> -> memref<1x1x64xf32, #tpu.memory_space<hbm>>
        %dma_wait3A_270 = tpu.memref_squeeze %dma_wait3A_269 : memref<1x1x64xf32, #tpu.memory_space<hbm>> -> memref<64xf32, #tpu.memory_space<hbm>>
        %dma_wait3A_271 = arith.constant 0 : i32
        %dma_wait3A_272 = tpu.memref_slice %arg5[%dma_wait3A_263, %dma_wait3A_264, %dma_wait3A_271] : memref<2048x8x64xf32, #tpu.memory_space<hbm>> -> memref<1x1x64xf32, #tpu.memory_space<hbm>>
        %dma_wait3A_273 = tpu.memref_squeeze %dma_wait3A_272 : memref<1x1x64xf32, #tpu.memory_space<hbm>> -> memref<64xf32, #tpu.memory_space<hbm>>
        %dma_wait3A_274 = arith.constant 0 : i32
        %dma_wait3A_275 = tpu.memref_slice %arg13[%dma_wait3A_261, %dma_wait3A_262, %dma_wait3A_274] : memref<2x8x64xf32, #tpu.memory_space<vmem>> -> memref<1x1x64xf32, #tpu.memory_space<vmem>>
        %dma_wait3A_276 = tpu.memref_squeeze %dma_wait3A_275 : memref<1x1x64xf32, #tpu.memory_space<vmem>> -> memref<64xf32, #tpu.memory_space<vmem>>
        tpu.wait_dma2 semaphore(%arg20 : memref<!tpu.dma_semaphore, #tpu.memory_space<semaphore_mem>>) src(%dma_wait3A_276 : memref<64xf32, #tpu.memory_space<vmem>>) dst(%dma_wait3A_273 : memref<64xf32, #tpu.memory_space<hbm>>)
      } else {
      }
      %add3A_211 = arith.constant 0 : i32
      %add3A_212 = vector.broadcast %add3A_211 : i32 to vector<16xi32>
      %add3A_213 = arith.addi %iota3A, %add3A_212 : vector<16xi32>
      %gather3A = tpu.vector_load_idx %arg11[%add3A_213, %broadcast_in_dim3A] : memref<64x256xf32, #tpu.memory_space<vmem>>[vector<16xi32>, vector<16xi32>], vector<16xf32>,
      %broadcast_in_dim3A_214 = vector.broadcast %shift_right_logical3A_203 : i32 to vector<16xi32>
      %broadcast_in_dim3A_215 = vector.broadcast %and3A_205 : i32 to vector<16xi32>
      %add3A_216 = arith.constant 0 : i32
      %add3A_217 = vector.broadcast %add3A_216 : i32 to vector<16xi32>
      %add3A_218 = arith.addi %iota3A, %add3A_217 : vector<16xi32>
      tpu.vector_store_idx %arg13[%broadcast_in_dim3A_214, %broadcast_in_dim3A_215, %add3A_218], %gather3A : memref<2x8x64xf32, #tpu.memory_space<vmem>>[vector<16xi32>, vector<16xi32>, vector<16xi32>], vector<16xf32>,
      %add3A_219 = arith.constant 16 : i32
      %add3A_220 = vector.broadcast %add3A_219 : i32 to vector<16xi32>
      %add3A_221 = arith.addi %iota3A, %add3A_220 : vector<16xi32>
      %gather3A_222 = tpu.vector_load_idx %arg11[%add3A_221, %broadcast_in_dim3A] : memref<64x256xf32, #tpu.memory_space<vmem>>[vector<16xi32>, vector<16xi32>], vector<16xf32>,
      %broadcast_in_dim3A_223 = vector.broadcast %shift_right_logical3A_203 : i32 to vector<16xi32>
      %broadcast_in_dim3A_224 = vector.broadcast %and3A_205 : i32 to vector<16xi32>
      %add3A_225 = arith.constant 16 : i32
      %add3A_226 = vector.broadcast %add3A_225 : i32 to vector<16xi32>
      %add3A_227 = arith.addi %iota3A, %add3A_226 : vector<16xi32>
      tpu.vector_store_idx %arg13[%broadcast_in_dim3A_223, %broadcast_in_dim3A_224, %add3A_227], %gather3A_222 : memref<2x8x64xf32, #tpu.memory_space<vmem>>[vector<16xi32>, vector<16xi32>, vector<16xi32>], vector<16xf32>,
      %add3A_228 = arith.constant 32 : i32
      %add3A_229 = vector.broadcast %add3A_228 : i32 to vector<16xi32>
      %add3A_230 = arith.addi %iota3A, %add3A_229 : vector<16xi32>
      %gather3A_231 = tpu.vector_load_idx %arg11[%add3A_230, %broadcast_in_dim3A] : memref<64x256xf32, #tpu.memory_space<vmem>>[vector<16xi32>, vector<16xi32>], vector<16xf32>,
      %broadcast_in_dim3A_232 = vector.broadcast %shift_right_logical3A_203 : i32 to vector<16xi32>
      %broadcast_in_dim3A_233 = vector.broadcast %and3A_205 : i32 to vector<16xi32>
      %add3A_234 = arith.constant 32 : i32
      %add3A_235 = vector.broadcast %add3A_234 : i32 to vector<16xi32>
      %add3A_236 = arith.addi %iota3A, %add3A_235 : vector<16xi32>
      tpu.vector_store_idx %arg13[%broadcast_in_dim3A_232, %broadcast_in_dim3A_233, %add3A_236], %gather3A_231 : memref<2x8x64xf32, #tpu.memory_space<vmem>>[vector<16xi32>, vector<16xi32>, vector<16xi32>], vector<16xf32>,
      %add3A_237 = arith.constant 48 : i32
      %add3A_238 = vector.broadcast %add3A_237 : i32 to vector<16xi32>
      %add3A_239 = arith.addi %iota3A, %add3A_238 : vector<16xi32>
      %gather3A_240 = tpu.vector_load_idx %arg11[%add3A_239, %broadcast_in_dim3A] : memref<64x256xf32, #tpu.memory_space<vmem>>[vector<16xi32>, vector<16xi32>], vector<16xf32>,
      %broadcast_in_dim3A_241 = vector.broadcast %shift_right_logical3A_203 : i32 to vector<16xi32>
      %broadcast_in_dim3A_242 = vector.broadcast %and3A_205 : i32 to vector<16xi32>
      %add3A_243 = arith.constant 48 : i32
      %add3A_244 = vector.broadcast %add3A_243 : i32 to vector<16xi32>
      %add3A_245 = arith.addi %iota3A, %add3A_244 : vector<16xi32>
      tpu.vector_store_idx %arg13[%broadcast_in_dim3A_241, %broadcast_in_dim3A_242, %add3A_245], %gather3A_240 : memref<2x8x64xf32, #tpu.memory_space<vmem>>[vector<16xi32>, vector<16xi32>, vector<16xi32>], vector<16xf32>,
      %shift_right_logical3A_246 = arith.constant 3 : i32
      %shift_right_logical3A_247 = arith.shrui %and3A_197, %shift_right_logical3A_246 : i32
      %and3A_248 = arith.constant 7 : i32
      %and3A_249 = arith.andi %and3A_197, %and3A_248 : i32
      %dma_start3A = arith.constant 0 : i32
      %dma_start3A_250 = tpu.memref_slice %arg13[%shift_right_logical3A_203, %and3A_205, %dma_start3A] : memref<2x8x64xf32, #tpu.memory_space<vmem>> -> memref<1x1x64xf32, #tpu.memory_space<vmem>>
      %dma_start3A_251 = tpu.memref_squeeze %dma_start3A_250 : memref<1x1x64xf32, #tpu.memory_space<vmem>> -> memref<64xf32, #tpu.memory_space<vmem>>
      %dma_start3A_252 = arith.constant 0 : i32
      %dma_start3A_253 = tpu.memref_slice %arg5[%shift_right_logical3A_247, %and3A_249, %dma_start3A_252] : memref<2048x8x64xf32, #tpu.memory_space<hbm>> -> memref<1x1x64xf32, #tpu.memory_space<hbm>>
      %dma_start3A_254 = tpu.memref_squeeze %dma_start3A_253 : memref<1x1x64xf32, #tpu.memory_space<hbm>> -> memref<64xf32, #tpu.memory_space<hbm>>
      %dma_start3A_255 = arith.constant 0 : i32
      %dma_start3A_256 = tpu.memref_slice %arg5[%shift_right_logical3A_247, %and3A_249, %dma_start3A_255] : memref<2048x8x64xf32, #tpu.memory_space<hbm>> -> memref<1x1x64xf32, #tpu.memory_space<hbm>>
      %dma_start3A_257 = tpu.memref_squeeze %dma_start3A_256 : memref<1x1x64xf32, #tpu.memory_space<hbm>> -> memref<64xf32, #tpu.memory_space<hbm>>
      %dma_start3A_258 = arith.constant 0 : i32
      %dma_start3A_259 = tpu.memref_slice %arg13[%shift_right_logical3A_203, %and3A_205, %dma_start3A_258] : memref<2x8x64xf32, #tpu.memory_space<vmem>> -> memref<1x1x64xf32, #tpu.memory_space<vmem>>
      %dma_start3A_260 = tpu.memref_squeeze %dma_start3A_259 : memref<1x1x64xf32, #tpu.memory_space<vmem>> -> memref<64xf32, #tpu.memory_space<vmem>>
      tpu.enqueue_dma source(%dma_start3A_260 : memref<64xf32, #tpu.memory_space<vmem>>) target(%dma_start3A_257 : memref<64xf32, #tpu.memory_space<hbm>>) target_semaphore(%arg20 : memref<!tpu.dma_semaphore, #tpu.memory_space<semaphore_mem>>)
    }
    %while3A_160 = arith.constant 1 : i32
    scf.for %while3A_193 = %while3A_158 to %while3A_154 step %while3A_160  : i32 {
      %get3A_194 = arith.index_cast %while3A_193 : i32 to index
      %get3A_195 = tpu.vector_load %arg8[%get3A_194] {strides = array<i32>} : memref<16400xi32, #tpu.memory_space<vmem>>, vector<16xi32>,
      %slice3A = vector.extract_strided_slice %get3A_195 {offsets = [0], sizes = [1], strides = [1]} : vector<16xi32> to vector<1xi32>
      %squeeze3A = vector.extract %slice3A[0] : i32 from vector<1xi32>
      %shift_right_logical3A = arith.constant 8 : i32
      %shift_right_logical3A_196 = arith.shrui %squeeze3A, %shift_right_logical3A : i32
      %and3A = arith.constant 16383 : i32
      %and3A_197 = arith.andi %shift_right_logical3A_196, %and3A : i32
      %and3A_198 = arith.constant 255 : i32
      %and3A_199 = arith.andi %squeeze3A, %and3A_198 : i32
      %broadcast_in_dim3A = vector.broadcast %and3A_199 : i32 to vector<16xi32>
      %and3A_200 = arith.constant 15 : i32
      %and3A_201 = arith.andi %while3A_193, %and3A_200 : i32
      %shift_right_logical3A_202 = arith.constant 3 : i32
      %shift_right_logical3A_203 = arith.shrui %and3A_201, %shift_right_logical3A_202 : i32
      %and3A_204 = arith.constant 7 : i32
      %and3A_205 = arith.andi %and3A_201, %and3A_204 : i32
      %ge3A_206 = arith.constant 16 : i32
      %ge3A_207 = arith.cmpi sge, %while3A_193, %ge3A_206 : i32
      %convert_element_type3A_208 = arith.extui %ge3A_207 : i1 to i32
      %cond3A_209 = arith.constant 0 : i32
      %cond3A_210 = arith.cmpi ne, %convert_element_type3A_208, %cond3A_209 : i32
      scf.if %cond3A_210 {
        %dma_wait3A_261 = arith.constant 0 : i32
        %dma_wait3A_262 = arith.constant 0 : i32
        %dma_wait3A_263 = arith.constant 0 : i32
        %dma_wait3A_264 = arith.constant 0 : i32
        %dma_wait3A_265 = arith.constant 0 : i32
        %dma_wait3A_266 = tpu.memref_slice %arg13[%dma_wait3A_261, %dma_wait3A_262, %dma_wait3A_265] : memref<2x8x64xf32, #tpu.memory_space<vmem>> -> memref<1x1x64xf32, #tpu.memory_space<vmem>>
        %dma_wait3A_267 = tpu.memref_squeeze %dma_wait3A_266 : memref<1x1x64xf32, #tpu.memory_space<vmem>> -> memref<64xf32, #tpu.memory_space<vmem>>
        %dma_wait3A_268 = arith.constant 0 : i32
        %dma_wait3A_269 = tpu.memref_slice %arg5[%dma_wait3A_263, %dma_wait3A_264, %dma_wait3A_268] : memref<2048x8x64xf32, #tpu.memory_space<hbm>> -> memref<1x1x64xf32, #tpu.memory_space<hbm>>
        %dma_wait3A_270 = tpu.memref_squeeze %dma_wait3A_269 : memref<1x1x64xf32, #tpu.memory_space<hbm>> -> memref<64xf32, #tpu.memory_space<hbm>>
        %dma_wait3A_271 = arith.constant 0 : i32
        %dma_wait3A_272 = tpu.memref_slice %arg5[%dma_wait3A_263, %dma_wait3A_264, %dma_wait3A_271] : memref<2048x8x64xf32, #tpu.memory_space<hbm>> -> memref<1x1x64xf32, #tpu.memory_space<hbm>>
        %dma_wait3A_273 = tpu.memref_squeeze %dma_wait3A_272 : memref<1x1x64xf32, #tpu.memory_space<hbm>> -> memref<64xf32, #tpu.memory_space<hbm>>
        %dma_wait3A_274 = arith.constant 0 : i32
        %dma_wait3A_275 = tpu.memref_slice %arg13[%dma_wait3A_261, %dma_wait3A_262, %dma_wait3A_274] : memref<2x8x64xf32, #tpu.memory_space<vmem>> -> memref<1x1x64xf32, #tpu.memory_space<vmem>>
        %dma_wait3A_276 = tpu.memref_squeeze %dma_wait3A_275 : memref<1x1x64xf32, #tpu.memory_space<vmem>> -> memref<64xf32, #tpu.memory_space<vmem>>
        tpu.wait_dma2 semaphore(%arg20 : memref<!tpu.dma_semaphore, #tpu.memory_space<semaphore_mem>>) src(%dma_wait3A_276 : memref<64xf32, #tpu.memory_space<vmem>>) dst(%dma_wait3A_273 : memref<64xf32, #tpu.memory_space<hbm>>)
      } else {
      }
      %add3A_211 = arith.constant 0 : i32
      %add3A_212 = vector.broadcast %add3A_211 : i32 to vector<16xi32>
      %add3A_213 = arith.addi %iota3A, %add3A_212 : vector<16xi32>
      %gather3A = tpu.vector_load_idx %arg11[%add3A_213, %broadcast_in_dim3A] : memref<64x256xf32, #tpu.memory_space<vmem>>[vector<16xi32>, vector<16xi32>], vector<16xf32>,
      %broadcast_in_dim3A_214 = vector.broadcast %shift_right_logical3A_203 : i32 to vector<16xi32>
      %broadcast_in_dim3A_215 = vector.broadcast %and3A_205 : i32 to vector<16xi32>
      %add3A_216 = arith.constant 0 : i32
      %add3A_217 = vector.broadcast %add3A_216 : i32 to vector<16xi32>
      %add3A_218 = arith.addi %iota3A, %add3A_217 : vector<16xi32>
      tpu.vector_store_idx %arg13[%broadcast_in_dim3A_214, %broadcast_in_dim3A_215, %add3A_218], %gather3A : memref<2x8x64xf32, #tpu.memory_space<vmem>>[vector<16xi32>, vector<16xi32>, vector<16xi32>], vector<16xf32>,
      %add3A_219 = arith.constant 16 : i32
      %add3A_220 = vector.broadcast %add3A_219 : i32 to vector<16xi32>
      %add3A_221 = arith.addi %iota3A, %add3A_220 : vector<16xi32>
      %gather3A_222 = tpu.vector_load_idx %arg11[%add3A_221, %broadcast_in_dim3A] : memref<64x256xf32, #tpu.memory_space<vmem>>[vector<16xi32>, vector<16xi32>], vector<16xf32>,
      %broadcast_in_dim3A_223 = vector.broadcast %shift_right_logical3A_203 : i32 to vector<16xi32>
      %broadcast_in_dim3A_224 = vector.broadcast %and3A_205 : i32 to vector<16xi32>
      %add3A_225 = arith.constant 16 : i32
      %add3A_226 = vector.broadcast %add3A_225 : i32 to vector<16xi32>
      %add3A_227 = arith.addi %iota3A, %add3A_226 : vector<16xi32>
      tpu.vector_store_idx %arg13[%broadcast_in_dim3A_223, %broadcast_in_dim3A_224, %add3A_227], %gather3A_222 : memref<2x8x64xf32, #tpu.memory_space<vmem>>[vector<16xi32>, vector<16xi32>, vector<16xi32>], vector<16xf32>,
      %add3A_228 = arith.constant 32 : i32
      %add3A_229 = vector.broadcast %add3A_228 : i32 to vector<16xi32>
      %add3A_230 = arith.addi %iota3A, %add3A_229 : vector<16xi32>
      %gather3A_231 = tpu.vector_load_idx %arg11[%add3A_230, %broadcast_in_dim3A] : memref<64x256xf32, #tpu.memory_space<vmem>>[vector<16xi32>, vector<16xi32>], vector<16xf32>,
      %broadcast_in_dim3A_232 = vector.broadcast %shift_right_logical3A_203 : i32 to vector<16xi32>
      %broadcast_in_dim3A_233 = vector.broadcast %and3A_205 : i32 to vector<16xi32>
      %add3A_234 = arith.constant 32 : i32
      %add3A_235 = vector.broadcast %add3A_234 : i32 to vector<16xi32>
      %add3A_236 = arith.addi %iota3A, %add3A_235 : vector<16xi32>
      tpu.vector_store_idx %arg13[%broadcast_in_dim3A_232, %broadcast_in_dim3A_233, %add3A_236], %gather3A_231 : memref<2x8x64xf32, #tpu.memory_space<vmem>>[vector<16xi32>, vector<16xi32>, vector<16xi32>], vector<16xf32>,
      %add3A_237 = arith.constant 48 : i32
      %add3A_238 = vector.broadcast %add3A_237 : i32 to vector<16xi32>
      %add3A_239 = arith.addi %iota3A, %add3A_238 : vector<16xi32>
      %gather3A_240 = tpu.vector_load_idx %arg11[%add3A_239, %broadcast_in_dim3A] : memref<64x256xf32, #tpu.memory_space<vmem>>[vector<16xi32>, vector<16xi32>], vector<16xf32>,
      %broadcast_in_dim3A_241 = vector.broadcast %shift_right_logical3A_203 : i32 to vector<16xi32>
      %broadcast_in_dim3A_242 = vector.broadcast %and3A_205 : i32 to vector<16xi32>
      %add3A_243 = arith.constant 48 : i32
      %add3A_244 = vector.broadcast %add3A_243 : i32 to vector<16xi32>
      %add3A_245 = arith.addi %iota3A, %add3A_244 : vector<16xi32>
      tpu.vector_store_idx %arg13[%broadcast_in_dim3A_241, %broadcast_in_dim3A_242, %add3A_245], %gather3A_240 : memref<2x8x64xf32, #tpu.memory_space<vmem>>[vector<16xi32>, vector<16xi32>, vector<16xi32>], vector<16xf32>,
      %shift_right_logical3A_246 = arith.constant 3 : i32
      %shift_right_logical3A_247 = arith.shrui %and3A_197, %shift_right_logical3A_246 : i32
      %and3A_248 = arith.constant 7 : i32
      %and3A_249 = arith.andi %and3A_197, %and3A_248 : i32
      %dma_start3A = arith.constant 0 : i32
      %dma_start3A_250 = tpu.memref_slice %arg13[%shift_right_logical3A_203, %and3A_205, %dma_start3A] : memref<2x8x64xf32, #tpu.memory_space<vmem>> -> memref<1x1x64xf32, #tpu.memory_space<vmem>>
      %dma_start3A_251 = tpu.memref_squeeze %dma_start3A_250 : memref<1x1x64xf32, #tpu.memory_space<vmem>> -> memref<64xf32, #tpu.memory_space<vmem>>
      %dma_start3A_252 = arith.constant 0 : i32
      %dma_start3A_253 = tpu.memref_slice %arg5[%shift_right_logical3A_247, %and3A_249, %dma_start3A_252] : memref<2048x8x64xf32, #tpu.memory_space<hbm>> -> memref<1x1x64xf32, #tpu.memory_space<hbm>>
      %dma_start3A_254 = tpu.memref_squeeze %dma_start3A_253 : memref<1x1x64xf32, #tpu.memory_space<hbm>> -> memref<64xf32, #tpu.memory_space<hbm>>
      %dma_start3A_255 = arith.constant 0 : i32
      %dma_start3A_256 = tpu.memref_slice %arg5[%shift_right_logical3A_247, %and3A_249, %dma_start3A_255] : memref<2048x8x64xf32, #tpu.memory_space<hbm>> -> memref<1x1x64xf32, #tpu.memory_space<hbm>>
      %dma_start3A_257 = tpu.memref_squeeze %dma_start3A_256 : memref<1x1x64xf32, #tpu.memory_space<hbm>> -> memref<64xf32, #tpu.memory_space<hbm>>
      %dma_start3A_258 = arith.constant 0 : i32
      %dma_start3A_259 = tpu.memref_slice %arg13[%shift_right_logical3A_203, %and3A_205, %dma_start3A_258] : memref<2x8x64xf32, #tpu.memory_space<vmem>> -> memref<1x1x64xf32, #tpu.memory_space<vmem>>
      %dma_start3A_260 = tpu.memref_squeeze %dma_start3A_259 : memref<1x1x64xf32, #tpu.memory_space<vmem>> -> memref<64xf32, #tpu.memory_space<vmem>>
      tpu.enqueue_dma source(%dma_start3A_260 : memref<64xf32, #tpu.memory_space<vmem>>) target(%dma_start3A_257 : memref<64xf32, #tpu.memory_space<hbm>>) target_semaphore(%arg20 : memref<!tpu.dma_semaphore, #tpu.memory_space<semaphore_mem>>)
    }
    %dma_wait3A_161 = arith.constant 0 : i32
    %dma_wait3A_162 = arith.constant 0 : i32
    %dma_wait3A_163 = tpu.memref_slice %arg3[%dma_wait3A_161, %dma_wait3A_162] : memref<64x1000000xf32, #tpu.memory_space<hbm>> -> memref<64x256xf32, #tpu.memory_space<hbm>>
    %dma_wait3A_164 = arith.constant 0 : i32
    %dma_wait3A_165 = arith.constant 0 : i32
    %dma_wait3A_166 = tpu.memref_slice %arg3[%dma_wait3A_164, %dma_wait3A_165] : memref<64x1000000xf32, #tpu.memory_space<hbm>> -> memref<64x256xf32, #tpu.memory_space<hbm>>
    tpu.wait_dma2 semaphore(%arg19 : memref<!tpu.dma_semaphore, #tpu.memory_space<semaphore_mem>>) src(%dma_wait3A_166 : memref<64x256xf32, #tpu.memory_space<hbm>>) dst(%arg12 : memref<64x256xf32, #tpu.memory_space<vmem>>)
    %get3A_167 = arith.constant 123 : i32
    %get3A_168 = arith.index_cast %get3A_167 : i32 to index
    %get3A_169 = memref.load %arg14[%get3A_168] : memref<125xi32, #tpu.memory_space<smem>>
    %get3A_170 = arith.constant 124 : i32
    %get3A_171 = arith.index_cast %get3A_170 : i32 to index
    %get3A_172 = memref.load %arg14[%get3A_171] : memref<125xi32, #tpu.memory_space<smem>>
    %while3A_173 = arith.constant 0 : i32
    %while3A_174 = arith.subi %get3A_172, %get3A_169 : i32
    %while3A_175 = arith.addi %get3A_169, %while3A_174 : i32
    %while3A_176 = arith.constant 1 : i32
    %while3A_177 = arith.divsi %while3A_174, %while3A_176 : i32
    %while3A_178 = arith.muli %while3A_177, %while3A_176 : i32
    %while3A_179 = arith.addi %get3A_169, %while3A_178 : i32
    %while3A_180 = arith.constant 1 : i32
    scf.for %while3A_193 = %get3A_169 to %while3A_179 step %while3A_180  : i32 {
      %get3A_194 = arith.index_cast %while3A_193 : i32 to index
      %get3A_195 = tpu.vector_load %arg8[%get3A_194] {strides = array<i32>} : memref<16400xi32, #tpu.memory_space<vmem>>, vector<16xi32>,
      %slice3A = vector.extract_strided_slice %get3A_195 {offsets = [0], sizes = [1], strides = [1]} : vector<16xi32> to vector<1xi32>
      %squeeze3A = vector.extract %slice3A[0] : i32 from vector<1xi32>
      %shift_right_logical3A = arith.constant 8 : i32
      %shift_right_logical3A_196 = arith.shrui %squeeze3A, %shift_right_logical3A : i32
      %and3A = arith.constant 16383 : i32
      %and3A_197 = arith.andi %shift_right_logical3A_196, %and3A : i32
      %and3A_198 = arith.constant 255 : i32
      %and3A_199 = arith.andi %squeeze3A, %and3A_198 : i32
      %broadcast_in_dim3A = vector.broadcast %and3A_199 : i32 to vector<16xi32>
      %and3A_200 = arith.constant 15 : i32
      %and3A_201 = arith.andi %while3A_193, %and3A_200 : i32
      %shift_right_logical3A_202 = arith.constant 3 : i32
      %shift_right_logical3A_203 = arith.shrui %and3A_201, %shift_right_logical3A_202 : i32
      %and3A_204 = arith.constant 7 : i32
      %and3A_205 = arith.andi %and3A_201, %and3A_204 : i32
      %ge3A_206 = arith.constant 16 : i32
      %ge3A_207 = arith.cmpi sge, %while3A_193, %ge3A_206 : i32
      %convert_element_type3A_208 = arith.extui %ge3A_207 : i1 to i32
      %cond3A_209 = arith.constant 0 : i32
      %cond3A_210 = arith.cmpi ne, %convert_element_type3A_208, %cond3A_209 : i32
      scf.if %cond3A_210 {
        %dma_wait3A_261 = arith.constant 0 : i32
        %dma_wait3A_262 = arith.constant 0 : i32
        %dma_wait3A_263 = arith.constant 0 : i32
        %dma_wait3A_264 = arith.constant 0 : i32
        %dma_wait3A_265 = arith.constant 0 : i32
        %dma_wait3A_266 = tpu.memref_slice %arg13[%dma_wait3A_261, %dma_wait3A_262, %dma_wait3A_265] : memref<2x8x64xf32, #tpu.memory_space<vmem>> -> memref<1x1x64xf32, #tpu.memory_space<vmem>>
        %dma_wait3A_267 = tpu.memref_squeeze %dma_wait3A_266 : memref<1x1x64xf32, #tpu.memory_space<vmem>> -> memref<64xf32, #tpu.memory_space<vmem>>
        %dma_wait3A_268 = arith.constant 0 : i32
        %dma_wait3A_269 = tpu.memref_slice %arg5[%dma_wait3A_263, %dma_wait3A_264, %dma_wait3A_268] : memref<2048x8x64xf32, #tpu.memory_space<hbm>> -> memref<1x1x64xf32, #tpu.memory_space<hbm>>
        %dma_wait3A_270 = tpu.memref_squeeze %dma_wait3A_269 : memref<1x1x64xf32, #tpu.memory_space<hbm>> -> memref<64xf32, #tpu.memory_space<hbm>>
        %dma_wait3A_271 = arith.constant 0 : i32
        %dma_wait3A_272 = tpu.memref_slice %arg5[%dma_wait3A_263, %dma_wait3A_264, %dma_wait3A_271] : memref<2048x8x64xf32, #tpu.memory_space<hbm>> -> memref<1x1x64xf32, #tpu.memory_space<hbm>>
        %dma_wait3A_273 = tpu.memref_squeeze %dma_wait3A_272 : memref<1x1x64xf32, #tpu.memory_space<hbm>> -> memref<64xf32, #tpu.memory_space<hbm>>
        %dma_wait3A_274 = arith.constant 0 : i32
        %dma_wait3A_275 = tpu.memref_slice %arg13[%dma_wait3A_261, %dma_wait3A_262, %dma_wait3A_274] : memref<2x8x64xf32, #tpu.memory_space<vmem>> -> memref<1x1x64xf32, #tpu.memory_space<vmem>>
        %dma_wait3A_276 = tpu.memref_squeeze %dma_wait3A_275 : memref<1x1x64xf32, #tpu.memory_space<vmem>> -> memref<64xf32, #tpu.memory_space<vmem>>
        tpu.wait_dma2 semaphore(%arg20 : memref<!tpu.dma_semaphore, #tpu.memory_space<semaphore_mem>>) src(%dma_wait3A_276 : memref<64xf32, #tpu.memory_space<vmem>>) dst(%dma_wait3A_273 : memref<64xf32, #tpu.memory_space<hbm>>)
      } else {
      }
      %add3A_211 = arith.constant 0 : i32
      %add3A_212 = vector.broadcast %add3A_211 : i32 to vector<16xi32>
      %add3A_213 = arith.addi %iota3A, %add3A_212 : vector<16xi32>
      %gather3A = tpu.vector_load_idx %arg12[%add3A_213, %broadcast_in_dim3A] : memref<64x256xf32, #tpu.memory_space<vmem>>[vector<16xi32>, vector<16xi32>], vector<16xf32>,
      %broadcast_in_dim3A_214 = vector.broadcast %shift_right_logical3A_203 : i32 to vector<16xi32>
      %broadcast_in_dim3A_215 = vector.broadcast %and3A_205 : i32 to vector<16xi32>
      %add3A_216 = arith.constant 0 : i32
      %add3A_217 = vector.broadcast %add3A_216 : i32 to vector<16xi32>
      %add3A_218 = arith.addi %iota3A, %add3A_217 : vector<16xi32>
      tpu.vector_store_idx %arg13[%broadcast_in_dim3A_214, %broadcast_in_dim3A_215, %add3A_218], %gather3A : memref<2x8x64xf32, #tpu.memory_space<vmem>>[vector<16xi32>, vector<16xi32>, vector<16xi32>], vector<16xf32>,
      %add3A_219 = arith.constant 16 : i32
      %add3A_220 = vector.broadcast %add3A_219 : i32 to vector<16xi32>
      %add3A_221 = arith.addi %iota3A, %add3A_220 : vector<16xi32>
      %gather3A_222 = tpu.vector_load_idx %arg12[%add3A_221, %broadcast_in_dim3A] : memref<64x256xf32, #tpu.memory_space<vmem>>[vector<16xi32>, vector<16xi32>], vector<16xf32>,
      %broadcast_in_dim3A_223 = vector.broadcast %shift_right_logical3A_203 : i32 to vector<16xi32>
      %broadcast_in_dim3A_224 = vector.broadcast %and3A_205 : i32 to vector<16xi32>
      %add3A_225 = arith.constant 16 : i32
      %add3A_226 = vector.broadcast %add3A_225 : i32 to vector<16xi32>
      %add3A_227 = arith.addi %iota3A, %add3A_226 : vector<16xi32>
      tpu.vector_store_idx %arg13[%broadcast_in_dim3A_223, %broadcast_in_dim3A_224, %add3A_227], %gather3A_222 : memref<2x8x64xf32, #tpu.memory_space<vmem>>[vector<16xi32>, vector<16xi32>, vector<16xi32>], vector<16xf32>,
      %add3A_228 = arith.constant 32 : i32
      %add3A_229 = vector.broadcast %add3A_228 : i32 to vector<16xi32>
      %add3A_230 = arith.addi %iota3A, %add3A_229 : vector<16xi32>
      %gather3A_231 = tpu.vector_load_idx %arg12[%add3A_230, %broadcast_in_dim3A] : memref<64x256xf32, #tpu.memory_space<vmem>>[vector<16xi32>, vector<16xi32>], vector<16xf32>,
      %broadcast_in_dim3A_232 = vector.broadcast %shift_right_logical3A_203 : i32 to vector<16xi32>
      %broadcast_in_dim3A_233 = vector.broadcast %and3A_205 : i32 to vector<16xi32>
      %add3A_234 = arith.constant 32 : i32
      %add3A_235 = vector.broadcast %add3A_234 : i32 to vector<16xi32>
      %add3A_236 = arith.addi %iota3A, %add3A_235 : vector<16xi32>
      tpu.vector_store_idx %arg13[%broadcast_in_dim3A_232, %broadcast_in_dim3A_233, %add3A_236], %gather3A_231 : memref<2x8x64xf32, #tpu.memory_space<vmem>>[vector<16xi32>, vector<16xi32>, vector<16xi32>], vector<16xf32>,
      %add3A_237 = arith.constant 48 : i32
      %add3A_238 = vector.broadcast %add3A_237 : i32 to vector<16xi32>
      %add3A_239 = arith.addi %iota3A, %add3A_238 : vector<16xi32>
      %gather3A_240 = tpu.vector_load_idx %arg12[%add3A_239, %broadcast_in_dim3A] : memref<64x256xf32, #tpu.memory_space<vmem>>[vector<16xi32>, vector<16xi32>], vector<16xf32>,
      %broadcast_in_dim3A_241 = vector.broadcast %shift_right_logical3A_203 : i32 to vector<16xi32>
      %broadcast_in_dim3A_242 = vector.broadcast %and3A_205 : i32 to vector<16xi32>
      %add3A_243 = arith.constant 48 : i32
      %add3A_244 = vector.broadcast %add3A_243 : i32 to vector<16xi32>
      %add3A_245 = arith.addi %iota3A, %add3A_244 : vector<16xi32>
      tpu.vector_store_idx %arg13[%broadcast_in_dim3A_241, %broadcast_in_dim3A_242, %add3A_245], %gather3A_240 : memref<2x8x64xf32, #tpu.memory_space<vmem>>[vector<16xi32>, vector<16xi32>, vector<16xi32>], vector<16xf32>,
      %shift_right_logical3A_246 = arith.constant 3 : i32
      %shift_right_logical3A_247 = arith.shrui %and3A_197, %shift_right_logical3A_246 : i32
      %and3A_248 = arith.constant 7 : i32
      %and3A_249 = arith.andi %and3A_197, %and3A_248 : i32
      %dma_start3A = arith.constant 0 : i32
      %dma_start3A_250 = tpu.memref_slice %arg13[%shift_right_logical3A_203, %and3A_205, %dma_start3A] : memref<2x8x64xf32, #tpu.memory_space<vmem>> -> memref<1x1x64xf32, #tpu.memory_space<vmem>>
      %dma_start3A_251 = tpu.memref_squeeze %dma_start3A_250 : memref<1x1x64xf32, #tpu.memory_space<vmem>> -> memref<64xf32, #tpu.memory_space<vmem>>
      %dma_start3A_252 = arith.constant 0 : i32
      %dma_start3A_253 = tpu.memref_slice %arg5[%shift_right_logical3A_247, %and3A_249, %dma_start3A_252] : memref<2048x8x64xf32, #tpu.memory_space<hbm>> -> memref<1x1x64xf32, #tpu.memory_space<hbm>>
      %dma_start3A_254 = tpu.memref_squeeze %dma_start3A_253 : memref<1x1x64xf32, #tpu.memory_space<hbm>> -> memref<64xf32, #tpu.memory_space<hbm>>
      %dma_start3A_255 = arith.constant 0 : i32
      %dma_start3A_256 = tpu.memref_slice %arg5[%shift_right_logical3A_247, %and3A_249, %dma_start3A_255] : memref<2048x8x64xf32, #tpu.memory_space<hbm>> -> memref<1x1x64xf32, #tpu.memory_space<hbm>>
      %dma_start3A_257 = tpu.memref_squeeze %dma_start3A_256 : memref<1x1x64xf32, #tpu.memory_space<hbm>> -> memref<64xf32, #tpu.memory_space<hbm>>
      %dma_start3A_258 = arith.constant 0 : i32
      %dma_start3A_259 = tpu.memref_slice %arg13[%shift_right_logical3A_203, %and3A_205, %dma_start3A_258] : memref<2x8x64xf32, #tpu.memory_space<vmem>> -> memref<1x1x64xf32, #tpu.memory_space<vmem>>
      %dma_start3A_260 = tpu.memref_squeeze %dma_start3A_259 : memref<1x1x64xf32, #tpu.memory_space<vmem>> -> memref<64xf32, #tpu.memory_space<vmem>>
      tpu.enqueue_dma source(%dma_start3A_260 : memref<64xf32, #tpu.memory_space<vmem>>) target(%dma_start3A_257 : memref<64xf32, #tpu.memory_space<hbm>>) target_semaphore(%arg20 : memref<!tpu.dma_semaphore, #tpu.memory_space<semaphore_mem>>)
    }
    %while3A_181 = arith.constant 1 : i32
    scf.for %while3A_193 = %while3A_179 to %while3A_175 step %while3A_181  : i32 {
      %get3A_194 = arith.index_cast %while3A_193 : i32 to index
      %get3A_195 = tpu.vector_load %arg8[%get3A_194] {strides = array<i32>} : memref<16400xi32, #tpu.memory_space<vmem>>, vector<16xi32>,
      %slice3A = vector.extract_strided_slice %get3A_195 {offsets = [0], sizes = [1], strides = [1]} : vector<16xi32> to vector<1xi32>
      %squeeze3A = vector.extract %slice3A[0] : i32 from vector<1xi32>
      %shift_right_logical3A = arith.constant 8 : i32
      %shift_right_logical3A_196 = arith.shrui %squeeze3A, %shift_right_logical3A : i32
      %and3A = arith.constant 16383 : i32
      %and3A_197 = arith.andi %shift_right_logical3A_196, %and3A : i32
      %and3A_198 = arith.constant 255 : i32
      %and3A_199 = arith.andi %squeeze3A, %and3A_198 : i32
      %broadcast_in_dim3A = vector.broadcast %and3A_199 : i32 to vector<16xi32>
      %and3A_200 = arith.constant 15 : i32
      %and3A_201 = arith.andi %while3A_193, %and3A_200 : i32
      %shift_right_logical3A_202 = arith.constant 3 : i32
      %shift_right_logical3A_203 = arith.shrui %and3A_201, %shift_right_logical3A_202 : i32
      %and3A_204 = arith.constant 7 : i32
      %and3A_205 = arith.andi %and3A_201, %and3A_204 : i32
      %ge3A_206 = arith.constant 16 : i32
      %ge3A_207 = arith.cmpi sge, %while3A_193, %ge3A_206 : i32
      %convert_element_type3A_208 = arith.extui %ge3A_207 : i1 to i32
      %cond3A_209 = arith.constant 0 : i32
      %cond3A_210 = arith.cmpi ne, %convert_element_type3A_208, %cond3A_209 : i32
      scf.if %cond3A_210 {
        %dma_wait3A_261 = arith.constant 0 : i32
        %dma_wait3A_262 = arith.constant 0 : i32
        %dma_wait3A_263 = arith.constant 0 : i32
        %dma_wait3A_264 = arith.constant 0 : i32
        %dma_wait3A_265 = arith.constant 0 : i32
        %dma_wait3A_266 = tpu.memref_slice %arg13[%dma_wait3A_261, %dma_wait3A_262, %dma_wait3A_265] : memref<2x8x64xf32, #tpu.memory_space<vmem>> -> memref<1x1x64xf32, #tpu.memory_space<vmem>>
        %dma_wait3A_267 = tpu.memref_squeeze %dma_wait3A_266 : memref<1x1x64xf32, #tpu.memory_space<vmem>> -> memref<64xf32, #tpu.memory_space<vmem>>
        %dma_wait3A_268 = arith.constant 0 : i32
        %dma_wait3A_269 = tpu.memref_slice %arg5[%dma_wait3A_263, %dma_wait3A_264, %dma_wait3A_268] : memref<2048x8x64xf32, #tpu.memory_space<hbm>> -> memref<1x1x64xf32, #tpu.memory_space<hbm>>
        %dma_wait3A_270 = tpu.memref_squeeze %dma_wait3A_269 : memref<1x1x64xf32, #tpu.memory_space<hbm>> -> memref<64xf32, #tpu.memory_space<hbm>>
        %dma_wait3A_271 = arith.constant 0 : i32
        %dma_wait3A_272 = tpu.memref_slice %arg5[%dma_wait3A_263, %dma_wait3A_264, %dma_wait3A_271] : memref<2048x8x64xf32, #tpu.memory_space<hbm>> -> memref<1x1x64xf32, #tpu.memory_space<hbm>>
        %dma_wait3A_273 = tpu.memref_squeeze %dma_wait3A_272 : memref<1x1x64xf32, #tpu.memory_space<hbm>> -> memref<64xf32, #tpu.memory_space<hbm>>
        %dma_wait3A_274 = arith.constant 0 : i32
        %dma_wait3A_275 = tpu.memref_slice %arg13[%dma_wait3A_261, %dma_wait3A_262, %dma_wait3A_274] : memref<2x8x64xf32, #tpu.memory_space<vmem>> -> memref<1x1x64xf32, #tpu.memory_space<vmem>>
        %dma_wait3A_276 = tpu.memref_squeeze %dma_wait3A_275 : memref<1x1x64xf32, #tpu.memory_space<vmem>> -> memref<64xf32, #tpu.memory_space<vmem>>
        tpu.wait_dma2 semaphore(%arg20 : memref<!tpu.dma_semaphore, #tpu.memory_space<semaphore_mem>>) src(%dma_wait3A_276 : memref<64xf32, #tpu.memory_space<vmem>>) dst(%dma_wait3A_273 : memref<64xf32, #tpu.memory_space<hbm>>)
      } else {
      }
      %add3A_211 = arith.constant 0 : i32
      %add3A_212 = vector.broadcast %add3A_211 : i32 to vector<16xi32>
      %add3A_213 = arith.addi %iota3A, %add3A_212 : vector<16xi32>
      %gather3A = tpu.vector_load_idx %arg12[%add3A_213, %broadcast_in_dim3A] : memref<64x256xf32, #tpu.memory_space<vmem>>[vector<16xi32>, vector<16xi32>], vector<16xf32>,
      %broadcast_in_dim3A_214 = vector.broadcast %shift_right_logical3A_203 : i32 to vector<16xi32>
      %broadcast_in_dim3A_215 = vector.broadcast %and3A_205 : i32 to vector<16xi32>
      %add3A_216 = arith.constant 0 : i32
      %add3A_217 = vector.broadcast %add3A_216 : i32 to vector<16xi32>
      %add3A_218 = arith.addi %iota3A, %add3A_217 : vector<16xi32>
      tpu.vector_store_idx %arg13[%broadcast_in_dim3A_214, %broadcast_in_dim3A_215, %add3A_218], %gather3A : memref<2x8x64xf32, #tpu.memory_space<vmem>>[vector<16xi32>, vector<16xi32>, vector<16xi32>], vector<16xf32>,
      %add3A_219 = arith.constant 16 : i32
      %add3A_220 = vector.broadcast %add3A_219 : i32 to vector<16xi32>
      %add3A_221 = arith.addi %iota3A, %add3A_220 : vector<16xi32>
      %gather3A_222 = tpu.vector_load_idx %arg12[%add3A_221, %broadcast_in_dim3A] : memref<64x256xf32, #tpu.memory_space<vmem>>[vector<16xi32>, vector<16xi32>], vector<16xf32>,
      %broadcast_in_dim3A_223 = vector.broadcast %shift_right_logical3A_203 : i32 to vector<16xi32>
      %broadcast_in_dim3A_224 = vector.broadcast %and3A_205 : i32 to vector<16xi32>
      %add3A_225 = arith.constant 16 : i32
      %add3A_226 = vector.broadcast %add3A_225 : i32 to vector<16xi32>
      %add3A_227 = arith.addi %iota3A, %add3A_226 : vector<16xi32>
      tpu.vector_store_idx %arg13[%broadcast_in_dim3A_223, %broadcast_in_dim3A_224, %add3A_227], %gather3A_222 : memref<2x8x64xf32, #tpu.memory_space<vmem>>[vector<16xi32>, vector<16xi32>, vector<16xi32>], vector<16xf32>,
      %add3A_228 = arith.constant 32 : i32
      %add3A_229 = vector.broadcast %add3A_228 : i32 to vector<16xi32>
      %add3A_230 = arith.addi %iota3A, %add3A_229 : vector<16xi32>
      %gather3A_231 = tpu.vector_load_idx %arg12[%add3A_230, %broadcast_in_dim3A] : memref<64x256xf32, #tpu.memory_space<vmem>>[vector<16xi32>, vector<16xi32>], vector<16xf32>,
      %broadcast_in_dim3A_232 = vector.broadcast %shift_right_logical3A_203 : i32 to vector<16xi32>
      %broadcast_in_dim3A_233 = vector.broadcast %and3A_205 : i32 to vector<16xi32>
      %add3A_234 = arith.constant 32 : i32
      %add3A_235 = vector.broadcast %add3A_234 : i32 to vector<16xi32>
      %add3A_236 = arith.addi %iota3A, %add3A_235 : vector<16xi32>
      tpu.vector_store_idx %arg13[%broadcast_in_dim3A_232, %broadcast_in_dim3A_233, %add3A_236], %gather3A_231 : memref<2x8x64xf32, #tpu.memory_space<vmem>>[vector<16xi32>, vector<16xi32>, vector<16xi32>], vector<16xf32>,
      %add3A_237 = arith.constant 48 : i32
      %add3A_238 = vector.broadcast %add3A_237 : i32 to vector<16xi32>
      %add3A_239 = arith.addi %iota3A, %add3A_238 : vector<16xi32>
      %gather3A_240 = tpu.vector_load_idx %arg12[%add3A_239, %broadcast_in_dim3A] : memref<64x256xf32, #tpu.memory_space<vmem>>[vector<16xi32>, vector<16xi32>], vector<16xf32>,
      %broadcast_in_dim3A_241 = vector.broadcast %shift_right_logical3A_203 : i32 to vector<16xi32>
      %broadcast_in_dim3A_242 = vector.broadcast %and3A_205 : i32 to vector<16xi32>
      %add3A_243 = arith.constant 48 : i32
      %add3A_244 = vector.broadcast %add3A_243 : i32 to vector<16xi32>
      %add3A_245 = arith.addi %iota3A, %add3A_244 : vector<16xi32>
      tpu.vector_store_idx %arg13[%broadcast_in_dim3A_241, %broadcast_in_dim3A_242, %add3A_245], %gather3A_240 : memref<2x8x64xf32, #tpu.memory_space<vmem>>[vector<16xi32>, vector<16xi32>, vector<16xi32>], vector<16xf32>,
      %shift_right_logical3A_246 = arith.constant 3 : i32
      %shift_right_logical3A_247 = arith.shrui %and3A_197, %shift_right_logical3A_246 : i32
      %and3A_248 = arith.constant 7 : i32
      %and3A_249 = arith.andi %and3A_197, %and3A_248 : i32
      %dma_start3A = arith.constant 0 : i32
      %dma_start3A_250 = tpu.memref_slice %arg13[%shift_right_logical3A_203, %and3A_205, %dma_start3A] : memref<2x8x64xf32, #tpu.memory_space<vmem>> -> memref<1x1x64xf32, #tpu.memory_space<vmem>>
      %dma_start3A_251 = tpu.memref_squeeze %dma_start3A_250 : memref<1x1x64xf32, #tpu.memory_space<vmem>> -> memref<64xf32, #tpu.memory_space<vmem>>
      %dma_start3A_252 = arith.constant 0 : i32
      %dma_start3A_253 = tpu.memref_slice %arg5[%shift_right_logical3A_247, %and3A_249, %dma_start3A_252] : memref<2048x8x64xf32, #tpu.memory_space<hbm>> -> memref<1x1x64xf32, #tpu.memory_space<hbm>>
      %dma_start3A_254 = tpu.memref_squeeze %dma_start3A_253 : memref<1x1x64xf32, #tpu.memory_space<hbm>> -> memref<64xf32, #tpu.memory_space<hbm>>
      %dma_start3A_255 = arith.constant 0 : i32
      %dma_start3A_256 = tpu.memref_slice %arg5[%shift_right_logical3A_247, %and3A_249, %dma_start3A_255] : memref<2048x8x64xf32, #tpu.memory_space<hbm>> -> memref<1x1x64xf32, #tpu.memory_space<hbm>>
      %dma_start3A_257 = tpu.memref_squeeze %dma_start3A_256 : memref<1x1x64xf32, #tpu.memory_space<hbm>> -> memref<64xf32, #tpu.memory_space<hbm>>
      %dma_start3A_258 = arith.constant 0 : i32
      %dma_start3A_259 = tpu.memref_slice %arg13[%shift_right_logical3A_203, %and3A_205, %dma_start3A_258] : memref<2x8x64xf32, #tpu.memory_space<vmem>> -> memref<1x1x64xf32, #tpu.memory_space<vmem>>
      %dma_start3A_260 = tpu.memref_squeeze %dma_start3A_259 : memref<1x1x64xf32, #tpu.memory_space<vmem>> -> memref<64xf32, #tpu.memory_space<vmem>>
      tpu.enqueue_dma source(%dma_start3A_260 : memref<64xf32, #tpu.memory_space<vmem>>) target(%dma_start3A_257 : memref<64xf32, #tpu.memory_space<hbm>>) target_semaphore(%arg20 : memref<!tpu.dma_semaphore, #tpu.memory_space<semaphore_mem>>)
    }
    %min3A = arith.constant 16 : i32
    %min3A_182 = arith.minsi %scan3A_58, %min3A : i32
    %while3A_183 = arith.constant 0 : i32
    %while3A_184 = arith.constant 0 : i32
    %while3A_185 = arith.subi %min3A_182, %while3A_184 : i32
    %while3A_186 = arith.addi %while3A_184, %while3A_185 : i32
    %while3A_187 = arith.constant 1 : i32
    %while3A_188 = arith.divsi %while3A_185, %while3A_187 : i32
    %while3A_189 = arith.muli %while3A_188, %while3A_187 : i32
    %while3A_190 = arith.addi %while3A_184, %while3A_189 : i32
    %while3A_191 = arith.constant 1 : i32
    scf.for %while3A_193 = %while3A_184 to %while3A_190 step %while3A_191  : i32 {
      %dma_wait3A_194 = arith.constant 0 : i32
      %dma_wait3A_195 = arith.constant 0 : i32
      %dma_wait3A_196 = arith.constant 0 : i32
      %dma_wait3A_197 = arith.constant 0 : i32
      %dma_wait3A_198 = arith.constant 0 : i32
      %dma_wait3A_199 = tpu.memref_slice %arg13[%dma_wait3A_194, %dma_wait3A_195, %dma_wait3A_198] : memref<2x8x64xf32, #tpu.memory_space<vmem>> -> memref<1x1x64xf32, #tpu.memory_space<vmem>>
      %dma_wait3A_200 = tpu.memref_squeeze %dma_wait3A_199 : memref<1x1x64xf32, #tpu.memory_space<vmem>> -> memref<64xf32, #tpu.memory_space<vmem>>
      %dma_wait3A_201 = arith.constant 0 : i32
      %dma_wait3A_202 = tpu.memref_slice %arg5[%dma_wait3A_196, %dma_wait3A_197, %dma_wait3A_201] : memref<2048x8x64xf32, #tpu.memory_space<hbm>> -> memref<1x1x64xf32, #tpu.memory_space<hbm>>
      %dma_wait3A_203 = tpu.memref_squeeze %dma_wait3A_202 : memref<1x1x64xf32, #tpu.memory_space<hbm>> -> memref<64xf32, #tpu.memory_space<hbm>>
      %dma_wait3A_204 = arith.constant 0 : i32
      %dma_wait3A_205 = tpu.memref_slice %arg5[%dma_wait3A_196, %dma_wait3A_197, %dma_wait3A_204] : memref<2048x8x64xf32, #tpu.memory_space<hbm>> -> memref<1x1x64xf32, #tpu.memory_space<hbm>>
      %dma_wait3A_206 = tpu.memref_squeeze %dma_wait3A_205 : memref<1x1x64xf32, #tpu.memory_space<hbm>> -> memref<64xf32, #tpu.memory_space<hbm>>
      %dma_wait3A_207 = arith.constant 0 : i32
      %dma_wait3A_208 = tpu.memref_slice %arg13[%dma_wait3A_194, %dma_wait3A_195, %dma_wait3A_207] : memref<2x8x64xf32, #tpu.memory_space<vmem>> -> memref<1x1x64xf32, #tpu.memory_space<vmem>>
      %dma_wait3A_209 = tpu.memref_squeeze %dma_wait3A_208 : memref<1x1x64xf32, #tpu.memory_space<vmem>> -> memref<64xf32, #tpu.memory_space<vmem>>
      tpu.wait_dma2 semaphore(%arg20 : memref<!tpu.dma_semaphore, #tpu.memory_space<semaphore_mem>>) src(%dma_wait3A_209 : memref<64xf32, #tpu.memory_space<vmem>>) dst(%dma_wait3A_206 : memref<64xf32, #tpu.memory_space<hbm>>)
    }
    %while3A_192 = arith.constant 1 : i32
    scf.for %while3A_193 = %while3A_190 to %while3A_186 step %while3A_192  : i32 {
      %dma_wait3A_194 = arith.constant 0 : i32
      %dma_wait3A_195 = arith.constant 0 : i32
      %dma_wait3A_196 = arith.constant 0 : i32
      %dma_wait3A_197 = arith.constant 0 : i32
      %dma_wait3A_198 = arith.constant 0 : i32
      %dma_wait3A_199 = tpu.memref_slice %arg13[%dma_wait3A_194, %dma_wait3A_195, %dma_wait3A_198] : memref<2x8x64xf32, #tpu.memory_space<vmem>> -> memref<1x1x64xf32, #tpu.memory_space<vmem>>
      %dma_wait3A_200 = tpu.memref_squeeze %dma_wait3A_199 : memref<1x1x64xf32, #tpu.memory_space<vmem>> -> memref<64xf32, #tpu.memory_space<vmem>>
      %dma_wait3A_201 = arith.constant 0 : i32
      %dma_wait3A_202 = tpu.memref_slice %arg5[%dma_wait3A_196, %dma_wait3A_197, %dma_wait3A_201] : memref<2048x8x64xf32, #tpu.memory_space<hbm>> -> memref<1x1x64xf32, #tpu.memory_space<hbm>>
      %dma_wait3A_203 = tpu.memref_squeeze %dma_wait3A_202 : memref<1x1x64xf32, #tpu.memory_space<hbm>> -> memref<64xf32, #tpu.memory_space<hbm>>
      %dma_wait3A_204 = arith.constant 0 : i32
      %dma_wait3A_205 = tpu.memref_slice %arg5[%dma_wait3A_196, %dma_wait3A_197, %dma_wait3A_204] : memref<2048x8x64xf32, #tpu.memory_space<hbm>> -> memref<1x1x64xf32, #tpu.memory_space<hbm>>
      %dma_wait3A_206 = tpu.memref_squeeze %dma_wait3A_205 : memref<1x1x64xf32, #tpu.memory_space<hbm>> -> memref<64xf32, #tpu.memory_space<hbm>>
      %dma_wait3A_207 = arith.constant 0 : i32
      %dma_wait3A_208 = tpu.memref_slice %arg13[%dma_wait3A_194, %dma_wait3A_195, %dma_wait3A_207] : memref<2x8x64xf32, #tpu.memory_space<vmem>> -> memref<1x1x64xf32, #tpu.memory_space<vmem>>
      %dma_wait3A_209 = tpu.memref_squeeze %dma_wait3A_208 : memref<1x1x64xf32, #tpu.memory_space<vmem>> -> memref<64xf32, #tpu.memory_space<vmem>>
      tpu.wait_dma2 semaphore(%arg20 : memref<!tpu.dma_semaphore, #tpu.memory_space<semaphore_mem>>) src(%dma_wait3A_209 : memref<64xf32, #tpu.memory_space<vmem>>) dst(%dma_wait3A_206 : memref<64xf32, #tpu.memory_space<hbm>>)
    }
    return
  }
}

</mosaic_0001>

<sc_bundles>
// kernel: kernel.3.cloned.1.call-start
scs
__scs_entry_jumppad:
0x0: {  	(pc) =	sbr.rel $0x88, $3  }
0x1: {  	(tag) =	ssettag $0x0;
	lr =	simm.s32 $0x1  }
0x2: {  	[smem:$0x3F9F] =	sst lr;
	_ =	strace $0xD0000000  }
0x3: {  	_ = 	snop  }
0x4: {  	_ = 	snop  }
0x5: {  	_ = 	snop  }
0x6: {  	_ = 	snop  }
0x7: {  	_ = 	snop  }
__scs_overlays_trampoline_lowered:
0x8: {  	[smem:$0x3FAE] =	sst s0  }
0x9: {  	[smem:$0x3FAF] =	sst s1  }
0xa: {  	[smem:$0x3FB0] =	sst s2  }
0xb: {  	[smem:$0x3FB1] =	sst s3  }
0xc: {  	[smem:$0x3FB2] =	sst s4  }
0xd: {  	[smem:$0x3FB3] =	sst s5  }
0xe: {  	[smem:$0x3FB4] =	sst s6  }
0xf: {  	[smem:$0x3FB5] =	sst s7  }
0x10: {  	[smem:$0x3FB6] =	sst s8  }
0x11: {  	[smem:$0x3FB7] =	sst s9;
	s0 =	simm.s32 @!p0 $0x0  }
0x12: {  	s1 =	sld [smem:$0x3F9D];
	s0 =	simm.s32 @p0 $0x1  }
0x13: {  	[smem:$0x3FB8] =	sst s0;
	s0 =	simm.s32 @!p1 $0x0  }
0x14: {  	s2 =	sld [smem:$0x3F9C];
	s0 =	simm.s32 @p1 $0x1  }
0x15: {  	[smem:$0x3FB9] =	sst s0;
	s0 =	simm.s32 @!p2 $0x0  }
0x16: {  	s3 =	sld [smem:$0x3FDB];
	s0 =	simm.s32 @p2 $0x1  }
0x17: {  	s4 =	simm.s32 $0x1BF5;
	[smem:$0x3FBB] =	sst s0  }
0x18: {  	s0 =	sld [smem:$0x3F9E];
	_ =	swait.ge [sflag:s4], $0x0  }
0x19: {  	s7 =	sld [smem:$0x3F9F]  }
0x1a: {  	s8 =	sadd.s32 $0xFFFFE003, lr  }
0x1b: {  	s9 =	sadd.s32 $0xFFFFFEF7, lr;
	s5 =	simm.s32 $0xFFFFFFFF;
	p2 =	slt.u32 s8, $0xFFFFF086  }
0x1c: {  	p1 =	slt.u32 s9, $0xF7A;
	s5 =	simm.s32 @!p2 $0x0  }
0x1d: {  	s5 =	simm.s32 @p1 $0x1;
	p0 =	seq.s32 s7, s2  }
0x1e: {  	s7 =	smul.u32 @!p0 $0xF7A, s2;
	p2 =	seq.s32 @!p0 s5, $0x0  }
0x1f: {  	s9 =	smul.u32 $0xF7A, s1;
	s8 =	simm.s32 @!p0 $0x1BF5;
	p2 =	por !p2, p0  }
0x20: {  	[sflag:s8] =	ssyncset.s32 @!p0 $0xFFFFF086;
	s6 =	sadd.s32 @!p0 s3, s7;
	s7 =	simm.s32 @!p0 $0x108  }
0x21: {  	s3 =	sadd.s32 s3, s9;
	s6 =	sadd.s32 @!p0 $0x88, s6;
	s7 =	simm.s32 @p2 $0x1082  }
0x22: {  	[simem:s7], [sflag:s8] =	dma.local @!p0 [hbm:s6], $0xF7A  }
0x23: {  	s9 =	sor.u32 $0xD0000000, s2;
	s6 =	simm.s32 $0x108;
	_ =	swait.ge @!p0 [sflag:s8], $0x0  }
0x24: {  	s3 =	sadd.s32 $0x88, s3;
	s6 =	simm.s32 @!p1 $0x1082;
	[sflag:s4] =	ssyncset.s32 $0xFFFFF086  }
0x25: {  	[simem:s6], [sflag:s4] =	dma.local [hbm:s3], $0xF7A  }
0x26: {  	[smem:$0x3F9F] =	sst s1;
	(tag) =	ssettag s2;
	_ =	strace s9  }
0x27: {  	s1 =	sld [smem:$0x3FAF]  }
0x28: {  	s2 =	sld [smem:$0x3FB0]  }
0x29: {  	s4 =	sld [smem:$0x3FB2]  }
0x2a: {  	p0 =	seq.s32 s5, $0x0;
	s5 =	sld [smem:$0x3FB3]  }
0x2b: {  	s6 =	sld [smem:$0x3FB4]  }
0x2c: {  	s7 =	sld [smem:$0x3FB5]  }
0x2d: {  	s3 =	simm.s32 $0x108;
	s8 =	sld [smem:$0x3FB6]  }
0x2e: {  	s3 =	simm.s32 @!p0 $0x1082;
	s9 =	sld [smem:$0x3FB7]  }
0x2f: {  	lr =	sadd.s32 s0, s3;
	s0 =	sld [smem:$0x3FAE]  }
0x30: {  	s3 =	sld [smem:$0x3FB1]  }
0x31: {  	[smem:$0x3FBA] =	sst s10  }
0x32: {  	s10 =	sld [smem:$0x3FB8];
	_ =	sdelay $0x3  }
0x33: {  	p0 =	seq.s32 s10, $0x1;
	s10 =	sld [smem:$0x3FBA];
	_ =	sdelay $0x3  }
0x34: {  	[smem:$0x3FBA] =	sst s10  }
0x35: {  	s10 =	sld [smem:$0x3FB9];
	_ =	sdelay $0x3  }
0x36: {  	p1 =	seq.s32 s10, $0x1;
	s10 =	sld [smem:$0x3FBA];
	_ =	sdelay $0x3  }
0x37: {  	[smem:$0x3FBA] =	sst s10  }
0x38: {  	s10 =	sld [smem:$0x3FBB]  }
0x39: {  	_ = 	snop;
	(pc) =	sbr.ind lr, $3  }
0x3a: {  	_ = 	snop  }
0x3b: {  	_ = 	snop  }
0x3c: {  	p2 =	seq.s32 s10, $0x1;
	s10 =	sld [smem:$0x3FBA]  }
0x3d: {  	_ =	shalt  }
0x3e: {  	_ =	shalt  }
0x3f: {  	_ =	shalt  }
0x40: {  	_ =	shalt  }
0x41: {  	_ =	shalt  }
0x42: {  	_ =	shalt  }
0x43: {  	_ =	shalt  }
0x44: {  	_ =	shalt  }
0x45: {  	_ =	shalt  }
0x46: {  	_ =	shalt  }
0x47: {  	_ =	shalt  }
0x48: {  	_ =	shalt  }
0x49: {  	_ =	shalt  }
0x4a: {  	_ =	shalt  }
0x4b: {  	_ =	shalt  }
0x4c: {  	_ =	shalt  }
0x4d: {  	_ =	shalt  }
0x4e: {  	_ =	shalt  }
0x4f: {  	_ =	shalt  }
0x50: {  	_ =	shalt  }
0x51: {  	_ =	shalt  }
0x52: {  	_ =	shalt  }
0x53: {  	_ =	shalt  }
0x54: {  	_ =	shalt  }
0x55: {  	_ =	shalt  }
0x56: {  	_ =	shalt  }
0x57: {  	_ =	shalt  }
0x58: {  	_ =	shalt  }
0x59: {  	_ =	shalt  }
0x5a: {  	_ =	shalt  }
0x5b: {  	_ =	shalt  }
0x5c: {  	_ =	shalt  }
0x5d: {  	_ =	shalt  }
0x5e: {  	_ =	shalt  }
0x5f: {  	_ =	shalt  }
0x60: {  	_ =	shalt  }
0x61: {  	_ =	shalt  }
0x62: {  	_ =	shalt  }
0x63: {  	_ =	shalt  }
0x64: {  	_ =	shalt  }
0x65: {  	_ =	shalt  }
0x66: {  	_ =	shalt  }
0x67: {  	_ =	shalt  }
0x68: {  	_ =	shalt  }
0x69: {  	_ =	shalt  }
0x6a: {  	_ =	shalt  }
0x6b: {  	_ =	shalt  }
0x6c: {  	_ =	shalt  }
0x6d: {  	_ =	shalt  }
0x6e: {  	_ =	shalt  }
0x6f: {  	_ =	shalt  }
0x70: {  	_ =	shalt  }
0x71: {  	_ =	shalt  }
0x72: {  	_ =	shalt  }
0x73: {  	_ =	shalt  }
0x74: {  	_ =	shalt  }
0x75: {  	_ =	shalt  }
0x76: {  	_ =	shalt  }
0x77: {  	_ =	shalt  }
0x78: {  	_ =	shalt  }
0x79: {  	_ =	shalt  }
0x7a: {  	_ =	shalt  }
0x7b: {  	_ =	shalt  }
0x7c: {  	_ =	shalt  }
0x7d: {  	_ =	shalt  }
0x7e: {  	_ =	shalt  }
0x7f: {  	_ =	shalt  }
0x80: {  	_ =	shalt  }
0x81: {  	_ =	shalt  }
0x82: {  	_ =	shalt  }
0x83: {  	_ =	shalt  }
0x84: {  	_ =	shalt  }
0x85: {  	_ =	shalt  }
0x86: {  	_ =	shalt  }
0x87: {  	_ =	shalt  }
.Lfunc_end0:
.L_simem_size_0:
called_computation_lowered:
.L_overlay_start_0:
0x88: {  	s2 =	sld [smem:$0x3FD9]  }
0x89: {  	s3 =	sld [smem:$0x3FFE];
	_ =	sdelay $0x1  }
0x8a: {  	s1 =	srdreg.scid  }
0x8b: {  	s0 =	sand.u32 $0x1, s1  }
0x8c: {  	s17 =	sshll.u32 s0, $0xA;
	s2 =	sadd.s32 s3, s2  }
0x8d: {  	s2 =	sadd.s32 s2, s17  }
0x8e: {  	[smem:$0x3FC6] =	sst s2  }
0x8f: {  	_ = 	snop  }
0x90: {  	s2 =	sld [smem:$0x3FC9]  }
0x91: {  	s18 =	sld [smem:$0x3FC8]  }
0x92: {  	s4 =	sld [smem:$0x3FD0];
	(tm) =	ssettm $0x1  }
0x93: {  	s5 =	sld [smem:$0x3FFB];
	_ =	sdelay $0x3  }
0x94: {  	_ =	strace s5  }
0x95: {  	s5 =	sld [smem:$0x3FFC];
	_ =	sdelay $0x3  }
0x96: {  	_ =	strace s5  }
0x97: {  	s5 =	sld [smem:$0x3FFD];
	_ =	sdelay $0x3  }
0x98: {  	_ =	strace s5  }
0x99: {  	_ =	strace $0x8FFFFFFF  }
0x9a: {  	s19 =	sld [smem:$0x3FDB];
	_ =	sdelay $0x1  }
0x9b: {  	s6 =	simm.s32 $_scs_section_size  }
0x9c: {  	s7 =	simm.s32 $_size__tile_overlayer_lowered;
	s8 =	simm.s32 $_tile_overlayer_lowered  }
0x9d: {  	s22 =	simm.s32 $0x1BFF;
	s21 =	sshll.u32 s8, $0x1;
	s5 =	sadd.s32 s6, s19  }
0x9e: {  	s9 =	simm.s32 $0x0;
	s20 =	sshll.u32 s7, $0x1;
	s7 =	sadd.s32 s21, s5  }
0x9f: {  	[timem:s9], [sflag:s22] =	dma.local [hbm:s7], s20  }
0xa0: {  	_ =	swait.ge [sflag:s22], s20  }
0xa1: {  	s6 =	ssub.s32 $0x0, s20;
	[sflag:s22] =	ssyncset.done $0x0  }
0xa2: {  	[sflag:s22] =	ssyncadd.s32 s6;
	_ =	sdelay $0x1  }
0xa3: {  	s23 =	simm.s32 $0x1B8B  }
0xa4: {  	_ =	swait.ge [sflag:s23], $0x1  }
0xa5: {  	[sflag:s23] =	ssyncset.done $0x0  }
0xa6: {  	s25 =	simm.s32 $0x1B8E;
	s24 =	sld [smem:$0x3FFE];
	[sflag:s23] =	ssyncadd.s32 $0xFFFFFFFF  }
0xa7: {  	s26 =	simm.s32 $execute0_lowered;
	[smem:$0x3FD2] =	sst s25  }
0xa8: {  	s7 =	sshll.u32 s26, $0x1;
	_ =	strace $0x80000046;
	[dreg:$0x1] =	wrdreg $0xFFFFFFFF  }
0xa9: {  	s28 =	simm.s32 $_size_execute0_lowered;
	s5 =	sadd.s32 s5, s7;
	[dreg:$0x0] =	wrdreg $0x0  }
0xaa: {  	s7 =	sshll.u32 s28, $0x1;
	[dreg:$0x2] =	wrdreg s5  }
0xab: {  	[dreg:$0x3] =	wrdreg s7  }
0xac: {  	[dreg:$0x4] =	wrdreg $0xC0  }
0xad: {  	_ =	task [dreg:s9], $0x5FFFF  }
0xae: {  	[dreg:$0x1] =	wrdreg $0xFFFFFFFF  }
0xaf: {  	[dreg:$0x0] =	wrdreg $0x60  }
0xb0: {  	[dreg:$0x2] =	wrdreg s2  }
0xb1: {  	[dreg:$0x3] =	wrdreg s18  }
0xb2: {  	[dreg:$0x4] =	wrdreg s4  }
0xb3: {  	[dreg:$0x5] =	wrdreg s24  }
0xb4: {  	[dreg:$0x6] =	wrdreg $0x9  }
0xb5: {  	_ =	task.clear_ibuf [dreg:s9], $0x7FFFF;
	_ =	strace $0x90000046  }
0xb6: {  	s29 =	simm.s32 $0x9;
	_ =	strace $0x80000048  }
0xb7: {  	_ =	swait.ge [sflag:s29], $0x1  }
0xb8: {  	[sflag:s29] =	ssyncadd.s32 $0xFFFFFFFF  }
0xb9: {  	_ =	strace $0x90000048  }
0xba: {  	_ =	sfence  }
0xbb: {  	s30 =	sld [smem:$0x0];
	_ =	sdelay $0x2  }
0xbc: {  	s31 =	sshll.u32 s1, $0xD;
	s1 =	sshrl.u32 s1, $0x2  }
0xbd: {  	s3 =	sand.u32 $0x4000, s31;
	s1 =	sadd.s32 s1, s30  }
0xbe: {  	s0 =	sor.u32 s3, s0;
	s1 =	sshll.u32 s1, $0x11  }
0xbf: {  	s0 =	sor.u32 s1, s0  }
0xc0: {  	s0 =	sadd.s32 $0x8F2B, s0  }
0xc1: {  	[sflag:s0] =	ssyncadd.remote.s32 $0x1  }
0xc2: {  	_ =	sfence.sel $0xFFFF  }
0xc3: {  	[dreg:$0x0] =	wrdreg $0xFFFFFFFF;
	(pc) =	sbr.abs _section_cstart, $3  }
0xc4: {  	[dreg:$0x1] =	wrdreg $0xFFFFFFFF  }
0xc5: {  	_ =	task.clear_ibuf [dreg:s9], $0x2FFFF;
	_ =	strace $0x9FFFFFFF  }
0xc6: {  	(tm) =	ssettm $0x7FFFFFFF  }
0xc7: {  	_ =	shalt  }
tec
execute0_lowered:
.L_overlay_start_1:
0x0: {  	(tag) =	ssettag $0x1  }
0x1: {  	v0 =	vimm.s32 $0xB80  }
0x2: {  	vm14 =	vcmask $0x300;
	vm13 =	vcmask $0x704;
	vm12 =	vcmask $0xB08  }
0x3: {  	vm11 =	vcmask $0xF0C;
	vm10 =	vcmask $0x1310;
	vm9 =	vcmask $0x1714  }
0x4: {  	vm8 =	vcmask $0x1B18;
	vm7 =	vcmask $0x1F1C;
	vm6 =	vcmask $0x2320  }
0x5: {  	vm5 =	vcmask $0x2724;
	vm4 =	vcmask $0x2B28;
	vm3 =	vcmask $0x2F2C  }
0x6: {  	vm2 =	vcmask $0x3330;
	vm1 =	vcmask $0x3734;
	vm0 =	vcmask $0x3B38  }
0x7: {  	v4 =	vimm.s32 $0x1B80;
	v5 =	vimm.s32 $0x2B80;
	v6 =	vimm.s32 $0x3B80  }
0x8: {  	v0 =	vsel vm14, $0x0, v0;
	v4 =	vsel vm14, $0x1000, v4;
	v5 =	vsel vm14, $0x2000, v5  }
0x9: {  	v6 =	vsel vm14, $0x3000, v6;
	v0 =	vsel vm13, $0x80, v0;
	v4 =	vsel vm13, $0x1080, v4  }
0xa: {  	v5 =	vsel vm13, $0x2080, v5;
	v6 =	vsel vm13, $0x3080, v6;
	v0 =	vsel vm12, $0x100, v0  }
0xb: {  	v4 =	vsel vm12, $0x1100, v4;
	v5 =	vsel vm12, $0x2100, v5;
	v6 =	vsel vm12, $0x3100, v6  }
0xc: {  	v0 =	vsel vm11, $0x180, v0;
	v4 =	vsel vm11, $0x1180, v4;
	v5 =	vsel vm11, $0x2180, v5  }
0xd: {  	v6 =	vsel vm11, $0x3180, v6;
	v0 =	vsel vm10, $0x200, v0;
	v4 =	vsel vm10, $0x1200, v4  }
0xe: {  	v5 =	vsel vm10, $0x2200, v5;
	v6 =	vsel vm10, $0x3200, v6;
	v0 =	vsel vm9, $0x280, v0  }
0xf: {  	s0 =	srdreg.scid;
	s3 =	rddreg [dreg:$0x2];
	v4 =	vsel vm9, $0x1280, v4;
	v5 =	vsel vm9, $0x2280, v5;
	v6 =	vsel vm9, $0x3280, v6  }
0x10: {  	s2 =	stileid.u32;
	s4 =	rddreg [dreg:$0x3];
	s15 =	simm.s32 $0x800;
	v0 =	vsel vm8, $0x300, v0;
	v4 =	vsel vm8, $0x1300, v4;
	v5 =	vsel vm8, $0x2300, v5  }
0x11: {  	s5 =	simm.s32 $0x0;
	s17 =	simm.s32 $0x7A1400;
	s18 =	simm.s32 $0xC100;
	v6 =	vsel vm8, $0x3300, v6;
	v0 =	vsel vm7, $0x380, v0;
	v4 =	vsel vm7, $0x1380, v4  }
0x12: {  	s19 =	simm.s32 $0x10100;
	s1 =	sand.u32 $0x1, s0;
	s23 =	sshll.u32 s2, $0x1;
	v5 =	vsel vm7, $0x2380, v5;
	v6 =	vsel vm7, $0x3380, v6;
	v0 =	vsel vm6, $0x800, v0  }
0x13: {  	s20 =	simm.s32 $0x14100;
	s21 =	simm.s32 $0x18100;
	s0 =	sor.u32 s1, s23;
	v4 =	vsel vm6, $0x1800, v4;
	v5 =	vsel vm6, $0x2800, v5;
	v6 =	vsel vm6, $0x3800, v6  }
0x14: {  	s28 =	simm.s32 $0x3;
	s29 =	simm.s32 $0x4;
	s2 =	rddreg [dreg:$0x1];
	v1 =	vsel vm5, $0x880, v0;
	v0 =	vmov s0;
	v4 =	vsel vm5, $0x1880, v4  }
0x15: {  	s30 =	simm.s32 $0x5;
	[smem:$0x7FF] =	sst s5;
	s8 =	sadd.s32 $0x400, s4;
	v5 =	vsel vm5, $0x2880, v5;
	v6 =	vsel vm5, $0x3880, v6;
	v2 =	vsel vm4, $0x900, v1  }
0x16: {  	s1 =	ssub.s32 $0x2, s1;
	_ =	strace $0x80000047;
	s6 =	sshll.u32 s0, $0x8;
	v1 =	vlaneseq.u32;
	v4 =	vsel vm4, $0x1900, v4;
	v5 =	vsel vm4, $0x2900, v5  }
0x17: {  	s23 =	simm.s32 $0x8080;
	s7 =	sshrl.u32 s1, $0x1;
	s9 =	sadd.s32 s2, s6;
	v6 =	vsel vm4, $0x3900, v6;
	v3 =	vsel vm3, $0x980, v2;
	v2 =	vmul.u32 $0x100, v1  }
0x18: {  	s12 =	sor.u32 $0xA0, s0;
	s24 =	sadd.s32 $0x2000, s9;
	[dreg:$0x5] =	wrdreg s9;
	v4 =	vsel vm3, $0x1980, v4;
	v5 =	vsel vm3, $0x2980, v5;
	v6 =	vsel vm3, $0x3980, v6  }
.Ltmp0:
0x19: {  	s25 =	sadd.s32 $0x4000, s9;
	[dreg:$0x6] =	wrdreg s24;
	v9 =	vor.u32 $0x30, v1;
	v3 =	vsel vm2, $0xA00, v3;
	v4 =	vsel vm2, $0x1A00, v4;
	(pc) =	sbr.rel .LBB2_1-.Ltmp0, $4  }
0x1a: {  	s1 =	ssub.s32 s1, s7;
	s26 =	sadd.s32 $0x6000, s9;
	[dreg:$0x7] =	wrdreg s25;
	v5 =	vsel vm2, $0x2A00, v5;
	v8 =	vsel vm2, $0x3A00, v6;
	v3 =	vsel vm1, $0xA80, v3  }
0x1b: {  	s13 =	sor.u32 $0xC0, s0;
	s31 =	smax.u32 s1, $0x1;
	[dreg:$0x8] =	wrdreg s26;
	v4 =	vsel vm1, $0x1A80, v4;
	v7 =	vsel vm1, $0x2A80, v5;
	v5 =	vor.u32 $0x10, v1  }
0x1c: {  	s14 =	sor.u32 $0xE0, s0;
	s1 =	simm.s32 $0x0;
	[dreg:$0x9] =	wrdreg s31;
	v8 =	vsel vm1, $0x3A80, v8;
	v3 =	vsel vm0, $0xB00, v3;
	v4 =	vsel vm0, $0x1B00, v4  }
0x1d: {  	s24 =	simm.s32 $0x1;
	s25 =	simm.s32 $0x1C100;
	s26 =	simm.s32 $0x2;
	v6 =	vsel vm0, $0x2B00, v7;
	v7 =	vor.u32 $0x20, v1;
	v8 =	vsel vm0, $0x3B00, v8  }
.LBB2_64:
0x1e: {  	[sflag:s30] =	ssyncadd.s32 $0xFFFFFF80  }
.LBB2_65:
0x1f: {  	s1 =	sadd.s32 $0x1, s1;
	s0 =	rddreg [dreg:$0x9]  }
0x20: {  	p0 =	sne.s32 s1, s0  }
.Ltmp1:
0x21: {  	_ = 	snop;
	(pc) =	sbr.rel @!p0 .LBB2_66-.Ltmp1, $1  }
0x22: {  	_ =	sdelay $0x3  }
.LBB2_1:
0x23: {  	[dreg:$0xa] =	wrdreg s1  }
0x24: {  	s0 =	rddreg [dreg:$0x5]  }
0x25: {  	[tilespmem:s18], [sflag:$0x1] =	stream.strided.gather [hbm4b:s0+s15], $0x4000, s17, s15, $0x38;
	[tilespmem:$0x1C900] =	vst v63  }
0x26: {  	s10 =	rddreg [dreg:$0x6]  }
0x27: {  	[tilespmem:s19], [sflag:$0x2] =	stream.strided.gather [hbm4b:s10+s15], $0x4000, s17, s15, $0x38;
	[tilespmem:$0x1C900] =	vst v63  }
0x28: {  	s11 =	rddreg [dreg:$0x7]  }
0x29: {  	[tilespmem:s20], [sflag:$0x3] =	stream.strided.gather [hbm4b:s11+s15], $0x4000, s17, s15, $0x38;
	[tilespmem:$0x1C900] =	vst v63  }
0x2a: {  	s16 =	rddreg [dreg:$0x8]  }
0x2b: {  	[tilespmem:s21], [sflag:$0x4] =	stream.strided.gather [hbm4b:s16+s15], $0x4000, s17, s15, $0x38;
	[tilespmem:$0x1C900] =	vst v63  }
0x2c: {  	s22 =	rddreg [dreg:$0x0];
	s31 =	simm.s32 $0x6  }
0x2d: {  	[tilespmem:s5], [sflag:$0x6] =	stream.linear.gather [hbm4b:s22+s5], $0x4000, $0x38;
	[tilespmem:$0x1C900] =	vst v63  }
0x2e: {  	_ =	swait.ge [sflag:s31], $0x4000  }
0x2f: {  	[sflag:s31] =	ssyncset.done $0x0  }
0x30: {  	[sflag:s31] =	ssyncadd.s32 $0xFFFFC000  }
0x31: {  	v10 =	vld [tilespmem:s5+$0x0];
	_ =	sdelay $0x4  }
0x32: {  	p1 =	por $0x0, $0x0;
	v11 =	vshrl.u32 v10, $0x8  }
.Ltmp2:
0x33: {  	v12 =	vmov s5;
	v11 =	vand.u32 $0x1F, v11;
	(pc) =	sbr.rel @p1 .LBB2_2-.Ltmp2, $4  }
0x34: {  	v12 =	vshll.u32 v12, $0x8;
	v13 =	vshll.u32 v10, $0x9;
	vm0 =	veq.s32 v11, v0  }
0x35: {  	v12 =	vor.u32 v2, v12;
	v11 =	vand.u32 $0xFFC00000, v13;
	v63 =	vmpcnt.ones.xlane vm0  }
0x36: {  	v10 =	vand.u32 $0xFF, v10;
	v11 =	vadd.s32 v12, v11  }
0x37: {  	p0 =	por $0x0, $0x0;
	s0 =	simm.s32 $0x10;
	v10 =	vor.u32 v10, v11;
	(v2sf) =	vpush v63, $0x0  }
0x38: {  	_ =	sdelay $0x2  }
0x39: {  	[tilespmem:s5+$0x4000] =	vst.msk vm0, v10  }
0x3a: {  	v10 =	vld [tilespmem:s0+$0x0];
	_ =	sdelay $0x4  }
0x3b: {  	p1 =	por $0x0, $0x0;
	v11 =	vshrl.u32 v10, $0x8  }
.Ltmp3:
0x3c: {  	v12 =	vmov s0;
	v11 =	vand.u32 $0x1F, v11;
	(pc) =	sbr.rel @p1 .LBB2_4-.Ltmp3, $4  }
0x3d: {  	v12 =	vshll.u32 v12, $0x8;
	v13 =	vshll.u32 v10, $0x9;
	vm0 =	veq.s32 v11, v0  }
0x3e: {  	v12 =	vor.u32 v2, v12;
	v11 =	vand.u32 $0xFFC00000, v13;
	v63 =	vmpcnt.ones.xlane vm0  }
0x3f: {  	s4 =	simm.s32 $0x20;
	v10 =	vand.u32 $0xFF, v10;
	v11 =	vadd.s32 v12, v11  }
0x40: {  	p0 =	por $0x1, $0x1;
	s1 =	simm.s32 $0x0;
	v10 =	vor.u32 v10, v11;
	(v2sf) =	vpush v63, $0x0;
	s7 =	spop (v2sf)  }
.LBB2_5:
0x41: {  	p1 =	seq.s32 s4, $0x3FF0  }
0x42: {  	s1 =	sadd.s32 s1, s7;
	s7 =	smov.u32 s4;
	s4 =	sadd.s32 $0x10, s4  }
0x43: {  	s0 =	sadd.s32 $0x10, s0;
	[tilespmem:s1+$0x4000] =	vst.msk vm0, v10  }
0x44: {  	v10 =	vld [tilespmem:s0+$0x0];
	_ =	sdelay $0x3  }
0x45: {  	v11 =	vmov s7  }
0x46: {  	v11 =	vshll.u32 v11, $0x8;
	v12 =	vshrl.u32 v10, $0x8;
	v13 =	vshll.u32 v10, $0x9  }
0x47: {  	v11 =	vor.u32 v2, v11;
	v12 =	vand.u32 $0x1F, v12;
	v13 =	vand.u32 $0xFFC00000, v13  }
.Ltmp4:
0x48: {  	v10 =	vand.u32 $0xFF, v10;
	vm0 =	veq.s32 v12, v0;
	v11 =	vadd.s32 v11, v13;
	(pc) =	sbr.rel @!p1 .LBB2_5-.Ltmp4, $3  }
0x49: {  	v10 =	vor.u32 v10, v11;
	v11 =	vmpcnt.ones.xlane vm0;
	_ =	sdelay $0x1  }
0x4a: {  	(v2sf) =	vpush v11, $0x0  }
0x4b: {  	s7 =	spop (v2sf)  }
0x4c: {  	_ = 	snop  }
.LBB2_7:
0x4d: {  	s0 =	sadd.s32 @p0 s1, s7;
	s1 =	simm.s32 $0x0  }
0x4e: {  	s31 =	spop (v2sf);
	s1 =	smov.u32 @p0 s0  }
0x4f: {  	[tilespmem:s1+$0x4000] =	vst.msk vm0, v10;
	s4 =	sadd.s32 s1, s31;
	s1 =	simm.s32 $0x0  }
0x50: {  	s0 =	simm.s32 $0x4;
	[smem:s1] =	sst s5  }
.LBB2_8:
0x51: {  	p0 =	seq.s32 s0, $0x1F0  }
0x52: {  	[smem:s1+$0x80] =	sst s5;
	s1 =	smov.u32 s0;
	s0 =	sadd.s32 $0x4, s0  }
.Ltmp5:
0x53: {  	(pc) =	sbr.rel @!p0 .LBB2_8-.Ltmp5, $3  }
0x54: {  	_ =	sdelay $0x1  }
0x55: {  	s1 =	sshra.s32 s1, $0x2  }
0x56: {  	[smem:s1] =	sst s5  }
0x57: {  	p0 =	slt.s32 s4, $0x1  }
.Ltmp6:
0x58: {  	_ = 	snop;
	(pc) =	sbr.rel @p0 .LBB2_21-.Ltmp6, $2  }
0x59: {  	_ =	sdelay $0x2  }
0x5a: {  	[smem:s1+$0x80] =	sst s5  }
0x5b: {  	s0 =	simm.s32 $0x4000  }
0x5c: {  	p4 =	sne.s32 s4, $0x1;
	v10 =	vld [tilespmem:s0+$0x0]  }
.Ltmp7:
0x5d: {  	_ = 	snop;
	(pc) =	sbr.rel @!p4 .LBB2_11-.Ltmp7, $3  }
0x5e: {  	_ =	sdelay $0x1  }
0x5f: {  	s1 =	simm.s32 $0x4001;
	p1 =	por $0x0, $0x0  }
0x60: {  	p2 =	por $0x0, $0x0;
	p3 =	por $0x0, $0x0;
	s0 =	sadd.s32 $0xFFFFFFFF, s4;
	(v2sf) =	vpush v10, $0x0  }
0x61: {  	v10 =	vld [tilespmem:s1+$0x0];
	_ =	sdelay $0x4  }
0x62: {  	(v2sf) =	vpush v10, $0x0;
	_ =	sdelay $0x6  }
0x63: {  	p4 =	sne.s32 s0, $0x1  }
.Ltmp8:
0x64: {  	_ = 	snop;
	(pc) =	sbr.rel @!p4 .LBB2_13-.Ltmp8, $2  }
0x65: {  	_ =	sdelay $0x2  }
0x66: {  	s0 =	sadd.s32 $0xFFFFFFFF, s0;
	s1 =	simm.s32 $0x4002;
	p1 =	por $0x1, $0x1  }
0x67: {  	v10 =	vld [tilespmem:s1+$0x0];
	_ =	sdelay $0x4  }
0x68: {  	(v2sf) =	vpush v10, $0x0;
	_ =	sdelay $0x3  }
0x69: {  	p4 =	sne.s32 s0, $0x1  }
.Ltmp9:
0x6a: {  	_ = 	snop;
	(pc) =	sbr.rel @!p4 .LBB2_15-.Ltmp9, $2  }
0x6b: {  	_ =	sdelay $0x2  }
0x6c: {  	s0 =	sadd.s32 $0xFFFFFFFF, s0;
	s1 =	simm.s32 $0x4003;
	p2 =	por $0x1, $0x1  }
0x6d: {  	v10 =	vld [tilespmem:s1+$0x0];
	_ =	sdelay $0x4  }
0x6e: {  	(v2sf) =	vpush v10, $0x0;
	_ =	sdelay $0x3  }
0x6f: {  	p4 =	sne.s32 s0, $0x1  }
.Ltmp10:
0x70: {  	_ = 	snop;
	(pc) =	sbr.rel @!p4 .LBB2_17-.Ltmp10, $4  }
0x71: {  	s31 =	spop (v2sf)  }
0x72: {  	s1 =	sshrl.u32 s31, $0x16  }
0x73: {  	s7 =	sadd.s32 $0xFFFFFFFF, s0;
	s0 =	sld [smem:s1+$0x80]  }
0x74: {  	s9 =	simm.s32 $0x4004;
	p3 =	por $0x1, $0x1  }
.LBB2_18:
0x75: {  	v10 =	vld [tilespmem:s9+$0x0];
	p4 =	sne.s32 s7, $0x1;
	s7 =	sadd.s32 $0xFFFFFFFF, s7  }
.Ltmp11:
0x76: {  	s0 =	sadd.s32 $0x1, s0;
	(pc) =	sbr.rel @p4 .LBB2_18-.Ltmp11, $4  }
0x77: {  	s10 =	spop (v2sf);
	[smem:s1+$0x80] =	sst s0  }
0x78: {  	s1 =	sshrl.u32 s10, $0x16  }
0x79: {  	s0 =	sld [smem:s1+$0x80]  }
0x7a: {  	s9 =	sadd.s32 $0x1, s9;
	(v2sf) =	vpush v10, $0x0  }
0x7b: {  	_ = 	snop  }
.LBB2_20:
0x7c: {  	_ = 	snop  }
0x7d: {  	s0 =	sadd.s32 @p3 $0x1, s0;
	s7 =	spop @p2 (v2sf)  }
0x7e: {  	[smem:s1+$0x80] =	sst @p3 s0;
	s0 =	sshrl.u32 @p2 s7, $0x16  }
0x7f: {  	s1 =	sld @p2 [smem:s0+$0x80];
	_ =	sdelay $0x2  }
0x80: {  	s1 =	smov.u32 @p2 s1  }
0x81: {  	s7 =	spop @p1 (v2sf);
	s0 =	smov.u32 @p2 s0;
	s1 =	sadd.s32 @p2 $0x1, s1  }
0x82: {  	[smem:s0+$0x80] =	sst @p2 s1;
	s0 =	sshrl.u32 @p1 s7, $0x16  }
0x83: {  	s1 =	sld @p1 [smem:s0+$0x80];
	_ =	sdelay $0x2  }
0x84: {  	s1 =	smov.u32 @p1 s1  }
0x85: {  	s0 =	smov.u32 @p1 s0;
	s1 =	sadd.s32 @p1 $0x1, s1;
	s22 =	spop (v2sf)  }
0x86: {  	[smem:s0+$0x80] =	sst @p1 s1;
	s31 =	sshrl.u32 s22, $0x16  }
0x87: {  	s1 =	sld [smem:s31+$0x80];
	_ =	sdelay $0x2  }
0x88: {  	s1 =	sadd.s32 $0x1, s1  }
0x89: {  	[smem:s31+$0x80] =	sst s1  }
.LBB2_21:
0x8a: {  	s0 =	simm.s32 $0x0;
	s1 =	simm.s32 $0x0  }
0x8b: {  	[smem:s1] =	sst s0  }
0x8c: {  	s7 =	sld [smem:$0x80]  }
0x8d: {  	s1 =	simm.s32 $0x4;
	[smem:$0x80] =	sst s0  }
.LBB2_22:
0x8e: {  	_ = 	snop  }
0x8f: {  	p1 =	sne.s32 s1, $0x1EC;
	s0 =	sadd.s32 s0, s7  }
.Ltmp12:
0x90: {  	s7 =	smov.u32 s1;
	s1 =	sadd.s32 $0x4, s1;
	(pc) =	sbr.rel @p1 .LBB2_22-.Ltmp12, $4  }
0x91: {  	s9 =	sshra.s32 s7, $0x2  }
0x92: {  	[smem:s9] =	sst s0  }
0x93: {  	s7 =	sld [smem:s9+$0x80]  }
0x94: {  	[smem:s9+$0x80] =	sst s0  }
.Ltmp13:
0x95: {  	(pc) =	sbr.rel @p0 .LBB2_27-.Ltmp13, $3  }
0x96: {  	_ =	sdelay $0x1  }
0x97: {  	s0 =	sadd.s32 s0, s7  }
0x98: {  	[smem:$0x7C] =	sst s0  }
0x99: {  	p1 =	sne.s32 s4, $0x1  }
.Ltmp14:
0x9a: {  	_ = 	snop;
	(pc) =	sbr.rel @!p1 .LBB2_26-.Ltmp14, $3  }
0x9b: {  	_ =	sdelay $0x1  }
0x9c: {  	s0 =	simm.s32 $0x4000  }
0x9d: {  	s1 =	sadd.s32 $0xFFFFFFFF, s4;
	v10 =	vld [tilespmem:s0+$0x0]  }
.LBB2_25:
0x9e: {  	p1 =	sne.s32 s1, $0x1;
	_ =	sdelay $0x3  }
0x9f: {  	(v2sf) =	vpush v10, $0x0;
	_ =	sdelay $0xe  }
0xa0: {  	s7 =	spop (v2sf)  }
0xa1: {  	s7 =	sshrl.u32 s7, $0x16  }
0xa2: {  	s9 =	sld [smem:s7+$0x80];
	_ =	sdelay $0x2  }
0xa3: {  	s10 =	sadd.s32 $0x1, s9;
	v11 =	vmov s9  }
0xa4: {  	[smem:s7+$0x80] =	sst s10  }
.Ltmp15:
0xa5: {  	(pc) =	sbr.rel @p1 .LBB2_25-.Ltmp15, $3  }
0xa6: {  	v10 =	vbroadcast v10, $0x0;
	_ =	sdelay $0x1  }
0xa7: {  	s0 =	sadd.s32 $0x1, s0;
	[tilespmem:v11+s23+$0x0] =	vst.idx.msk $0x1, v10  }
0xa8: {  	s1 =	sadd.s32 $0xFFFFFFFF, s1;
	v10 =	vld [tilespmem:s0+$0x0]  }
.LBB2_26:
0xa9: {  	_ =	sdelay $0x3  }
0xaa: {  	(v2sf) =	vpush v10, $0x0;
	_ =	sdelay $0xe  }
0xab: {  	s0 =	spop (v2sf)  }
0xac: {  	s0 =	sshrl.u32 s0, $0x16  }
0xad: {  	s1 =	sld [smem:s0+$0x80];
	_ =	sdelay $0x2  }
0xae: {  	v11 =	vmov s1;
	_ =	sdelay $0x2  }
0xaf: {  	v10 =	vbroadcast v10, $0x0  }
0xb0: {  	s1 =	sadd.s32 $0x1, s1  }
0xb1: {  	[smem:s0+$0x80] =	sst s1;
	[tilespmem:v11+s23+$0x0] =	vst.idx.msk $0x1, v10  }
.LBB2_27:
.Ltmp16:
0xb2: {  	(pc) =	sbr.rel .LBB2_28-.Ltmp16, $2  }
0xb3: {  	_ =	sdelay $0x2  }
0xb4: {  	[dreg:$0xb] =	wrdreg s4;
	s0 =	simm.s32 $0x0  }
.LBB2_43:
0xb5: {  	[hbm4b:s7+s5] =	stream.linear.scatter [tilespmem:s16], [sflag:$0x5], $0x80, $0x38;
	[tilespmem:$0x1C900] =	vst v63  }
.LBB2_44:
0xb6: {  	s1 =	sadd.s32 s14, s9  }
0xb7: {  	p1 =	sgt.u32 s1, $0xF41  }
0xb8: {  	s0 =	sadd.s32 $0x1, s0;
	s4 =	simm.s32 @p1 $0x0  }
0xb9: {  	s7 =	simm.s32 @p1 $0x18100;
	s1 =	sshll.u32 @!p1 s1, $0x8;
	s9 =	simm.s32 @!p1 $0x18100  }
0xba: {  	[tilespmem:s7], [sflag:$0x4] =	stream.linear.gather @p1 [hbm4b:s3+s4], $0x4000, $0x38;
	[tilespmem:$0x1C900] =	vst v63  }
0xbb: {  	s1 =	sadd.s32 @!p1 s2, s1;
	s4 =	simm.s32 @!p1 $0x800;
	s7 =	simm.s32 @!p1 $0x7A1400  }
0xbc: {  	[tilespmem:s9], [sflag:$0x4] =	stream.strided.gather @!p1 [hbm4b:s1+s4], $0x4000, s7, s4, $0x38;
	[tilespmem:$0x1C900] =	vst v63  }
0xbd: {  	p1 =	sne.s32 s0, $0x1E  }
.Ltmp17:
0xbe: {  	_ = 	snop;
	(pc) =	sbr.rel @!p1 .LBB2_45-.Ltmp17, $1  }
0xbf: {  	_ =	sdelay $0x3  }
.LBB2_28:
0xc0: {  	_ =	swait.ge [sflag:s24], $0x4000  }
0xc1: {  	[sflag:s24] =	ssyncset.done $0x0  }
0xc2: {  	s10 =	sshll.u32 s0, $0x2;
	[sflag:s24] =	ssyncadd.s32 $0xFFFFC000  }
0xc3: {  	s7 =	sor.u32 $0x1, s10;
	s1 =	sld [smem:s10+$0x0]  }
0xc4: {  	s9 =	sld [smem:s7+$0x0];
	_ =	sdelay $0x2  }
0xc5: {  	p1 =	sge.s32 s1, s9  }
.Ltmp18:
0xc6: {  	_ = 	snop;
	(pc) =	sbr.rel @p1 .LBB2_32-.Ltmp18, $1  }
0xc7: {  	_ =	sdelay $0x3  }
0xc8: {  	s7 =	sshll.u32 s1, $0x2  }
0xc9: {  	s7 =	sshra.s32 s7, $0x2  }
0xca: {  	s11 =	sadd.s32 $0x8080, s7  }
0xcb: {  	v10 =	vld [tilespmem:s11+$0x0];
	_ =	sdelay $0x4  }
0xcc: {  	(v2sf) =	vpush v10, $0x0;
	_ =	sdelay $0xe  }
0xcd: {  	s31 =	spop (v2sf)  }
0xce: {  	s16 =	sand.u32 $0xFF, s31  }
0xcf: {  	v10 =	vmov s16  }
0xd0: {  	v11 =	vshll.u32 v10, $0x3  }
0xd1: {  	v10 =	vand.u32 $0x7F, v10;
	v11 =	vand.u32 $0x400, v11  }
0xd2: {  	v10 =	vor.u32 v10, v11  }
0xd3: {  	p1 =	slt.s32 s1, $0x10;
	v11 =	vor.u32 v3, v10  }
0xd4: {  	s22 =	sshrl.u32 s1, $0x3;
	s16 =	simm.s32 @!p1 $0x5  }
0xd5: {  	s4 =	sand.u32 $0x7, s1;
	s22 =	sand.u32 $0x1, s22;
	_ =	swait.ge @!p1 [sflag:s16], $0x80  }
0xd6: {  	s4 =	sshll.u32 s4, $0x7;
	s22 =	sshll.u32 s22, $0xA;
	[sflag:s16] =	ssyncset.done @!p1 $0x0  }
0xd7: {  	s4 =	sor.u32 s4, s22;
	[sflag:s16] =	ssyncadd.s32 @!p1 $0xFFFFFF80  }
0xd8: {  	v12 =	vor.u32 s4, v1;
	v11 =	vld.idx.msk [tilespmem:v11+s18+$0x0], $0xffff  }
0xd9: {  	v13 =	vor.u32 v4, v10;
	_ =	sdelay $0x3  }
0xda: {  	[tilespmem:v12+s25+$0x0] =	vst.idx.msk $0xffff, v11  }
0xdb: {  	v61 =	vor.u32 s4, v5;
	v11 =	vld.idx.msk [tilespmem:v13+s18+$0x0], $0xffff  }
0xdc: {  	v62 =	vor.u32 v6, v10;
	_ =	sdelay $0x3  }
0xdd: {  	[tilespmem:v61+s25+$0x0] =	vst.idx.msk $0xffff, v11  }
0xde: {  	v63 =	vor.u32 s4, v7;
	v11 =	vld.idx.msk [tilespmem:v62+s18+$0x0], $0xffff  }
0xdf: {  	v10 =	vor.u32 v8, v10;
	_ =	sdelay $0x3  }
0xe0: {  	s1 =	sadd.s32 $0x1, s1;
	[tilespmem:v63+s25+$0x0] =	vst.idx.msk $0xffff, v11  }
0xe1: {  	p1 =	sne.s32 s9, s1;
	v11 =	vor.u32 s4, v9;
	v10 =	vld.idx.msk [tilespmem:v10+s18+$0x0], $0xffff  }
.Ltmp19:
0xe2: {  	_ = 	snop;
	(pc) =	sbr.rel @!p1 .LBB2_31-.Ltmp19, $4  }
0xe3: {  	_ = 	snop  }
0xe4: {  	s7 =	sshrl.u32 s31, $0x4  }
0xe5: {  	s7 =	sand.u32 $0x3FFF0, s7  }
0xe6: {  	s11 =	sadd.s32 $0x1, s11;
	s7 =	sadd.s32 s8, s7;
	s16 =	sadd.s32 $0x1C100, s4;
	[tilespmem:v11+s25+$0x0] =	vst.idx.msk $0xffff, v10  }
.LBB2_30:
0xe7: {  	[hbm4b:s7+s5] =	stream.linear.scatter [tilespmem:s16], [sflag:$0x5], $0x80, $0x38;
	[tilespmem:$0x1C900] =	vst v63  }
0xe8: {  	s4 =	smov.u32 s1;
	s1 =	sadd.s32 $0x1, s1;
	v10 =	vld [tilespmem:s11+$0x0]  }
0xe9: {  	p1 =	sne.s32 s9, s1;
	_ =	sdelay $0x3  }
0xea: {  	(v2sf) =	vpush v10, $0x0;
	_ =	sdelay $0xe  }
0xeb: {  	s7 =	spop (v2sf)  }
0xec: {  	s16 =	sand.u32 $0xFF, s7;
	s7 =	sshrl.u32 s7, $0x4  }
0xed: {  	v10 =	vmov s16;
	s16 =	sand.u32 $0x3FFF0, s7  }
0xee: {  	v11 =	vshll.u32 v10, $0x3  }
0xef: {  	v10 =	vand.u32 $0x7F, v10;
	v11 =	vand.u32 $0x400, v11  }
0xf0: {  	v10 =	vor.u32 v10, v11  }
0xf1: {  	p2 =	slt.s32 s4, $0x10;
	v11 =	vor.u32 v3, v10  }
0xf2: {  	s7 =	simm.s32 @!p2 $0x5  }
0xf3: {  	s22 =	sshrl.u32 s4, $0x3;
	_ =	swait.ge @!p2 [sflag:s7], $0x80  }
0xf4: {  	s4 =	sand.u32 $0x7, s4;
	s22 =	sand.u32 $0x1, s22;
	[sflag:s7] =	ssyncset.done @!p2 $0x0  }
0xf5: {  	s4 =	sshll.u32 s4, $0x7;
	[sflag:s7] =	ssyncadd.s32 @!p2 $0xFFFFFF80;
	s7 =	sshll.u32 s22, $0xA  }
0xf6: {  	v11 =	vld.idx.msk [tilespmem:v11+s18+$0x0], $0xffff;
	s4 =	sor.u32 s4, s7  }
0xf7: {  	v12 =	vor.u32 s4, v1  }
0xf8: {  	v13 =	vor.u32 v4, v10;
	_ =	sdelay $0x3  }
0xf9: {  	[tilespmem:v12+s25+$0x0] =	vst.idx.msk $0xffff, v11  }
0xfa: {  	v11 =	vld.idx.msk [tilespmem:v13+s18+$0x0], $0xffff  }
0xfb: {  	v12 =	vor.u32 s4, v5  }
0xfc: {  	v13 =	vor.u32 v6, v10;
	_ =	sdelay $0x3  }
0xfd: {  	[tilespmem:v12+s25+$0x0] =	vst.idx.msk $0xffff, v11  }
0xfe: {  	v11 =	vld.idx.msk [tilespmem:v13+s18+$0x0], $0xffff  }
0xff: {  	v12 =	vor.u32 s4, v7  }
0x100: {  	v10 =	vor.u32 v8, v10;
	_ =	sdelay $0x3  }
0x101: {  	[tilespmem:v12+s25+$0x0] =	vst.idx.msk $0xffff, v11  }
0x102: {  	v10 =	vld.idx.msk [tilespmem:v10+s18+$0x0], $0xffff  }
0x103: {  	v11 =	vor.u32 s4, v9  }
.Ltmp20:
0x104: {  	(pc) =	sbr.rel @p1 .LBB2_30-.Ltmp20, $2  }
0x105: {  	_ =	sdelay $0x2  }
0x106: {  	s11 =	sadd.s32 $0x1, s11;
	s7 =	sadd.s32 s8, s16;
	s16 =	sadd.s32 $0x1C100, s4;
	[tilespmem:v11+s25+$0x0] =	vst.idx.msk $0xffff, v10  }
.LBB2_31:
0x107: {  	[hbm4b:s7+s5] =	stream.linear.scatter [tilespmem:s16], [sflag:$0x5], $0x80, $0x38;
	[tilespmem:$0x1C900] =	vst v63  }
.LBB2_32:
0x108: {  	s1 =	sadd.s32 $0x4, s10  }
0x109: {  	s4 =	sshll.u32 s1, $0xD  }
0x10a: {  	s4 =	sor.u32 s6, s4  }
0x10b: {  	s4 =	sadd.s32 s2, s4  }
0x10c: {  	[tilespmem:s18], [sflag:$0x1] =	stream.strided.gather [hbm4b:s4+s15], $0x4000, s17, s15, $0x38;
	[tilespmem:$0x1C900] =	vst v63  }
0x10d: {  	_ =	swait.ge [sflag:s26], $0x4000  }
0x10e: {  	[sflag:s26] =	ssyncset.done $0x0  }
0x10f: {  	[sflag:s26] =	ssyncadd.s32 $0xFFFFC000  }
0x110: {  	s11 =	sld [smem:s10+$0x2];
	_ =	sdelay $0x2  }
0x111: {  	p1 =	sge.s32 s9, s11  }
.Ltmp21:
0x112: {  	_ = 	snop;
	(pc) =	sbr.rel @p1 .LBB2_36-.Ltmp21, $1  }
0x113: {  	_ =	sdelay $0x3  }
0x114: {  	s4 =	sshll.u32 s9, $0x2  }
0x115: {  	s4 =	sshra.s32 s4, $0x2  }
0x116: {  	s4 =	sadd.s32 $0x8080, s4  }
0x117: {  	v10 =	vld [tilespmem:s4+$0x0];
	_ =	sdelay $0x4  }
0x118: {  	(v2sf) =	vpush v10, $0x0;
	_ =	sdelay $0xe  }
0x119: {  	s7 =	spop (v2sf)  }
0x11a: {  	s16 =	sand.u32 $0xFF, s7  }
0x11b: {  	v10 =	vmov s16  }
0x11c: {  	v11 =	vshll.u32 v10, $0x3  }
0x11d: {  	v10 =	vand.u32 $0x7F, v10;
	v11 =	vand.u32 $0x400, v11  }
0x11e: {  	v10 =	vor.u32 v10, v11  }
0x11f: {  	p1 =	slt.s32 s9, $0x10;
	v11 =	vor.u32 v3, v10  }
0x120: {  	s22 =	sshrl.u32 s9, $0x3;
	s16 =	simm.s32 @!p1 $0x5  }
0x121: {  	s31 =	sand.u32 $0x7, s9;
	s22 =	sand.u32 $0x1, s22;
	_ =	swait.ge @!p1 [sflag:s16], $0x80  }
0x122: {  	s31 =	sshll.u32 s31, $0x7;
	s22 =	sshll.u32 s22, $0xA;
	[sflag:s16] =	ssyncset.done @!p1 $0x0  }
0x123: {  	s31 =	sor.u32 s31, s22;
	[sflag:s16] =	ssyncadd.s32 @!p1 $0xFFFFFF80  }
0x124: {  	v12 =	vor.u32 s31, v1;
	v11 =	vld.idx.msk [tilespmem:v11+s19+$0x0], $0xffff  }
0x125: {  	v13 =	vor.u32 v4, v10;
	_ =	sdelay $0x3  }
0x126: {  	[tilespmem:v12+s25+$0x0] =	vst.idx.msk $0xffff, v11  }
0x127: {  	v61 =	vor.u32 s31, v5;
	v11 =	vld.idx.msk [tilespmem:v13+s19+$0x0], $0xffff  }
0x128: {  	v62 =	vor.u32 v6, v10;
	_ =	sdelay $0x3  }
0x129: {  	[tilespmem:v61+s25+$0x0] =	vst.idx.msk $0xffff, v11  }
0x12a: {  	v63 =	vor.u32 s31, v7;
	v11 =	vld.idx.msk [tilespmem:v62+s19+$0x0], $0xffff  }
0x12b: {  	v10 =	vor.u32 v8, v10;
	_ =	sdelay $0x3  }
0x12c: {  	s9 =	sadd.s32 $0x1, s9;
	[tilespmem:v63+s25+$0x0] =	vst.idx.msk $0xffff, v11  }
0x12d: {  	p1 =	sne.s32 s11, s9;
	v11 =	vor.u32 s31, v9;
	v10 =	vld.idx.msk [tilespmem:v10+s19+$0x0], $0xffff  }
.Ltmp22:
0x12e: {  	_ = 	snop;
	(pc) =	sbr.rel @!p1 .LBB2_35-.Ltmp22, $4  }
0x12f: {  	_ = 	snop  }
0x130: {  	s7 =	sshrl.u32 s7, $0x4  }
0x131: {  	s7 =	sand.u32 $0x3FFF0, s7  }
0x132: {  	s22 =	sadd.s32 $0x1C100, s31;
	s7 =	sadd.s32 s8, s7;
	s16 =	sadd.s32 $0x1, s4;
	[tilespmem:v11+s25+$0x0] =	vst.idx.msk $0xffff, v10  }
.LBB2_34:
0x133: {  	[hbm4b:s7+s5] =	stream.linear.scatter [tilespmem:s22], [sflag:$0x5], $0x80, $0x38;
	[tilespmem:$0x1C900] =	vst v63  }
0x134: {  	s4 =	smov.u32 s9;
	s9 =	sadd.s32 $0x1, s9;
	v10 =	vld [tilespmem:s16+$0x0]  }
0x135: {  	p1 =	sne.s32 s11, s9;
	_ =	sdelay $0x3  }
0x136: {  	(v2sf) =	vpush v10, $0x0;
	_ =	sdelay $0xe  }
0x137: {  	s7 =	spop (v2sf)  }
0x138: {  	s22 =	sand.u32 $0xFF, s7;
	s7 =	sshrl.u32 s7, $0x4  }
0x139: {  	v10 =	vmov s22;
	s7 =	sand.u32 $0x3FFF0, s7  }
0x13a: {  	v11 =	vshll.u32 v10, $0x3  }
0x13b: {  	v10 =	vand.u32 $0x7F, v10;
	v11 =	vand.u32 $0x400, v11  }
0x13c: {  	v10 =	vor.u32 v10, v11  }
0x13d: {  	p2 =	slt.s32 s4, $0x10;
	v11 =	vor.u32 v3, v10  }
0x13e: {  	s22 =	simm.s32 @!p2 $0x5  }
0x13f: {  	s31 =	sshrl.u32 s4, $0x3;
	_ =	swait.ge @!p2 [sflag:s22], $0x80  }
0x140: {  	s4 =	sand.u32 $0x7, s4;
	s31 =	sand.u32 $0x1, s31;
	[sflag:s22] =	ssyncset.done @!p2 $0x0  }
0x141: {  	s4 =	sshll.u32 s4, $0x7;
	[sflag:s22] =	ssyncadd.s32 @!p2 $0xFFFFFF80;
	s22 =	sshll.u32 s31, $0xA  }
0x142: {  	v11 =	vld.idx.msk [tilespmem:v11+s19+$0x0], $0xffff;
	s4 =	sor.u32 s4, s22  }
0x143: {  	v12 =	vor.u32 s4, v1  }
0x144: {  	v13 =	vor.u32 v4, v10;
	_ =	sdelay $0x3  }
0x145: {  	[tilespmem:v12+s25+$0x0] =	vst.idx.msk $0xffff, v11  }
0x146: {  	v11 =	vld.idx.msk [tilespmem:v13+s19+$0x0], $0xffff  }
0x147: {  	v12 =	vor.u32 s4, v5  }
0x148: {  	v13 =	vor.u32 v6, v10;
	_ =	sdelay $0x3  }
0x149: {  	[tilespmem:v12+s25+$0x0] =	vst.idx.msk $0xffff, v11  }
0x14a: {  	v11 =	vld.idx.msk [tilespmem:v13+s19+$0x0], $0xffff  }
0x14b: {  	v12 =	vor.u32 s4, v7  }
0x14c: {  	v10 =	vor.u32 v8, v10;
	_ =	sdelay $0x3  }
0x14d: {  	[tilespmem:v12+s25+$0x0] =	vst.idx.msk $0xffff, v11  }
0x14e: {  	v10 =	vld.idx.msk [tilespmem:v10+s19+$0x0], $0xffff  }
0x14f: {  	v11 =	vor.u32 s4, v9  }
.Ltmp23:
0x150: {  	(pc) =	sbr.rel @p1 .LBB2_34-.Ltmp23, $2  }
0x151: {  	_ =	sdelay $0x2  }
0x152: {  	s16 =	sadd.s32 $0x1, s16;
	s7 =	sadd.s32 s8, s7;
	s22 =	sadd.s32 $0x1C100, s4;
	[tilespmem:v11+s25+$0x0] =	vst.idx.msk $0xffff, v10  }
.LBB2_35:
0x153: {  	[hbm4b:s7+s5] =	stream.linear.scatter [tilespmem:s22], [sflag:$0x5], $0x80, $0x38;
	[tilespmem:$0x1C900] =	vst v63  }
.LBB2_36:
0x154: {  	s9 =	sshll.u32 s0, $0x7  }
0x155: {  	s4 =	sadd.s32 s12, s9  }
0x156: {  	s4 =	sshll.u32 s4, $0x8  }
0x157: {  	s4 =	sadd.s32 s2, s4  }
0x158: {  	[tilespmem:s19], [sflag:$0x2] =	stream.strided.gather [hbm4b:s4+s15], $0x4000, s17, s15, $0x38;
	[tilespmem:$0x1C900] =	vst v63  }
0x159: {  	_ =	swait.ge [sflag:s28], $0x4000  }
0x15a: {  	[sflag:s28] =	ssyncset.done $0x0  }
0x15b: {  	[sflag:s28] =	ssyncadd.s32 $0xFFFFC000  }
0x15c: {  	s10 =	sld [smem:s10+$0x3];
	_ =	sdelay $0x2  }
0x15d: {  	p1 =	sge.s32 s11, s10  }
.Ltmp24:
0x15e: {  	_ = 	snop;
	(pc) =	sbr.rel @p1 .LBB2_40-.Ltmp24, $1  }
0x15f: {  	_ =	sdelay $0x3  }
0x160: {  	s4 =	sshll.u32 s11, $0x2  }
0x161: {  	s4 =	sshra.s32 s4, $0x2  }
0x162: {  	s4 =	sadd.s32 $0x8080, s4  }
0x163: {  	v10 =	vld [tilespmem:s4+$0x0];
	_ =	sdelay $0x4  }
0x164: {  	(v2sf) =	vpush v10, $0x0;
	_ =	sdelay $0xe  }
0x165: {  	s7 =	spop (v2sf)  }
0x166: {  	s16 =	sand.u32 $0xFF, s7  }
0x167: {  	v10 =	vmov s16  }
0x168: {  	v11 =	vshll.u32 v10, $0x3  }
0x169: {  	v10 =	vand.u32 $0x7F, v10;
	v11 =	vand.u32 $0x400, v11  }
0x16a: {  	v10 =	vor.u32 v10, v11  }
0x16b: {  	p1 =	slt.s32 s11, $0x10;
	v11 =	vor.u32 v3, v10  }
0x16c: {  	s22 =	sshrl.u32 s11, $0x3;
	s16 =	simm.s32 @!p1 $0x5  }
0x16d: {  	s31 =	sand.u32 $0x7, s11;
	s22 =	sand.u32 $0x1, s22;
	_ =	swait.ge @!p1 [sflag:s16], $0x80  }
0x16e: {  	s31 =	sshll.u32 s31, $0x7;
	s22 =	sshll.u32 s22, $0xA;
	[sflag:s16] =	ssyncset.done @!p1 $0x0  }
0x16f: {  	s31 =	sor.u32 s31, s22;
	[sflag:s16] =	ssyncadd.s32 @!p1 $0xFFFFFF80  }
0x170: {  	v12 =	vor.u32 s31, v1;
	v11 =	vld.idx.msk [tilespmem:v11+s20+$0x0], $0xffff  }
0x171: {  	v13 =	vor.u32 v4, v10;
	_ =	sdelay $0x3  }
0x172: {  	[tilespmem:v12+s25+$0x0] =	vst.idx.msk $0xffff, v11  }
0x173: {  	v61 =	vor.u32 s31, v5;
	v11 =	vld.idx.msk [tilespmem:v13+s20+$0x0], $0xffff  }
0x174: {  	v62 =	vor.u32 v6, v10;
	_ =	sdelay $0x3  }
0x175: {  	[tilespmem:v61+s25+$0x0] =	vst.idx.msk $0xffff, v11  }
0x176: {  	v63 =	vor.u32 s31, v7;
	v11 =	vld.idx.msk [tilespmem:v62+s20+$0x0], $0xffff  }
0x177: {  	v10 =	vor.u32 v8, v10;
	_ =	sdelay $0x3  }
0x178: {  	s11 =	sadd.s32 $0x1, s11;
	[tilespmem:v63+s25+$0x0] =	vst.idx.msk $0xffff, v11  }
0x179: {  	p1 =	sne.s32 s10, s11;
	v11 =	vor.u32 s31, v9;
	v10 =	vld.idx.msk [tilespmem:v10+s20+$0x0], $0xffff  }
.Ltmp25:
0x17a: {  	_ = 	snop;
	(pc) =	sbr.rel @!p1 .LBB2_39-.Ltmp25, $4  }
0x17b: {  	_ = 	snop  }
0x17c: {  	s7 =	sshrl.u32 s7, $0x4  }
0x17d: {  	s7 =	sand.u32 $0x3FFF0, s7  }
0x17e: {  	s22 =	sadd.s32 $0x1C100, s31;
	s7 =	sadd.s32 s8, s7;
	s16 =	sadd.s32 $0x1, s4;
	[tilespmem:v11+s25+$0x0] =	vst.idx.msk $0xffff, v10  }
.LBB2_38:
0x17f: {  	[hbm4b:s7+s5] =	stream.linear.scatter [tilespmem:s22], [sflag:$0x5], $0x80, $0x38;
	[tilespmem:$0x1C900] =	vst v63  }
0x180: {  	s4 =	smov.u32 s11;
	s11 =	sadd.s32 $0x1, s11;
	v10 =	vld [tilespmem:s16+$0x0]  }
0x181: {  	p1 =	sne.s32 s10, s11;
	_ =	sdelay $0x3  }
0x182: {  	(v2sf) =	vpush v10, $0x0;
	_ =	sdelay $0xe  }
0x183: {  	s7 =	spop (v2sf)  }
0x184: {  	s22 =	sand.u32 $0xFF, s7;
	s7 =	sshrl.u32 s7, $0x4  }
0x185: {  	v10 =	vmov s22;
	s7 =	sand.u32 $0x3FFF0, s7  }
0x186: {  	v11 =	vshll.u32 v10, $0x3  }
0x187: {  	v10 =	vand.u32 $0x7F, v10;
	v11 =	vand.u32 $0x400, v11  }
0x188: {  	v10 =	vor.u32 v10, v11  }
0x189: {  	p2 =	slt.s32 s4, $0x10;
	v11 =	vor.u32 v3, v10  }
0x18a: {  	s22 =	simm.s32 @!p2 $0x5  }
0x18b: {  	s31 =	sshrl.u32 s4, $0x3;
	_ =	swait.ge @!p2 [sflag:s22], $0x80  }
0x18c: {  	s4 =	sand.u32 $0x7, s4;
	s31 =	sand.u32 $0x1, s31;
	[sflag:s22] =	ssyncset.done @!p2 $0x0  }
0x18d: {  	s4 =	sshll.u32 s4, $0x7;
	[sflag:s22] =	ssyncadd.s32 @!p2 $0xFFFFFF80;
	s22 =	sshll.u32 s31, $0xA  }
0x18e: {  	v11 =	vld.idx.msk [tilespmem:v11+s20+$0x0], $0xffff;
	s4 =	sor.u32 s4, s22  }
0x18f: {  	v12 =	vor.u32 s4, v1  }
0x190: {  	v13 =	vor.u32 v4, v10;
	_ =	sdelay $0x3  }
0x191: {  	[tilespmem:v12+s25+$0x0] =	vst.idx.msk $0xffff, v11  }
0x192: {  	v11 =	vld.idx.msk [tilespmem:v13+s20+$0x0], $0xffff  }
0x193: {  	v12 =	vor.u32 s4, v5  }
0x194: {  	v13 =	vor.u32 v6, v10;
	_ =	sdelay $0x3  }
0x195: {  	[tilespmem:v12+s25+$0x0] =	vst.idx.msk $0xffff, v11  }
0x196: {  	v11 =	vld.idx.msk [tilespmem:v13+s20+$0x0], $0xffff  }
0x197: {  	v12 =	vor.u32 s4, v7  }
0x198: {  	v10 =	vor.u32 v8, v10;
	_ =	sdelay $0x3  }
0x199: {  	[tilespmem:v12+s25+$0x0] =	vst.idx.msk $0xffff, v11  }
0x19a: {  	v10 =	vld.idx.msk [tilespmem:v10+s20+$0x0], $0xffff  }
0x19b: {  	v11 =	vor.u32 s4, v9  }
.Ltmp26:
0x19c: {  	(pc) =	sbr.rel @p1 .LBB2_38-.Ltmp26, $2  }
0x19d: {  	_ =	sdelay $0x2  }
0x19e: {  	s16 =	sadd.s32 $0x1, s16;
	s7 =	sadd.s32 s8, s7;
	s22 =	sadd.s32 $0x1C100, s4;
	[tilespmem:v11+s25+$0x0] =	vst.idx.msk $0xffff, v10  }
.LBB2_39:
0x19f: {  	[hbm4b:s7+s5] =	stream.linear.scatter [tilespmem:s22], [sflag:$0x5], $0x80, $0x38;
	[tilespmem:$0x1C900] =	vst v63  }
.LBB2_40:
0x1a0: {  	s4 =	sadd.s32 s13, s9  }
0x1a1: {  	p1 =	sgt.u32 s4, $0xF41  }
0x1a2: {  	s7 =	simm.s32 @p1 $0x0  }
0x1a3: {  	s11 =	simm.s32 @p1 $0x14100;
	s4 =	sshll.u32 @!p1 s4, $0x8;
	s16 =	simm.s32 @!p1 $0x14100  }
0x1a4: {  	[tilespmem:s11], [sflag:$0x3] =	stream.linear.gather @p1 [hbm4b:s3+s7], $0x4000, $0x38;
	[tilespmem:$0x1C900] =	vst v63  }
0x1a5: {  	s4 =	sadd.s32 @!p1 s2, s4;
	s7 =	simm.s32 @!p1 $0x800;
	s11 =	simm.s32 @!p1 $0x7A1400  }
0x1a6: {  	[tilespmem:s16], [sflag:$0x3] =	stream.strided.gather @!p1 [hbm4b:s4+s7], $0x4000, s11, s7, $0x38;
	[tilespmem:$0x1C900] =	vst v63  }
0x1a7: {  	_ =	swait.ge [sflag:s29], $0x4000  }
0x1a8: {  	[sflag:s29] =	ssyncset.done $0x0  }
0x1a9: {  	[sflag:s29] =	ssyncadd.s32 $0xFFFFC000  }
0x1aa: {  	s1 =	sld [smem:s1+$0x0];
	_ =	sdelay $0x2  }
0x1ab: {  	p1 =	sge.s32 s10, s1  }
.Ltmp27:
0x1ac: {  	_ = 	snop;
	(pc) =	sbr.rel @p1 .LBB2_44-.Ltmp27, $1  }
0x1ad: {  	_ =	sdelay $0x3  }
0x1ae: {  	s4 =	sshll.u32 s10, $0x2  }
0x1af: {  	s4 =	sshra.s32 s4, $0x2  }
0x1b0: {  	s4 =	sadd.s32 $0x8080, s4  }
0x1b1: {  	v10 =	vld [tilespmem:s4+$0x0];
	_ =	sdelay $0x4  }
0x1b2: {  	(v2sf) =	vpush v10, $0x0;
	_ =	sdelay $0xe  }
0x1b3: {  	s7 =	spop (v2sf)  }
0x1b4: {  	s11 =	sand.u32 $0xFF, s7  }
0x1b5: {  	v10 =	vmov s11  }
0x1b6: {  	v11 =	vshll.u32 v10, $0x3  }
0x1b7: {  	v10 =	vand.u32 $0x7F, v10;
	v11 =	vand.u32 $0x400, v11  }
0x1b8: {  	v10 =	vor.u32 v10, v11  }
0x1b9: {  	p1 =	slt.s32 s10, $0x10;
	v11 =	vor.u32 v3, v10  }
0x1ba: {  	s16 =	sshrl.u32 s10, $0x3;
	s11 =	simm.s32 @!p1 $0x5  }
0x1bb: {  	s22 =	sand.u32 $0x7, s10;
	s16 =	sand.u32 $0x1, s16;
	_ =	swait.ge @!p1 [sflag:s11], $0x80  }
0x1bc: {  	s22 =	sshll.u32 s22, $0x7;
	s16 =	sshll.u32 s16, $0xA;
	[sflag:s11] =	ssyncset.done @!p1 $0x0  }
0x1bd: {  	s31 =	sor.u32 s22, s16;
	[sflag:s11] =	ssyncadd.s32 @!p1 $0xFFFFFF80  }
0x1be: {  	v12 =	vor.u32 s31, v1;
	v11 =	vld.idx.msk [tilespmem:v11+s21+$0x0], $0xffff  }
0x1bf: {  	v13 =	vor.u32 v4, v10;
	_ =	sdelay $0x3  }
0x1c0: {  	[tilespmem:v12+s25+$0x0] =	vst.idx.msk $0xffff, v11  }
0x1c1: {  	v61 =	vor.u32 s31, v5;
	v11 =	vld.idx.msk [tilespmem:v13+s21+$0x0], $0xffff  }
0x1c2: {  	v62 =	vor.u32 v6, v10;
	_ =	sdelay $0x3  }
0x1c3: {  	[tilespmem:v61+s25+$0x0] =	vst.idx.msk $0xffff, v11  }
0x1c4: {  	v63 =	vor.u32 s31, v7;
	v11 =	vld.idx.msk [tilespmem:v62+s21+$0x0], $0xffff  }
0x1c5: {  	v10 =	vor.u32 v8, v10;
	_ =	sdelay $0x3  }
0x1c6: {  	s10 =	sadd.s32 $0x1, s10;
	[tilespmem:v63+s25+$0x0] =	vst.idx.msk $0xffff, v11  }
0x1c7: {  	p1 =	sne.s32 s1, s10;
	v11 =	vor.u32 s31, v9;
	v10 =	vld.idx.msk [tilespmem:v10+s21+$0x0], $0xffff  }
.Ltmp28:
0x1c8: {  	_ = 	snop;
	(pc) =	sbr.rel @!p1 .LBB2_43-.Ltmp28, $4  }
0x1c9: {  	_ = 	snop  }
0x1ca: {  	s7 =	sshrl.u32 s7, $0x4  }
0x1cb: {  	s7 =	sand.u32 $0x3FFF0, s7  }
0x1cc: {  	s16 =	sadd.s32 $0x1C100, s31;
	s7 =	sadd.s32 s8, s7;
	s11 =	sadd.s32 $0x1, s4;
	[tilespmem:v11+s25+$0x0] =	vst.idx.msk $0xffff, v10  }
.LBB2_42:
0x1cd: {  	[hbm4b:s7+s5] =	stream.linear.scatter [tilespmem:s16], [sflag:$0x5], $0x80, $0x38;
	[tilespmem:$0x1C900] =	vst v63  }
0x1ce: {  	s4 =	smov.u32 s10;
	s10 =	sadd.s32 $0x1, s10;
	v10 =	vld [tilespmem:s11+$0x0]  }
0x1cf: {  	p1 =	sne.s32 s1, s10;
	_ =	sdelay $0x3  }
0x1d0: {  	(v2sf) =	vpush v10, $0x0;
	_ =	sdelay $0xe  }
0x1d1: {  	s7 =	spop (v2sf)  }
0x1d2: {  	s16 =	sand.u32 $0xFF, s7;
	s7 =	sshrl.u32 s7, $0x4  }
0x1d3: {  	v10 =	vmov s16;
	s7 =	sand.u32 $0x3FFF0, s7  }
0x1d4: {  	v11 =	vshll.u32 v10, $0x3  }
0x1d5: {  	v10 =	vand.u32 $0x7F, v10;
	v11 =	vand.u32 $0x400, v11  }
0x1d6: {  	v10 =	vor.u32 v10, v11  }
0x1d7: {  	p2 =	slt.s32 s4, $0x10;
	v11 =	vor.u32 v3, v10  }
0x1d8: {  	s16 =	simm.s32 @!p2 $0x5  }
0x1d9: {  	s22 =	sshrl.u32 s4, $0x3;
	_ =	swait.ge @!p2 [sflag:s16], $0x80  }
0x1da: {  	s4 =	sand.u32 $0x7, s4;
	s22 =	sand.u32 $0x1, s22;
	[sflag:s16] =	ssyncset.done @!p2 $0x0  }
0x1db: {  	s4 =	sshll.u32 s4, $0x7;
	[sflag:s16] =	ssyncadd.s32 @!p2 $0xFFFFFF80;
	s16 =	sshll.u32 s22, $0xA  }
0x1dc: {  	v11 =	vld.idx.msk [tilespmem:v11+s21+$0x0], $0xffff;
	s4 =	sor.u32 s4, s16  }
0x1dd: {  	v12 =	vor.u32 s4, v1  }
0x1de: {  	v13 =	vor.u32 v4, v10;
	_ =	sdelay $0x3  }
0x1df: {  	[tilespmem:v12+s25+$0x0] =	vst.idx.msk $0xffff, v11  }
0x1e0: {  	v11 =	vld.idx.msk [tilespmem:v13+s21+$0x0], $0xffff  }
0x1e1: {  	v12 =	vor.u32 s4, v5  }
0x1e2: {  	v13 =	vor.u32 v6, v10;
	_ =	sdelay $0x3  }
0x1e3: {  	[tilespmem:v12+s25+$0x0] =	vst.idx.msk $0xffff, v11  }
0x1e4: {  	v11 =	vld.idx.msk [tilespmem:v13+s21+$0x0], $0xffff  }
0x1e5: {  	v12 =	vor.u32 s4, v7  }
0x1e6: {  	v10 =	vor.u32 v8, v10;
	_ =	sdelay $0x3  }
0x1e7: {  	[tilespmem:v12+s25+$0x0] =	vst.idx.msk $0xffff, v11  }
0x1e8: {  	v10 =	vld.idx.msk [tilespmem:v10+s21+$0x0], $0xffff  }
0x1e9: {  	v11 =	vor.u32 s4, v9  }
.Ltmp29:
0x1ea: {  	(pc) =	sbr.rel @p1 .LBB2_42-.Ltmp29, $2  }
0x1eb: {  	_ =	sdelay $0x2  }
0x1ec: {  	s11 =	sadd.s32 $0x1, s11;
	s7 =	sadd.s32 s8, s7;
	s16 =	sadd.s32 $0x1C100, s4;
	[tilespmem:v11+s25+$0x0] =	vst.idx.msk $0xffff, v10  }
.Ltmp30:
0x1ed: {  	_ = 	snop;
	(pc) =	sbr.rel .LBB2_43-.Ltmp30, $1  }
0x1ee: {  	_ =	sdelay $0x3  }
.LBB2_45:
0x1ef: {  	_ =	swait.ge [sflag:s24], $0x4000  }
0x1f0: {  	[sflag:s24] =	ssyncset.done $0x0  }
0x1f1: {  	[sflag:s24] =	ssyncadd.s32 $0xFFFFC000  }
0x1f2: {  	s1 =	sld [smem:$0x78]  }
0x1f3: {  	s0 =	sld [smem:$0x79];
	_ =	sdelay $0x2  }
0x1f4: {  	p1 =	sge.s32 s1, s0  }
.Ltmp31:
0x1f5: {  	_ = 	snop;
	(pc) =	sbr.rel @p1 .LBB2_49-.Ltmp31, $2  }
0x1f6: {  	_ =	sdelay $0x2  }
0x1f7: {  	s16 =	rddreg [dreg:$0xb]  }
0x1f8: {  	s4 =	sshll.u32 s1, $0x2  }
0x1f9: {  	s4 =	sshra.s32 s4, $0x2  }
0x1fa: {  	s4 =	sadd.s32 $0x8080, s4  }
0x1fb: {  	v10 =	vld [tilespmem:s4+$0x0];
	_ =	sdelay $0x4  }
0x1fc: {  	(v2sf) =	vpush v10, $0x0;
	_ =	sdelay $0xe  }
0x1fd: {  	s7 =	spop (v2sf)  }
0x1fe: {  	s9 =	sand.u32 $0xFF, s7  }
0x1ff: {  	v10 =	vmov s9  }
0x200: {  	v11 =	vshll.u32 v10, $0x3  }
0x201: {  	v10 =	vand.u32 $0x7F, v10;
	v11 =	vand.u32 $0x400, v11  }
0x202: {  	v10 =	vor.u32 v10, v11  }
0x203: {  	p1 =	slt.s32 s1, $0x10;
	v11 =	vor.u32 v3, v10  }
0x204: {  	s10 =	sshrl.u32 s1, $0x3;
	s9 =	simm.s32 @!p1 $0x5  }
0x205: {  	s11 =	sand.u32 $0x7, s1;
	s10 =	sand.u32 $0x1, s10;
	_ =	swait.ge @!p1 [sflag:s9], $0x80  }
0x206: {  	s11 =	sshll.u32 s11, $0x7;
	s10 =	sshll.u32 s10, $0xA;
	[sflag:s9] =	ssyncset.done @!p1 $0x0  }
0x207: {  	s31 =	sor.u32 s11, s10;
	[sflag:s9] =	ssyncadd.s32 @!p1 $0xFFFFFF80  }
0x208: {  	v12 =	vor.u32 s31, v1;
	v11 =	vld.idx.msk [tilespmem:v11+s18+$0x0], $0xffff  }
0x209: {  	v13 =	vor.u32 v4, v10;
	_ =	sdelay $0x3  }
0x20a: {  	[tilespmem:v12+s25+$0x0] =	vst.idx.msk $0xffff, v11  }
0x20b: {  	v61 =	vor.u32 s31, v5;
	v11 =	vld.idx.msk [tilespmem:v13+s18+$0x0], $0xffff  }
0x20c: {  	v62 =	vor.u32 v6, v10;
	_ =	sdelay $0x3  }
0x20d: {  	[tilespmem:v61+s25+$0x0] =	vst.idx.msk $0xffff, v11  }
0x20e: {  	v63 =	vor.u32 s31, v7;
	v11 =	vld.idx.msk [tilespmem:v62+s18+$0x0], $0xffff  }
0x20f: {  	v10 =	vor.u32 v8, v10;
	_ =	sdelay $0x3  }
0x210: {  	s1 =	sadd.s32 $0x1, s1;
	[tilespmem:v63+s25+$0x0] =	vst.idx.msk $0xffff, v11  }
0x211: {  	p1 =	sne.s32 s0, s1;
	v11 =	vor.u32 s31, v9;
	v10 =	vld.idx.msk [tilespmem:v10+s18+$0x0], $0xffff  }
.Ltmp32:
0x212: {  	_ = 	snop;
	(pc) =	sbr.rel @!p1 .LBB2_48-.Ltmp32, $4  }
0x213: {  	_ = 	snop  }
0x214: {  	s7 =	sshrl.u32 s7, $0x4  }
0x215: {  	s7 =	sand.u32 $0x3FFF0, s7  }
0x216: {  	s10 =	sadd.s32 $0x1C100, s31;
	s7 =	sadd.s32 s8, s7;
	s9 =	sadd.s32 $0x1, s4;
	[tilespmem:v11+s25+$0x0] =	vst.idx.msk $0xffff, v10  }
.LBB2_47:
0x217: {  	[hbm4b:s7+s5] =	stream.linear.scatter [tilespmem:s10], [sflag:$0x5], $0x80, $0x38;
	[tilespmem:$0x1C900] =	vst v63  }
0x218: {  	s4 =	smov.u32 s1;
	s1 =	sadd.s32 $0x1, s1;
	v10 =	vld [tilespmem:s9+$0x0]  }
0x219: {  	p1 =	sne.s32 s0, s1;
	_ =	sdelay $0x3  }
0x21a: {  	(v2sf) =	vpush v10, $0x0;
	_ =	sdelay $0xe  }
0x21b: {  	s7 =	spop (v2sf)  }
0x21c: {  	s10 =	sand.u32 $0xFF, s7;
	s7 =	sshrl.u32 s7, $0x4  }
0x21d: {  	v10 =	vmov s10;
	s7 =	sand.u32 $0x3FFF0, s7  }
0x21e: {  	v11 =	vshll.u32 v10, $0x3  }
0x21f: {  	v10 =	vand.u32 $0x7F, v10;
	v11 =	vand.u32 $0x400, v11  }
0x220: {  	v10 =	vor.u32 v10, v11  }
0x221: {  	p2 =	slt.s32 s4, $0x10;
	v11 =	vor.u32 v3, v10  }
0x222: {  	s10 =	simm.s32 @!p2 $0x5  }
0x223: {  	s11 =	sshrl.u32 s4, $0x3;
	_ =	swait.ge @!p2 [sflag:s10], $0x80  }
0x224: {  	s4 =	sand.u32 $0x7, s4;
	s11 =	sand.u32 $0x1, s11;
	[sflag:s10] =	ssyncset.done @!p2 $0x0  }
0x225: {  	s4 =	sshll.u32 s4, $0x7;
	[sflag:s10] =	ssyncadd.s32 @!p2 $0xFFFFFF80;
	s10 =	sshll.u32 s11, $0xA  }
0x226: {  	v11 =	vld.idx.msk [tilespmem:v11+s18+$0x0], $0xffff;
	s4 =	sor.u32 s4, s10  }
0x227: {  	v12 =	vor.u32 s4, v1  }
0x228: {  	v13 =	vor.u32 v4, v10;
	_ =	sdelay $0x3  }
0x229: {  	[tilespmem:v12+s25+$0x0] =	vst.idx.msk $0xffff, v11  }
0x22a: {  	v11 =	vld.idx.msk [tilespmem:v13+s18+$0x0], $0xffff  }
0x22b: {  	v12 =	vor.u32 s4, v5  }
0x22c: {  	v13 =	vor.u32 v6, v10;
	_ =	sdelay $0x3  }
0x22d: {  	[tilespmem:v12+s25+$0x0] =	vst.idx.msk $0xffff, v11  }
0x22e: {  	v11 =	vld.idx.msk [tilespmem:v13+s18+$0x0], $0xffff  }
0x22f: {  	v12 =	vor.u32 s4, v7  }
0x230: {  	v10 =	vor.u32 v8, v10;
	_ =	sdelay $0x3  }
0x231: {  	[tilespmem:v12+s25+$0x0] =	vst.idx.msk $0xffff, v11  }
0x232: {  	v10 =	vld.idx.msk [tilespmem:v10+s18+$0x0], $0xffff  }
0x233: {  	v11 =	vor.u32 s4, v9  }
.Ltmp33:
0x234: {  	(pc) =	sbr.rel @p1 .LBB2_47-.Ltmp33, $2  }
0x235: {  	_ =	sdelay $0x2  }
0x236: {  	s9 =	sadd.s32 $0x1, s9;
	s7 =	sadd.s32 s8, s7;
	s10 =	sadd.s32 $0x1C100, s4;
	[tilespmem:v11+s25+$0x0] =	vst.idx.msk $0xffff, v10  }
.LBB2_48:
0x237: {  	[hbm4b:s7+s5] =	stream.linear.scatter [tilespmem:s10], [sflag:$0x5], $0x80, $0x38;
	[tilespmem:$0x1C900] =	vst v63  }
.LBB2_49:
0x238: {  	_ =	swait.ge [sflag:s26], $0x4000  }
0x239: {  	[sflag:s26] =	ssyncset.done $0x0  }
0x23a: {  	[sflag:s26] =	ssyncadd.s32 $0xFFFFC000  }
0x23b: {  	s1 =	sld [smem:$0x7A];
	_ =	sdelay $0x2  }
0x23c: {  	p1 =	sge.s32 s0, s1  }
.Ltmp34:
0x23d: {  	_ = 	snop;
	(pc) =	sbr.rel @p1 .LBB2_53-.Ltmp34, $1  }
0x23e: {  	_ =	sdelay $0x3  }
0x23f: {  	s4 =	sshll.u32 s0, $0x2  }
0x240: {  	s4 =	sshra.s32 s4, $0x2  }
0x241: {  	s4 =	sadd.s32 $0x8080, s4  }
0x242: {  	v10 =	vld [tilespmem:s4+$0x0];
	_ =	sdelay $0x4  }
0x243: {  	(v2sf) =	vpush v10, $0x0;
	_ =	sdelay $0xe  }
0x244: {  	s7 =	spop (v2sf)  }
0x245: {  	s9 =	sand.u32 $0xFF, s7  }
0x246: {  	v10 =	vmov s9  }
0x247: {  	v11 =	vshll.u32 v10, $0x3  }
0x248: {  	v10 =	vand.u32 $0x7F, v10;
	v11 =	vand.u32 $0x400, v11  }
0x249: {  	v10 =	vor.u32 v10, v11  }
0x24a: {  	p1 =	slt.s32 s0, $0x10;
	v11 =	vor.u32 v3, v10  }
0x24b: {  	s10 =	sshrl.u32 s0, $0x3;
	s9 =	simm.s32 @!p1 $0x5  }
0x24c: {  	s11 =	sand.u32 $0x7, s0;
	s10 =	sand.u32 $0x1, s10;
	_ =	swait.ge @!p1 [sflag:s9], $0x80  }
0x24d: {  	s11 =	sshll.u32 s11, $0x7;
	s10 =	sshll.u32 s10, $0xA;
	[sflag:s9] =	ssyncset.done @!p1 $0x0  }
0x24e: {  	s31 =	sor.u32 s11, s10;
	[sflag:s9] =	ssyncadd.s32 @!p1 $0xFFFFFF80  }
0x24f: {  	v12 =	vor.u32 s31, v1;
	v11 =	vld.idx.msk [tilespmem:v11+s19+$0x0], $0xffff  }
0x250: {  	v13 =	vor.u32 v4, v10;
	_ =	sdelay $0x3  }
0x251: {  	[tilespmem:v12+s25+$0x0] =	vst.idx.msk $0xffff, v11  }
0x252: {  	v61 =	vor.u32 s31, v5;
	v11 =	vld.idx.msk [tilespmem:v13+s19+$0x0], $0xffff  }
0x253: {  	v62 =	vor.u32 v6, v10;
	_ =	sdelay $0x3  }
0x254: {  	[tilespmem:v61+s25+$0x0] =	vst.idx.msk $0xffff, v11  }
0x255: {  	v63 =	vor.u32 s31, v7;
	v11 =	vld.idx.msk [tilespmem:v62+s19+$0x0], $0xffff  }
0x256: {  	v10 =	vor.u32 v8, v10;
	_ =	sdelay $0x3  }
0x257: {  	s0 =	sadd.s32 $0x1, s0;
	[tilespmem:v63+s25+$0x0] =	vst.idx.msk $0xffff, v11  }
0x258: {  	p1 =	sne.s32 s1, s0;
	v11 =	vor.u32 s31, v9;
	v10 =	vld.idx.msk [tilespmem:v10+s19+$0x0], $0xffff  }
.Ltmp35:
0x259: {  	_ = 	snop;
	(pc) =	sbr.rel @!p1 .LBB2_52-.Ltmp35, $4  }
0x25a: {  	_ = 	snop  }
0x25b: {  	s7 =	sshrl.u32 s7, $0x4  }
0x25c: {  	s7 =	sand.u32 $0x3FFF0, s7  }
0x25d: {  	s10 =	sadd.s32 $0x1C100, s31;
	s7 =	sadd.s32 s8, s7;
	s9 =	sadd.s32 $0x1, s4;
	[tilespmem:v11+s25+$0x0] =	vst.idx.msk $0xffff, v10  }
.LBB2_51:
0x25e: {  	[hbm4b:s7+s5] =	stream.linear.scatter [tilespmem:s10], [sflag:$0x5], $0x80, $0x38;
	[tilespmem:$0x1C900] =	vst v63  }
0x25f: {  	s4 =	smov.u32 s0;
	s0 =	sadd.s32 $0x1, s0;
	v10 =	vld [tilespmem:s9+$0x0]  }
0x260: {  	p1 =	sne.s32 s1, s0;
	_ =	sdelay $0x3  }
0x261: {  	(v2sf) =	vpush v10, $0x0;
	_ =	sdelay $0xe  }
0x262: {  	s7 =	spop (v2sf)  }
0x263: {  	s10 =	sand.u32 $0xFF, s7;
	s7 =	sshrl.u32 s7, $0x4  }
0x264: {  	v10 =	vmov s10;
	s7 =	sand.u32 $0x3FFF0, s7  }
0x265: {  	v11 =	vshll.u32 v10, $0x3  }
0x266: {  	v10 =	vand.u32 $0x7F, v10;
	v11 =	vand.u32 $0x400, v11  }
0x267: {  	v10 =	vor.u32 v10, v11  }
0x268: {  	p2 =	slt.s32 s4, $0x10;
	v11 =	vor.u32 v3, v10  }
0x269: {  	s10 =	simm.s32 @!p2 $0x5  }
0x26a: {  	s11 =	sshrl.u32 s4, $0x3;
	_ =	swait.ge @!p2 [sflag:s10], $0x80  }
0x26b: {  	s4 =	sand.u32 $0x7, s4;
	s11 =	sand.u32 $0x1, s11;
	[sflag:s10] =	ssyncset.done @!p2 $0x0  }
0x26c: {  	s4 =	sshll.u32 s4, $0x7;
	[sflag:s10] =	ssyncadd.s32 @!p2 $0xFFFFFF80;
	s10 =	sshll.u32 s11, $0xA  }
0x26d: {  	v11 =	vld.idx.msk [tilespmem:v11+s19+$0x0], $0xffff;
	s4 =	sor.u32 s4, s10  }
0x26e: {  	v12 =	vor.u32 s4, v1  }
0x26f: {  	v13 =	vor.u32 v4, v10;
	_ =	sdelay $0x3  }
0x270: {  	[tilespmem:v12+s25+$0x0] =	vst.idx.msk $0xffff, v11  }
0x271: {  	v11 =	vld.idx.msk [tilespmem:v13+s19+$0x0], $0xffff  }
0x272: {  	v12 =	vor.u32 s4, v5  }
0x273: {  	v13 =	vor.u32 v6, v10;
	_ =	sdelay $0x3  }
0x274: {  	[tilespmem:v12+s25+$0x0] =	vst.idx.msk $0xffff, v11  }
0x275: {  	v11 =	vld.idx.msk [tilespmem:v13+s19+$0x0], $0xffff  }
0x276: {  	v12 =	vor.u32 s4, v7  }
0x277: {  	v10 =	vor.u32 v8, v10;
	_ =	sdelay $0x3  }
0x278: {  	[tilespmem:v12+s25+$0x0] =	vst.idx.msk $0xffff, v11  }
0x279: {  	v10 =	vld.idx.msk [tilespmem:v10+s19+$0x0], $0xffff  }
0x27a: {  	v11 =	vor.u32 s4, v9  }
.Ltmp36:
0x27b: {  	(pc) =	sbr.rel @p1 .LBB2_51-.Ltmp36, $2  }
0x27c: {  	_ =	sdelay $0x2  }
0x27d: {  	s9 =	sadd.s32 $0x1, s9;
	s7 =	sadd.s32 s8, s7;
	s10 =	sadd.s32 $0x1C100, s4;
	[tilespmem:v11+s25+$0x0] =	vst.idx.msk $0xffff, v10  }
.LBB2_52:
0x27e: {  	[hbm4b:s7+s5] =	stream.linear.scatter [tilespmem:s10], [sflag:$0x5], $0x80, $0x38;
	[tilespmem:$0x1C900] =	vst v63  }
.LBB2_53:
0x27f: {  	_ =	swait.ge [sflag:s28], $0x4000  }
0x280: {  	[sflag:s28] =	ssyncset.done $0x0  }
0x281: {  	[sflag:s28] =	ssyncadd.s32 $0xFFFFC000  }
0x282: {  	s0 =	sld [smem:$0x7B];
	_ =	sdelay $0x2  }
0x283: {  	p1 =	sge.s32 s1, s0  }
.Ltmp37:
0x284: {  	_ = 	snop;
	(pc) =	sbr.rel @p1 .LBB2_57-.Ltmp37, $1  }
0x285: {  	_ =	sdelay $0x3  }
0x286: {  	s4 =	sshll.u32 s1, $0x2  }
0x287: {  	s4 =	sshra.s32 s4, $0x2  }
0x288: {  	s4 =	sadd.s32 $0x8080, s4  }
0x289: {  	v10 =	vld [tilespmem:s4+$0x0];
	_ =	sdelay $0x4  }
0x28a: {  	(v2sf) =	vpush v10, $0x0;
	_ =	sdelay $0xe  }
0x28b: {  	s7 =	spop (v2sf)  }
0x28c: {  	s9 =	sand.u32 $0xFF, s7  }
0x28d: {  	v10 =	vmov s9  }
0x28e: {  	v11 =	vshll.u32 v10, $0x3  }
0x28f: {  	v10 =	vand.u32 $0x7F, v10;
	v11 =	vand.u32 $0x400, v11  }
0x290: {  	v10 =	vor.u32 v10, v11  }
0x291: {  	p1 =	slt.s32 s1, $0x10;
	v11 =	vor.u32 v3, v10  }
0x292: {  	s10 =	sshrl.u32 s1, $0x3;
	s9 =	simm.s32 @!p1 $0x5  }
0x293: {  	s11 =	sand.u32 $0x7, s1;
	s10 =	sand.u32 $0x1, s10;
	_ =	swait.ge @!p1 [sflag:s9], $0x80  }
0x294: {  	s11 =	sshll.u32 s11, $0x7;
	s10 =	sshll.u32 s10, $0xA;
	[sflag:s9] =	ssyncset.done @!p1 $0x0  }
0x295: {  	s31 =	sor.u32 s11, s10;
	[sflag:s9] =	ssyncadd.s32 @!p1 $0xFFFFFF80  }
0x296: {  	v12 =	vor.u32 s31, v1;
	v11 =	vld.idx.msk [tilespmem:v11+s20+$0x0], $0xffff  }
0x297: {  	v13 =	vor.u32 v4, v10;
	_ =	sdelay $0x3  }
0x298: {  	[tilespmem:v12+s25+$0x0] =	vst.idx.msk $0xffff, v11  }
0x299: {  	v61 =	vor.u32 s31, v5;
	v11 =	vld.idx.msk [tilespmem:v13+s20+$0x0], $0xffff  }
0x29a: {  	v62 =	vor.u32 v6, v10;
	_ =	sdelay $0x3  }
0x29b: {  	[tilespmem:v61+s25+$0x0] =	vst.idx.msk $0xffff, v11  }
0x29c: {  	v63 =	vor.u32 s31, v7;
	v11 =	vld.idx.msk [tilespmem:v62+s20+$0x0], $0xffff  }
0x29d: {  	v10 =	vor.u32 v8, v10;
	_ =	sdelay $0x3  }
0x29e: {  	s1 =	sadd.s32 $0x1, s1;
	[tilespmem:v63+s25+$0x0] =	vst.idx.msk $0xffff, v11  }
0x29f: {  	p1 =	sne.s32 s0, s1;
	v11 =	vor.u32 s31, v9;
	v10 =	vld.idx.msk [tilespmem:v10+s20+$0x0], $0xffff  }
.Ltmp38:
0x2a0: {  	_ = 	snop;
	(pc) =	sbr.rel @!p1 .LBB2_56-.Ltmp38, $4  }
0x2a1: {  	_ = 	snop  }
0x2a2: {  	s7 =	sshrl.u32 s7, $0x4  }
0x2a3: {  	s7 =	sand.u32 $0x3FFF0, s7  }
0x2a4: {  	s10 =	sadd.s32 $0x1C100, s31;
	s7 =	sadd.s32 s8, s7;
	s9 =	sadd.s32 $0x1, s4;
	[tilespmem:v11+s25+$0x0] =	vst.idx.msk $0xffff, v10  }
.LBB2_55:
0x2a5: {  	[hbm4b:s7+s5] =	stream.linear.scatter [tilespmem:s10], [sflag:$0x5], $0x80, $0x38;
	[tilespmem:$0x1C900] =	vst v63  }
0x2a6: {  	s4 =	smov.u32 s1;
	s1 =	sadd.s32 $0x1, s1;
	v10 =	vld [tilespmem:s9+$0x0]  }
0x2a7: {  	p1 =	sne.s32 s0, s1;
	_ =	sdelay $0x3  }
0x2a8: {  	(v2sf) =	vpush v10, $0x0;
	_ =	sdelay $0xe  }
0x2a9: {  	s7 =	spop (v2sf)  }
0x2aa: {  	s10 =	sand.u32 $0xFF, s7;
	s7 =	sshrl.u32 s7, $0x4  }
0x2ab: {  	v10 =	vmov s10;
	s7 =	sand.u32 $0x3FFF0, s7  }
0x2ac: {  	v11 =	vshll.u32 v10, $0x3  }
0x2ad: {  	v10 =	vand.u32 $0x7F, v10;
	v11 =	vand.u32 $0x400, v11  }
0x2ae: {  	v10 =	vor.u32 v10, v11  }
0x2af: {  	p2 =	slt.s32 s4, $0x10;
	v11 =	vor.u32 v3, v10  }
0x2b0: {  	s10 =	simm.s32 @!p2 $0x5  }
0x2b1: {  	s11 =	sshrl.u32 s4, $0x3;
	_ =	swait.ge @!p2 [sflag:s10], $0x80  }
0x2b2: {  	s4 =	sand.u32 $0x7, s4;
	s11 =	sand.u32 $0x1, s11;
	[sflag:s10] =	ssyncset.done @!p2 $0x0  }
0x2b3: {  	s4 =	sshll.u32 s4, $0x7;
	[sflag:s10] =	ssyncadd.s32 @!p2 $0xFFFFFF80;
	s10 =	sshll.u32 s11, $0xA  }
0x2b4: {  	v11 =	vld.idx.msk [tilespmem:v11+s20+$0x0], $0xffff;
	s4 =	sor.u32 s4, s10  }
0x2b5: {  	v12 =	vor.u32 s4, v1  }
0x2b6: {  	v13 =	vor.u32 v4, v10;
	_ =	sdelay $0x3  }
0x2b7: {  	[tilespmem:v12+s25+$0x0] =	vst.idx.msk $0xffff, v11  }
0x2b8: {  	v11 =	vld.idx.msk [tilespmem:v13+s20+$0x0], $0xffff  }
0x2b9: {  	v12 =	vor.u32 s4, v5  }
0x2ba: {  	v13 =	vor.u32 v6, v10;
	_ =	sdelay $0x3  }
0x2bb: {  	[tilespmem:v12+s25+$0x0] =	vst.idx.msk $0xffff, v11  }
0x2bc: {  	v11 =	vld.idx.msk [tilespmem:v13+s20+$0x0], $0xffff  }
0x2bd: {  	v12 =	vor.u32 s4, v7  }
0x2be: {  	v10 =	vor.u32 v8, v10;
	_ =	sdelay $0x3  }
0x2bf: {  	[tilespmem:v12+s25+$0x0] =	vst.idx.msk $0xffff, v11  }
0x2c0: {  	v10 =	vld.idx.msk [tilespmem:v10+s20+$0x0], $0xffff  }
0x2c1: {  	v11 =	vor.u32 s4, v9  }
.Ltmp39:
0x2c2: {  	(pc) =	sbr.rel @p1 .LBB2_55-.Ltmp39, $2  }
0x2c3: {  	_ =	sdelay $0x2  }
0x2c4: {  	s9 =	sadd.s32 $0x1, s9;
	s7 =	sadd.s32 s8, s7;
	s10 =	sadd.s32 $0x1C100, s4;
	[tilespmem:v11+s25+$0x0] =	vst.idx.msk $0xffff, v10  }
.LBB2_56:
0x2c5: {  	[hbm4b:s7+s5] =	stream.linear.scatter [tilespmem:s10], [sflag:$0x5], $0x80, $0x38;
	[tilespmem:$0x1C900] =	vst v63  }
.LBB2_57:
0x2c6: {  	_ =	swait.ge [sflag:s29], $0x4000  }
0x2c7: {  	[sflag:s29] =	ssyncset.done $0x0  }
0x2c8: {  	[sflag:s29] =	ssyncadd.s32 $0xFFFFC000  }
0x2c9: {  	s1 =	sld [smem:$0x7C];
	_ =	sdelay $0x2  }
0x2ca: {  	p1 =	sge.s32 s0, s1  }
.Ltmp40:
0x2cb: {  	_ = 	snop;
	(pc) =	sbr.rel @p1 .LBB2_61-.Ltmp40, $1  }
0x2cc: {  	_ =	sdelay $0x3  }
0x2cd: {  	s4 =	sshll.u32 s0, $0x2  }
0x2ce: {  	s4 =	sshra.s32 s4, $0x2  }
0x2cf: {  	s4 =	sadd.s32 $0x8080, s4  }
0x2d0: {  	v10 =	vld [tilespmem:s4+$0x0];
	_ =	sdelay $0x4  }
0x2d1: {  	(v2sf) =	vpush v10, $0x0;
	_ =	sdelay $0xe  }
0x2d2: {  	s7 =	spop (v2sf)  }
0x2d3: {  	s9 =	sand.u32 $0xFF, s7  }
0x2d4: {  	v10 =	vmov s9  }
0x2d5: {  	v11 =	vshll.u32 v10, $0x3  }
0x2d6: {  	v10 =	vand.u32 $0x7F, v10;
	v11 =	vand.u32 $0x400, v11  }
0x2d7: {  	v10 =	vor.u32 v10, v11  }
0x2d8: {  	p1 =	slt.s32 s0, $0x10;
	v11 =	vor.u32 v3, v10  }
0x2d9: {  	s10 =	sshrl.u32 s0, $0x3;
	s9 =	simm.s32 @!p1 $0x5  }
0x2da: {  	s11 =	sand.u32 $0x7, s0;
	s10 =	sand.u32 $0x1, s10;
	_ =	swait.ge @!p1 [sflag:s9], $0x80  }
0x2db: {  	s11 =	sshll.u32 s11, $0x7;
	s10 =	sshll.u32 s10, $0xA;
	[sflag:s9] =	ssyncset.done @!p1 $0x0  }
0x2dc: {  	s31 =	sor.u32 s11, s10;
	[sflag:s9] =	ssyncadd.s32 @!p1 $0xFFFFFF80  }
0x2dd: {  	v12 =	vor.u32 s31, v1;
	v11 =	vld.idx.msk [tilespmem:v11+s21+$0x0], $0xffff  }
0x2de: {  	v13 =	vor.u32 v4, v10;
	_ =	sdelay $0x3  }
0x2df: {  	[tilespmem:v12+s25+$0x0] =	vst.idx.msk $0xffff, v11  }
0x2e0: {  	v61 =	vor.u32 s31, v5;
	v11 =	vld.idx.msk [tilespmem:v13+s21+$0x0], $0xffff  }
0x2e1: {  	v62 =	vor.u32 v6, v10;
	_ =	sdelay $0x3  }
0x2e2: {  	[tilespmem:v61+s25+$0x0] =	vst.idx.msk $0xffff, v11  }
0x2e3: {  	v63 =	vor.u32 s31, v7;
	v11 =	vld.idx.msk [tilespmem:v62+s21+$0x0], $0xffff  }
0x2e4: {  	v10 =	vor.u32 v8, v10;
	_ =	sdelay $0x3  }
0x2e5: {  	s0 =	sadd.s32 $0x1, s0;
	[tilespmem:v63+s25+$0x0] =	vst.idx.msk $0xffff, v11  }
0x2e6: {  	p1 =	sne.s32 s1, s0;
	v11 =	vor.u32 s31, v9;
	v10 =	vld.idx.msk [tilespmem:v10+s21+$0x0], $0xffff  }
.Ltmp41:
0x2e7: {  	_ = 	snop;
	(pc) =	sbr.rel @!p1 .LBB2_60-.Ltmp41, $4  }
0x2e8: {  	_ = 	snop  }
0x2e9: {  	s7 =	sshrl.u32 s7, $0x4  }
0x2ea: {  	s7 =	sand.u32 $0x3FFF0, s7  }
0x2eb: {  	s10 =	sadd.s32 $0x1C100, s31;
	s7 =	sadd.s32 s8, s7;
	s9 =	sadd.s32 $0x1, s4;
	[tilespmem:v11+s25+$0x0] =	vst.idx.msk $0xffff, v10  }
.LBB2_59:
0x2ec: {  	[hbm4b:s7+s5] =	stream.linear.scatter [tilespmem:s10], [sflag:$0x5], $0x80, $0x38;
	[tilespmem:$0x1C900] =	vst v63  }
0x2ed: {  	s4 =	smov.u32 s0;
	s0 =	sadd.s32 $0x1, s0;
	v10 =	vld [tilespmem:s9+$0x0]  }
0x2ee: {  	p1 =	sne.s32 s1, s0;
	_ =	sdelay $0x3  }
0x2ef: {  	(v2sf) =	vpush v10, $0x0;
	_ =	sdelay $0xe  }
0x2f0: {  	s7 =	spop (v2sf)  }
0x2f1: {  	s10 =	sand.u32 $0xFF, s7;
	s7 =	sshrl.u32 s7, $0x4  }
0x2f2: {  	v10 =	vmov s10;
	s7 =	sand.u32 $0x3FFF0, s7  }
0x2f3: {  	v11 =	vshll.u32 v10, $0x3  }
0x2f4: {  	v10 =	vand.u32 $0x7F, v10;
	v11 =	vand.u32 $0x400, v11  }
0x2f5: {  	v10 =	vor.u32 v10, v11  }
0x2f6: {  	p2 =	slt.s32 s4, $0x10;
	v11 =	vor.u32 v3, v10  }
0x2f7: {  	s10 =	simm.s32 @!p2 $0x5  }
0x2f8: {  	s11 =	sshrl.u32 s4, $0x3;
	_ =	swait.ge @!p2 [sflag:s10], $0x80  }
0x2f9: {  	s4 =	sand.u32 $0x7, s4;
	s11 =	sand.u32 $0x1, s11;
	[sflag:s10] =	ssyncset.done @!p2 $0x0  }
0x2fa: {  	s4 =	sshll.u32 s4, $0x7;
	[sflag:s10] =	ssyncadd.s32 @!p2 $0xFFFFFF80;
	s10 =	sshll.u32 s11, $0xA  }
0x2fb: {  	v11 =	vld.idx.msk [tilespmem:v11+s21+$0x0], $0xffff;
	s4 =	sor.u32 s4, s10  }
0x2fc: {  	v12 =	vor.u32 s4, v1  }
0x2fd: {  	v13 =	vor.u32 v4, v10;
	_ =	sdelay $0x3  }
0x2fe: {  	[tilespmem:v12+s25+$0x0] =	vst.idx.msk $0xffff, v11  }
0x2ff: {  	v11 =	vld.idx.msk [tilespmem:v13+s21+$0x0], $0xffff  }
0x300: {  	v12 =	vor.u32 s4, v5  }
0x301: {  	v13 =	vor.u32 v6, v10;
	_ =	sdelay $0x3  }
0x302: {  	[tilespmem:v12+s25+$0x0] =	vst.idx.msk $0xffff, v11  }
0x303: {  	v11 =	vld.idx.msk [tilespmem:v13+s21+$0x0], $0xffff  }
0x304: {  	v12 =	vor.u32 s4, v7  }
0x305: {  	v10 =	vor.u32 v8, v10;
	_ =	sdelay $0x3  }
0x306: {  	[tilespmem:v12+s25+$0x0] =	vst.idx.msk $0xffff, v11  }
0x307: {  	v10 =	vld.idx.msk [tilespmem:v10+s21+$0x0], $0xffff  }
0x308: {  	v11 =	vor.u32 s4, v9  }
.Ltmp42:
0x309: {  	(pc) =	sbr.rel @p1 .LBB2_59-.Ltmp42, $2  }
0x30a: {  	_ =	sdelay $0x2  }
0x30b: {  	s9 =	sadd.s32 $0x1, s9;
	s7 =	sadd.s32 s8, s7;
	s10 =	sadd.s32 $0x1C100, s4;
	[tilespmem:v11+s25+$0x0] =	vst.idx.msk $0xffff, v10  }
.LBB2_60:
0x30c: {  	[hbm4b:s7+s5] =	stream.linear.scatter [tilespmem:s10], [sflag:$0x5], $0x80, $0x38;
	[tilespmem:$0x1C900] =	vst v63  }
.LBB2_61:
.Ltmp43:
0x30d: {  	(pc) =	sbr.rel @p0 .LBB2_65-.Ltmp43, $2  }
0x30e: {  	_ =	sdelay $0x2  }
0x30f: {  	s1 =	rddreg [dreg:$0xa]  }
0x310: {  	s0 =	smin.u32 s16, $0x10  }
0x311: {  	p0 =	sne.s32 s0, $0x1  }
.Ltmp44:
0x312: {  	_ = 	snop;
	(pc) =	sbr.rel @!p0 .LBB2_64-.Ltmp44, $3  }
0x313: {  	_ =	sdelay $0x1  }
0x314: {  	_ =	swait.ge [sflag:s30], $0x80  }
0x315: {  	s0 =	sadd.s32 $0xFFFFFFFF, s0;
	[sflag:s30] =	ssyncset.done $0x0  }
.LBB2_63:
0x316: {  	p0 =	sne.s32 s0, $0x1;
	s0 =	sadd.s32 $0xFFFFFFFF, s0;
	[sflag:s30] =	ssyncadd.s32 $0xFFFFFF80  }
.Ltmp45:
0x317: {  	(pc) =	sbr.rel @p0 .LBB2_63-.Ltmp45, $3  }
0x318: {  	_ =	sdelay $0x1  }
0x319: {  	_ =	swait.ge [sflag:s30], $0x80  }
0x31a: {  	[sflag:s30] =	ssyncset.done $0x0  }
.Ltmp46:
0x31b: {  	_ = 	snop;
	(pc) =	sbr.rel .LBB2_64-.Ltmp46, $1  }
0x31c: {  	_ =	sdelay $0x3  }
.LBB2_2:
.Ltmp47:
0x31d: {  	(pc) =	sbr.rel .LBB2_7-.Ltmp47, $2  }
0x31e: {  	_ =	sdelay $0x2  }
0x31f: {  	s1 =	simm.s32 $0x0  }
.LBB2_4:
.Ltmp48:
0x320: {  	(pc) =	sbr.rel .LBB2_7-.Ltmp48, $2  }
0x321: {  	_ =	sdelay $0x2  }
0x322: {  	s1 =	simm.s32 $0x0  }
.LBB2_11:
.Ltmp49:
0x323: {  	(pc) =	sbr.rel .LBB2_20-.Ltmp49, $2  }
0x324: {  	_ =	sdelay $0x2  }
0x325: {  	_ = 	snop  }
.LBB2_13:
.Ltmp50:
0x326: {  	(pc) =	sbr.rel .LBB2_20-.Ltmp50, $2  }
0x327: {  	_ =	sdelay $0x2  }
0x328: {  	_ = 	snop  }
.LBB2_15:
.Ltmp51:
0x329: {  	(pc) =	sbr.rel .LBB2_20-.Ltmp51, $2  }
0x32a: {  	_ =	sdelay $0x3  }
0x32b: {  	_ = 	snop  }
.LBB2_17:
.Ltmp52:
0x32c: {  	(pc) =	sbr.rel .LBB2_20-.Ltmp52, $1  }
0x32d: {  	_ =	sdelay $0x3  }
.LBB2_66:
0x32e: {  	_ =	sfence.sel $0x180000  }
0x32f: {  	[bflag:$0x0] =	sbarrier.arrive $0xFFFF  }
0x330: {  	_ =	strace $0x90000047  }
0x331: {  	s0 =	stileid.u32;
	[bflag:$0x2] =	sbarrier.arrive $0xFFFF  }
0x332: {  	p0 =	sne.s32 s0, $0x0;
	s0 =	rddreg [dreg:$0x4]  }
0x333: {  	s0 =	sadd.s32 @!p0 $0x100000, s0  }
0x334: {  	[sflag:s0] =	ssyncadd.tile.s32 @!p0 $0x1;
	_ =	shalt  }
.Lfunc_end2:
_tile_overlayer_lowered:
.L_overlay_start_2:
0x335: {  	(tag) =	ssettag $0x2  }
0x336: {  	s0 =	rddreg [dreg:$0x0];
	s2 =	stileid.u32  }
0x337: {  	s1 =	rddreg [dreg:$0x1];
	p0 =	sne.s32 s2, $0x0  }
0x338: {  	s3 =	rddreg [dreg:$0x2];
	[bflag:$0x3] =	sbarrier.arrive $0xFFFF;
	s2 =	simm.s32 @!p0 $0x1C06  }
0x339: {  	[timem:s3], [sflag:s2] =	dma.local @!p0 [hbm:s0], s1  }
0x33a: {  	s0 =	simm.s32 @!p0 $0x6  }
0x33b: {  	_ =	swait.ge @!p0 [sflag:s0], s1  }
0x33c: {  	s1 =	ssub.s32 @!p0 $0x0, s1;
	[sflag:s0] =	ssyncset.done @!p0 $0x0  }
0x33d: {  	[sflag:s0] =	ssyncadd.s32 @!p0 s1  }
0x33e: {  	[bflag:$0x3] =	sbarrier.arrive $0xFFFF  }
0x33f: {  	_ =	shalt  }

</sc_bundles>
